<compile_context>
chip_gen: v7x
topology: tpu7x:2x2x1
jax: 0.10.2.dev20260603
libtpu: 0.0.44.dev20260713+nightly
codegen_flags: <defaults>
</compile_context>

<pallas_src>
import functools

import jax
import jax.numpy as jnp
from jax import lax
from jax.experimental import pallas as pl
from jax.experimental.pallas import tpu as pltpu
from jax.experimental.pallas import tpu_sc as plsc

N = 10000
E = 320000
D = 128
DH = D // 2
NC = 2
NS = 16
NW = NC * NS
EPW = E // NW
CHUNK = 125
NCH = EPW // CHUNK
NBUF = 5
LEAD = 3
NPAD = 10240
RPT = NPAD // NS
ZROWS = 64

_mesh = plsc.VectorSubcoreMesh(core_axis_name="c", subcore_axis_name="s")


def _worker_id():
    return lax.axis_index("c") * NS + lax.axis_index("s")


def _zero_fill(zbuf, rows, cols):
    def body(i, _):
        r = i // (cols // 16)
        c0 = (i % (cols // 16)) * 16
        zbuf[r, pl.ds(c0, 16)] = jnp.zeros((16,), jnp.float32)
        return 0
    lax.fori_loop(0, rows * (cols // 16), body, 0)


@functools.partial(
    pl.kernel,
    out_type=(jax.ShapeDtypeStruct((NPAD,), jnp.float32),
              jax.ShapeDtypeStruct((NPAD,), jnp.float32)),
    mesh=_mesh,
    scratch_types=[
        pltpu.VMEM((NCH, CHUNK), jnp.int32),
        pltpu.VMEM((128,), jnp.float32),
        pltpu.VMEM((RPT,), jnp.float32),
        pltpu.VMEM_SHARED((NPAD,), jnp.float32),
        pltpu.SemaphoreType.DMA,
    ],
)
def _deg_kernel(ei_hbm, deg0_hbm, deg1_hbm, didx, ones, zbuf, acc, sem):
    c = lax.axis_index("c")
    s = lax.axis_index("s")
    w = _worker_id()

    def fill_z(i, _):
        zbuf[pl.ds(i * 16, 16)] = jnp.zeros((16,), jnp.float32)
        return 0
    lax.fori_loop(0, RPT // 16, fill_z, 0)

    def fill_ones(i, _):
        ones[pl.ds(i * 16, 16)] = jnp.full((16,), 1.0, jnp.float32)
        return 0
    lax.fori_loop(0, 8, fill_ones, 0)

    pltpu.sync_copy(ei_hbm.at[1, w], didx)
    pltpu.sync_copy(zbuf, acc.at[pl.ds(s * RPT, RPT)])
    plsc.subcore_barrier()

    def fire(j, _):
        pltpu.async_copy(ones.at[pl.ds(0, CHUNK)], acc.at[didx.at[j]], sem,
                         add=True)
        return 0
    lax.fori_loop(0, NCH, fire, 0)

    def drain(j, _):
        pltpu.make_async_copy(ones.at[pl.ds(0, CHUNK)], acc.at[didx.at[0]],
                              sem).wait()
        return 0
    lax.fori_loop(0, NCH, drain, 0)
    plsc.subcore_barrier()

    @pl.when(c == 0)
    def _():
        pltpu.sync_copy(acc.at[pl.ds(s * RPT, RPT)],
                        deg0_hbm.at[pl.ds(s * RPT, RPT)])

    @pl.when(c == 1)
    def _():
        pltpu.sync_copy(acc.at[pl.ds(s * RPT, RPT)],
                        deg1_hbm.at[pl.ds(s * RPT, RPT)])


@functools.partial(
    pl.kernel,
    out_type=(jax.ShapeDtypeStruct((NPAD, D), jnp.float32),
              jax.ShapeDtypeStruct((NPAD, D), jnp.float32)),
    mesh=_mesh,
    scratch_types=[
        pltpu.VMEM((NCH, CHUNK), jnp.int32),
        pltpu.VMEM((NCH, CHUNK), jnp.int32),
        pltpu.VMEM((NBUF, CHUNK, DH), jnp.float32),
        pltpu.VMEM((ZROWS, DH), jnp.float32),
        pltpu.VMEM_SHARED((NPAD, DH), jnp.float32),
        [pltpu.SemaphoreType.DMA] * NBUF,
        [pltpu.SemaphoreType.DMA] * NBUF,
    ],
    compiler_params=pltpu.CompilerParams(use_tc_tiling_on_sc=False),
)
def _agg_kernel(hsa_hbm, hsb_hbm, ei_hbm, o0_hbm, o1_hbm,
                sidx, didx, bufs, zbuf, acc, gsems, ssems):
    c = lax.axis_index("c")
    s = lax.axis_index("s")
    w = _worker_id()

    _zero_fill(zbuf, ZROWS, DH)
    pltpu.sync_copy(ei_hbm.at[0, w], sidx)
    pltpu.sync_copy(ei_hbm.at[1, w], didx)

    for hs_hbm, col0 in ((hsa_hbm, 0), (hsb_hbm, DH)):
        def zero_acc(k, _):
            pltpu.sync_copy(zbuf, acc.at[pl.ds(s * RPT + k * ZROWS, ZROWS)])
            return 0
        lax.fori_loop(0, RPT // ZROWS, zero_acc, 0)
        plsc.subcore_barrier()

        for b in range(LEAD):
            pltpu.async_copy(hs_hbm.at[sidx.at[b]], bufs.at[b], gsems[b])

        def body(jj, _):
            for b in range(NBUF):
                j = jj * NBUF + b
                bg = (b + LEAD) % NBUF

                @pl.when(j - (NBUF - LEAD) >= 0)
                def _():
                    pltpu.make_async_copy(bufs.at[bg],
                                          acc.at[didx.at[0]],
                                          ssems[bg]).wait()

                @pl.when(j + LEAD < NCH)
                def _():
                    pltpu.async_copy(hs_hbm.at[sidx.at[j + LEAD]],
                                     bufs.at[bg], gsems[bg])

                pltpu.make_async_copy(hs_hbm.at[sidx.at[j]], bufs.at[b],
                                      gsems[b]).wait()
                pltpu.async_copy(bufs.at[b], acc.at[didx.at[j]], ssems[b],
                                 add=True)
            return 0
        lax.fori_loop(0, NCH // NBUF, body, 0)

        for j in range(NCH - (NBUF - LEAD), NCH):
            b = j % NBUF
            pltpu.make_async_copy(bufs.at[b], acc.at[didx.at[0]],
                                  ssems[b]).wait()
        plsc.subcore_barrier()

        @pl.when(c == 0)
        def _():
            pltpu.sync_copy(acc.at[pl.ds(s * RPT, RPT)],
                            o0_hbm.at[pl.ds(s * RPT, RPT), pl.ds(col0, DH)])

        @pl.when(c == 1)
        def _():
            pltpu.sync_copy(acc.at[pl.ds(s * RPT, RPT)],
                            o1_hbm.at[pl.ds(s * RPT, RPT), pl.ds(col0, DH)])


_RB = 1024
_NB = (N + _RB - 1) // _RB


def _dis_col(d0_ref, d1_ref):
    deg = d0_ref[...] + d1_ref[...] + 1.0
    dis = lax.rsqrt(deg)
    r = lax.broadcasted_iota(jnp.int32, (_RB, _RB), 0)
    c = lax.broadcasted_iota(jnp.int32, (_RB, _RB), 1)
    ident = jnp.where(r == c, 1.0, 0.0).astype(jnp.float32)
    return lax.dot_general(ident, dis, (((1,), (1,)), ((), ())),
                           preferred_element_type=jnp.float32)


def _t1_body(x_ref, w_ref, d0_ref, d1_ref, b_ref, hsa_ref, hsb_ref, base_ref):
    h = lax.dot_general(x_ref[...], w_ref[...], (((1,), (1,)), ((), ())),
                        preferred_element_type=jnp.float32)
    dis = _dis_col(d0_ref, d1_ref)
    hs = h * dis
    hsa_ref[...] = hs[:, :DH]
    hsb_ref[...] = hs[:, DH:]
    base_ref[...] = h * (dis * dis) + b_ref[...]


def _t2_body(o0_ref, o1_ref, d0_ref, d1_ref, base_ref, y_ref):
    dis = _dis_col(d0_ref, d1_ref)
    y_ref[...] = (o0_ref[...] + o1_ref[...]) * dis + base_ref[...]


def _t1(x, W, d0, d1, b2):
    return pl.pallas_call(
        _t1_body,
        out_shape=(jax.ShapeDtypeStruct((N, DH), jnp.float32),
                   jax.ShapeDtypeStruct((N, DH), jnp.float32),
                   jax.ShapeDtypeStruct((N, D), jnp.float32)),
        grid=(_NB,),
        in_specs=[
            pl.BlockSpec((_RB, D), lambda i: (i, 0)),
            pl.BlockSpec((D, D), lambda i: (0, 0)),
            pl.BlockSpec((1, _RB), lambda i: (0, i)),
            pl.BlockSpec((1, _RB), lambda i: (0, i)),
            pl.BlockSpec((1, D), lambda i: (0, 0)),
        ],
        out_specs=(pl.BlockSpec((_RB, DH), lambda i: (i, 0)),
                   pl.BlockSpec((_RB, DH), lambda i: (i, 0)),
                   pl.BlockSpec((_RB, D), lambda i: (i, 0))),
    )(x, W, d0, d1, b2)


def _t2(o0, o1, d0, d1, base):
    return pl.pallas_call(
        _t2_body,
        out_shape=jax.ShapeDtypeStruct((N, D), jnp.float32),
        grid=(_NB,),
        in_specs=[
            pl.BlockSpec((_RB, D), lambda i: (i, 0)),
            pl.BlockSpec((_RB, D), lambda i: (i, 0)),
            pl.BlockSpec((1, _RB), lambda i: (0, i)),
            pl.BlockSpec((1, _RB), lambda i: (0, i)),
            pl.BlockSpec((_RB, D), lambda i: (i, 0)),
        ],
        out_specs=pl.BlockSpec((_RB, D), lambda i: (i, 0)),
    )(o0, o1, d0, d1, base)


def kernel(x, edge_index, W, b):
    ei4 = edge_index.astype(jnp.int32).reshape(2, NW, NCH, CHUNK)

    deg0, deg1 = _deg_kernel(ei4)
    d0 = deg0.reshape(1, NPAD)
    d1 = deg1.reshape(1, NPAD)
    b2 = b.reshape(1, D)

    hsa, hsb, base = _t1(x, W, d0, d1, b2)
    o0, o1 = _agg_kernel(hsa, hsb, ei4)
    return _t2(o0, o1, d0, d1, base)

# --- scband reference (transcript-rebuilt; emitter-appended) ---
"""Pipeline reference for scband-patched-graph-conv-66340064854631 (READ-ONLY COPY).

The authoritative reference and input builder live on the scoring server;
editing this copy changes nothing except your own understanding.
"""

import jax, jax.numpy as jnp
import numpy as np

N = 10000
E = 320000
D_IN = 128
D_OUT = 128


def setup_inputs(seed: int = 0) -> dict:
    key = jax.random.key(seed)
    k1, k2, k3 = jax.random.split(key, 3)
    x = jax.random.normal(k1, (N, D_IN), dtype=jnp.float32)
    edge_index = jax.random.randint(k2, (2, E), 0, N, dtype=jnp.int64)
    # Learned linear layer params (torch nn.Linear: y = x @ W.T + b)
    W = jax.random.normal(k3, (D_OUT, D_IN), dtype=jnp.float32) * (1.0 / np.sqrt(D_IN))
    b = jnp.zeros((D_OUT,), dtype=jnp.float32)
    return {"x": x, "edge_index": edge_index, "W": W, "b": b}


def reference(x, edge_index, W, b):
    num_nodes = x.shape[0]
    loop = jnp.arange(num_nodes, dtype=edge_index.dtype)
    self_loops = jnp.stack([loop, loop], axis=0)
    edge_index_loop = jnp.concatenate([edge_index, self_loops], axis=1)
    src = edge_index_loop[0]
    dst = edge_index_loop[1]
    deg = jnp.zeros((num_nodes,), dtype=x.dtype).at[dst].add(
        jnp.ones((src.shape[0],), dtype=x.dtype))
    safe_deg = jnp.where(deg > 0, deg, jnp.ones_like(deg))
    deg_inv_sqrt = jnp.where(deg > 0, jax.lax.rsqrt(safe_deg), jnp.zeros_like(deg))
    norm = jnp.take(deg_inv_sqrt, src, axis=0) * jnp.take(deg_inv_sqrt, dst, axis=0)
    gathered = jnp.take(x, src, axis=0) * norm[:, None]
    out = jnp.zeros_like(x).at[dst].add(gathered)
    return out @ W.T + b

if __name__ == "__main__":
    import jax
    _d = setup_inputs()
    print(jax.jit(kernel)(*tuple(_d.values())))

</pallas_src>

<mosaic_0001>
#map = affine_map<(d0, d1) -> (0, 0)>
#map1 = affine_map<(d0, d1) -> (0, 0, 0, 0)>
module attributes {stable_mosaic.version = 14 : i64} {
  func.func @_agg_kernel(%arg0: i32, %arg1: i32, %arg2: memref<10000x64xf32, #tpu.memory_space<hbm>>, %arg3: memref<10000x64xf32, #tpu.memory_space<hbm>>, %arg4: memref<2x32x80x125xi32, #tpu.memory_space<hbm>>, %arg5: memref<10240x128xf32, #tpu.memory_space<hbm>>, %arg6: memref<10240x128xf32, #tpu.memory_space<hbm>>, %arg7: memref<80x125xi32, #tpu.memory_space<vmem>>, %arg8: memref<80x125xi32, #tpu.memory_space<vmem>>, %arg9: memref<5x125x64xf32, #tpu.memory_space<vmem>>, %arg10: memref<64x64xf32, #tpu.memory_space<vmem>>, %arg11: memref<10240x64xf32, #tpu.memory_space<vmem_shared>>, %arg12: memref<!tpu.dma_semaphore, #tpu.memory_space<semaphore_mem>>, %arg13: memref<!tpu.dma_semaphore, #tpu.memory_space<semaphore_mem>>, %arg14: memref<!tpu.dma_semaphore, #tpu.memory_space<semaphore_mem>>, %arg15: memref<!tpu.dma_semaphore, #tpu.memory_space<semaphore_mem>>, %arg16: memref<!tpu.dma_semaphore, #tpu.memory_space<semaphore_mem>>, %arg17: memref<!tpu.dma_semaphore, #tpu.memory_space<semaphore_mem>>, %arg18: memref<!tpu.dma_semaphore, #tpu.memory_space<semaphore_mem>>, %arg19: memref<!tpu.dma_semaphore, #tpu.memory_space<semaphore_mem>>, %arg20: memref<!tpu.dma_semaphore, #tpu.memory_space<semaphore_mem>>, %arg21: memref<!tpu.dma_semaphore, #tpu.memory_space<semaphore_mem>>) attributes {dimension_semantics = [#tpu.dimension_semantics<core_parallel>, #tpu.dimension_semantics<subcore_parallel>], iteration_bounds = array<i64: 2, 16>, scalar_prefetch = 0 : i64, scratch_operands = 15 : i64, tpu.core_type = #tpu.core_type<sc_vector_subcore>, window_params = [{transform_indices = #map}, {transform_indices = #map}, {transform_indices = #map1}, {transform_indices = #map}, {transform_indices = #map}]} {
    %mul3A = arith.constant 16 : i32
    %mul3A_0 = arith.muli %arg0, %mul3A : i32
    %add3A = arith.addi %mul3A_0, %arg1 : i32
    %scan3A = arith.constant 0 : i32
    %scan3A_1 = arith.constant 0 : i32
    %scan3A_2 = arith.constant 256 : i32
    %scan3A_3 = arith.addi %scan3A_1, %scan3A_2 : i32
    %scan3A_4 = arith.constant 1 : i32
    %scan3A_5 = scf.for %scan3A_174 = %scan3A_1 to %scan3A_3 step %scan3A_4 iter_args(%scan3A_175 = %scan3A) -> (i32)  : i32 {
      %jit3A = arith.constant 4 : i32
      %div3A = arith.divsi %scan3A_174, %jit3A : i32
      %sign3A = arith.constant 0 : i32
      %sign3A_176 = arith.cmpi sgt, %scan3A_174, %sign3A : i32
      %sign3A_177 = arith.extui %sign3A_176 : i1 to i32
      %sign3A_178 = arith.constant 0 : i32
      %sign3A_179 = arith.cmpi slt, %scan3A_174, %sign3A_178 : i32
      %sign3A_180 = arith.extui %sign3A_179 : i1 to i32
      %sign3A_181 = arith.subi %sign3A_177, %sign3A_180 : i32
      %sign3A_182 = arith.constant 0 : i32
      %sign3A_183 = arith.cmpi sgt, %jit3A, %sign3A_182 : i32
      %sign3A_184 = arith.extui %sign3A_183 : i1 to i32
      %sign3A_185 = arith.constant 0 : i32
      %sign3A_186 = arith.cmpi slt, %jit3A, %sign3A_185 : i32
      %sign3A_187 = arith.extui %sign3A_186 : i1 to i32
      %sign3A_188 = arith.subi %sign3A_184, %sign3A_187 : i32
      %ne3A = arith.cmpi ne, %sign3A_181, %sign3A_188 : i32
      %rem3A = arith.remsi %scan3A_174, %jit3A : i32
      %ne3A_189 = arith.constant 0 : i32
      %ne3A_190 = arith.cmpi ne, %rem3A, %ne3A_189 : i32
      %and3A = arith.andi %ne3A, %ne3A_190 : i1
      %sub3A = arith.constant 1 : i32
      %sub3A_191 = arith.subi %div3A, %sub3A : i32
      %select_n3A = arith.select %and3A, %sub3A_191, %div3A : i32
      %jit3A_192 = arith.constant 4 : i32
      %eq3A_193 = arith.constant 0 : i32
      %eq3A_194 = arith.cmpi eq, %jit3A_192, %eq3A_193 : i32
      %jit3A_195 = arith.constant 1 : i32
      %select_n3A_196 = arith.select %eq3A_194, %jit3A_195, %jit3A_192 : i32
      %rem3A_197 = arith.remsi %scan3A_174, %select_n3A_196 : i32
      %ne3A_198 = arith.constant 0 : i32
      %ne3A_199 = arith.cmpi ne, %rem3A_197, %ne3A_198 : i32
      %lt3A = arith.constant 0 : i32
      %lt3A_200 = arith.cmpi slt, %rem3A_197, %lt3A : i32
      %lt3A_201 = arith.constant 0 : i32
      %lt3A_202 = arith.cmpi slt, %select_n3A_196, %lt3A_201 : i32
      %ne3A_203 = arith.xori %lt3A_200, %lt3A_202 : i1
      %and3A_204 = arith.andi %ne3A_203, %ne3A_199 : i1
      %add3A_205 = arith.addi %rem3A_197, %select_n3A_196 : i32
      %select_n3A_206 = arith.select %and3A_204, %add3A_205, %rem3A_197 : i32
      %mul3A_207 = arith.constant 16 : i32
      %mul3A_208 = arith.muli %select_n3A_206, %mul3A_207 : i32
      %broadcast_in_dim3A = arith.constant 0.000000e+00 : f32
      %broadcast_in_dim3A_209 = vector.broadcast %broadcast_in_dim3A : f32 to vector<16xf32>
      %swap3A = arith.index_cast %select_n3A : i32 to index
      %swap3A_210 = arith.index_cast %mul3A_208 : i32 to index
      %swap3A_211 = tpu.vector_load %arg10[%swap3A, %swap3A_210] {strides = array<i32>} : memref<64x64xf32, #tpu.memory_space<vmem>>, vector<1x16xf32>,
      %swap3A_212 = vector.shape_cast %swap3A_211 : vector<1x16xf32> to vector<16xf32>
      %swap3A_213 = vector.shape_cast %broadcast_in_dim3A_209 : vector<16xf32> to vector<1x16xf32>
      tpu.vector_store %arg10[%swap3A, %swap3A_210], %swap3A_213 {strides = array<i32>} : memref<64x64xf32, #tpu.memory_space<vmem>>, vector<1x16xf32>,
      %scan3A_214 = arith.constant 0 : i32
      scf.yield %scan3A_214 : i32
    }
    %scan3A_6 = arith.constant 256 : i32
    %run_scoped3A = arith.constant 0 : i32
    "tpu.region"() ({
      %run_scoped3A_174 = tpu.sem_alloc : memref<!tpu.dma_semaphore, #tpu.memory_space<semaphore_mem>>
      %dma_start3A_175 = arith.constant 0 : i32
      %dma_start3A_176 = arith.constant 0 : i32
      %dma_start3A_177 = tpu.memref_slice %arg4[%run_scoped3A, %add3A, %dma_start3A_175, %dma_start3A_176] : memref<2x32x80x125xi32, #tpu.memory_space<hbm>> -> memref<1x1x80x125xi32, #tpu.memory_space<hbm>>
      %dma_start3A_178 = tpu.memref_squeeze %dma_start3A_177 : memref<1x1x80x125xi32, #tpu.memory_space<hbm>> -> memref<80x125xi32, #tpu.memory_space<hbm>>
      %dma_start3A_179 = arith.constant 0 : i32
      %dma_start3A_180 = arith.constant 0 : i32
      %dma_start3A_181 = tpu.memref_slice %arg4[%run_scoped3A, %add3A, %dma_start3A_179, %dma_start3A_180] : memref<2x32x80x125xi32, #tpu.memory_space<hbm>> -> memref<1x1x80x125xi32, #tpu.memory_space<hbm>>
      %dma_start3A_182 = tpu.memref_squeeze %dma_start3A_181 : memref<1x1x80x125xi32, #tpu.memory_space<hbm>> -> memref<80x125xi32, #tpu.memory_space<hbm>>
      tpu.enqueue_dma source(%dma_start3A_182 : memref<80x125xi32, #tpu.memory_space<hbm>>) target(%arg7 : memref<80x125xi32, #tpu.memory_space<vmem>>) target_semaphore(%run_scoped3A_174 : memref<!tpu.dma_semaphore, #tpu.memory_space<semaphore_mem>>)
      %dma_wait3A_183 = arith.constant 0 : i32
      %dma_wait3A_184 = arith.constant 0 : i32
      %dma_wait3A_185 = tpu.memref_slice %arg4[%run_scoped3A, %add3A, %dma_wait3A_183, %dma_wait3A_184] : memref<2x32x80x125xi32, #tpu.memory_space<hbm>> -> memref<1x1x80x125xi32, #tpu.memory_space<hbm>>
      %dma_wait3A_186 = tpu.memref_squeeze %dma_wait3A_185 : memref<1x1x80x125xi32, #tpu.memory_space<hbm>> -> memref<80x125xi32, #tpu.memory_space<hbm>>
      %dma_wait3A_187 = arith.constant 0 : i32
      %dma_wait3A_188 = arith.constant 0 : i32
      %dma_wait3A_189 = tpu.memref_slice %arg4[%run_scoped3A, %add3A, %dma_wait3A_187, %dma_wait3A_188] : memref<2x32x80x125xi32, #tpu.memory_space<hbm>> -> memref<1x1x80x125xi32, #tpu.memory_space<hbm>>
      %dma_wait3A_190 = tpu.memref_squeeze %dma_wait3A_189 : memref<1x1x80x125xi32, #tpu.memory_space<hbm>> -> memref<80x125xi32, #tpu.memory_space<hbm>>
      tpu.wait_dma2 semaphore(%run_scoped3A_174 : memref<!tpu.dma_semaphore, #tpu.memory_space<semaphore_mem>>) src(%dma_wait3A_190 : memref<80x125xi32, #tpu.memory_space<hbm>>) dst(%arg7 : memref<80x125xi32, #tpu.memory_space<vmem>>)
      tpu.yield
    }) : () -> ()
    %run_scoped3A_7 = arith.constant 1 : i32
    "tpu.region"() ({
      %run_scoped3A_174 = tpu.sem_alloc : memref<!tpu.dma_semaphore, #tpu.memory_space<semaphore_mem>>
      %dma_start3A_175 = arith.constant 0 : i32
      %dma_start3A_176 = arith.constant 0 : i32
      %dma_start3A_177 = tpu.memref_slice %arg4[%run_scoped3A_7, %add3A, %dma_start3A_175, %dma_start3A_176] : memref<2x32x80x125xi32, #tpu.memory_space<hbm>> -> memref<1x1x80x125xi32, #tpu.memory_space<hbm>>
      %dma_start3A_178 = tpu.memref_squeeze %dma_start3A_177 : memref<1x1x80x125xi32, #tpu.memory_space<hbm>> -> memref<80x125xi32, #tpu.memory_space<hbm>>
      %dma_start3A_179 = arith.constant 0 : i32
      %dma_start3A_180 = arith.constant 0 : i32
      %dma_start3A_181 = tpu.memref_slice %arg4[%run_scoped3A_7, %add3A, %dma_start3A_179, %dma_start3A_180] : memref<2x32x80x125xi32, #tpu.memory_space<hbm>> -> memref<1x1x80x125xi32, #tpu.memory_space<hbm>>
      %dma_start3A_182 = tpu.memref_squeeze %dma_start3A_181 : memref<1x1x80x125xi32, #tpu.memory_space<hbm>> -> memref<80x125xi32, #tpu.memory_space<hbm>>
      tpu.enqueue_dma source(%dma_start3A_182 : memref<80x125xi32, #tpu.memory_space<hbm>>) target(%arg8 : memref<80x125xi32, #tpu.memory_space<vmem>>) target_semaphore(%run_scoped3A_174 : memref<!tpu.dma_semaphore, #tpu.memory_space<semaphore_mem>>)
      %dma_wait3A_183 = arith.constant 0 : i32
      %dma_wait3A_184 = arith.constant 0 : i32
      %dma_wait3A_185 = tpu.memref_slice %arg4[%run_scoped3A_7, %add3A, %dma_wait3A_183, %dma_wait3A_184] : memref<2x32x80x125xi32, #tpu.memory_space<hbm>> -> memref<1x1x80x125xi32, #tpu.memory_space<hbm>>
      %dma_wait3A_186 = tpu.memref_squeeze %dma_wait3A_185 : memref<1x1x80x125xi32, #tpu.memory_space<hbm>> -> memref<80x125xi32, #tpu.memory_space<hbm>>
      %dma_wait3A_187 = arith.constant 0 : i32
      %dma_wait3A_188 = arith.constant 0 : i32
      %dma_wait3A_189 = tpu.memref_slice %arg4[%run_scoped3A_7, %add3A, %dma_wait3A_187, %dma_wait3A_188] : memref<2x32x80x125xi32, #tpu.memory_space<hbm>> -> memref<1x1x80x125xi32, #tpu.memory_space<hbm>>
      %dma_wait3A_190 = tpu.memref_squeeze %dma_wait3A_189 : memref<1x1x80x125xi32, #tpu.memory_space<hbm>> -> memref<80x125xi32, #tpu.memory_space<hbm>>
      tpu.wait_dma2 semaphore(%run_scoped3A_174 : memref<!tpu.dma_semaphore, #tpu.memory_space<semaphore_mem>>) src(%dma_wait3A_190 : memref<80x125xi32, #tpu.memory_space<hbm>>) dst(%arg8 : memref<80x125xi32, #tpu.memory_space<vmem>>)
      tpu.yield
    }) : () -> ()
    %scan3A_8 = arith.constant 0 : i32
    %scan3A_9 = arith.constant 0 : i32
    %scan3A_10 = arith.constant 10 : i32
    %scan3A_11 = arith.addi %scan3A_9, %scan3A_10 : i32
    %scan3A_12 = arith.constant 1 : i32
    %scan3A_13 = scf.for %scan3A_174 = %scan3A_9 to %scan3A_11 step %scan3A_12 iter_args(%scan3A_175 = %scan3A_8) -> (i32)  : i32 {
      %mul3A_176 = arith.constant 640 : i32
      %mul3A_177 = arith.muli %arg1, %mul3A_176 : i32
      %mul3A_178 = arith.constant 64 : i32
      %mul3A_179 = arith.muli %scan3A_174, %mul3A_178 : i32
      %add3A_180 = arith.addi %mul3A_177, %mul3A_179 : i32
      "tpu.region"() ({
        %run_scoped3A_182 = tpu.sem_alloc : memref<!tpu.dma_semaphore, #tpu.memory_space<semaphore_mem>>
        %dma_start3A_183 = arith.constant 0 : i32
        %dma_start3A_184 = tpu.memref_slice %arg11[%add3A_180, %dma_start3A_183] : memref<10240x64xf32, #tpu.memory_space<vmem_shared>> -> memref<64x64xf32, #tpu.memory_space<vmem_shared>>
        %dma_start3A_185 = arith.constant 0 : i32
        %dma_start3A_186 = tpu.memref_slice %arg11[%add3A_180, %dma_start3A_185] : memref<10240x64xf32, #tpu.memory_space<vmem_shared>> -> memref<64x64xf32, #tpu.memory_space<vmem_shared>>
        tpu.enqueue_dma source(%arg10 : memref<64x64xf32, #tpu.memory_space<vmem>>) target(%dma_start3A_186 : memref<64x64xf32, #tpu.memory_space<vmem_shared>>) target_semaphore(%run_scoped3A_182 : memref<!tpu.dma_semaphore, #tpu.memory_space<semaphore_mem>>)
        %dma_wait3A_187 = arith.constant 0 : i32
        %dma_wait3A_188 = tpu.memref_slice %arg11[%add3A_180, %dma_wait3A_187] : memref<10240x64xf32, #tpu.memory_space<vmem_shared>> -> memref<64x64xf32, #tpu.memory_space<vmem_shared>>
        %dma_wait3A_189 = arith.constant 0 : i32
        %dma_wait3A_190 = tpu.memref_slice %arg11[%add3A_180, %dma_wait3A_189] : memref<10240x64xf32, #tpu.memory_space<vmem_shared>> -> memref<64x64xf32, #tpu.memory_space<vmem_shared>>
        tpu.wait_dma2 semaphore(%run_scoped3A_182 : memref<!tpu.dma_semaphore, #tpu.memory_space<semaphore_mem>>) src(%arg10 : memref<64x64xf32, #tpu.memory_space<vmem>>) dst(%dma_wait3A_190 : memref<64x64xf32, #tpu.memory_space<vmem_shared>>)
        tpu.yield
      }) : () -> ()
      %scan3A_181 = arith.constant 0 : i32
      scf.yield %scan3A_181 : i32
    }
    %scan3A_14 = arith.constant 10 : i32
    %barrier3A = arith.constant 0 : index
    tpu.barrier barrier_id(%barrier3A)
    %dma_start3A = arith.constant 0 : i32
    %dma_start3A_15 = arith.constant 0 : i32
    %dma_start3A_16 = arith.constant 0 : i32
    %dma_start3A_17 = arith.constant 0 : i32
    %dma_start3A_18 = tpu.memref_slice %arg9[%dma_start3A_15, %dma_start3A_16, %dma_start3A_17] : memref<5x125x64xf32, #tpu.memory_space<vmem>> -> memref<1x125x64xf32, #tpu.memory_space<vmem>>
    %dma_start3A_19 = tpu.memref_squeeze %dma_start3A_18 : memref<1x125x64xf32, #tpu.memory_space<vmem>> -> memref<125x64xf32, #tpu.memory_space<vmem>>
    %dma_start3A_20 = arith.constant 0 : i32
    %dma_start3A_21 = tpu.memref_slice %arg7[%dma_start3A, %dma_start3A_20] : memref<80x125xi32, #tpu.memory_space<vmem>> -> memref<1x125xi32, #tpu.memory_space<vmem>>
    %dma_start3A_22 = tpu.memref_squeeze %dma_start3A_21 : memref<1x125xi32, #tpu.memory_space<vmem>> -> memref<125xi32, #tpu.memory_space<vmem>>
    %dma_start3A_23 = arith.constant 0 : i32
    %dma_start3A_24 = arith.constant 0 : i32
    %dma_start3A_25 = tpu.memref_slice %arg2[%dma_start3A_23, %dma_start3A_24] : memref<10000x64xf32, #tpu.memory_space<hbm>> -> memref<10000x64xf32, #tpu.memory_space<hbm>>
    tpu.enqueue_indirect_dma source(%dma_start3A_25 : memref<10000x64xf32, #tpu.memory_space<hbm>>) target(%dma_start3A_19 : memref<125x64xf32, #tpu.memory_space<vmem>>) offsets(%dma_start3A_22 : memref<125xi32, #tpu.memory_space<vmem>>) semaphore(%arg12 : memref<!tpu.dma_semaphore, #tpu.memory_space<semaphore_mem>>)
    %dma_start3A_26 = arith.constant 1 : i32
    %dma_start3A_27 = arith.constant 1 : i32
    %dma_start3A_28 = arith.constant 0 : i32
    %dma_start3A_29 = arith.constant 0 : i32
    %dma_start3A_30 = tpu.memref_slice %arg9[%dma_start3A_27, %dma_start3A_28, %dma_start3A_29] : memref<5x125x64xf32, #tpu.memory_space<vmem>> -> memref<1x125x64xf32, #tpu.memory_space<vmem>>
    %dma_start3A_31 = tpu.memref_squeeze %dma_start3A_30 : memref<1x125x64xf32, #tpu.memory_space<vmem>> -> memref<125x64xf32, #tpu.memory_space<vmem>>
    %dma_start3A_32 = arith.constant 0 : i32
    %dma_start3A_33 = tpu.memref_slice %arg7[%dma_start3A_26, %dma_start3A_32] : memref<80x125xi32, #tpu.memory_space<vmem>> -> memref<1x125xi32, #tpu.memory_space<vmem>>
    %dma_start3A_34 = tpu.memref_squeeze %dma_start3A_33 : memref<1x125xi32, #tpu.memory_space<vmem>> -> memref<125xi32, #tpu.memory_space<vmem>>
    %dma_start3A_35 = arith.constant 0 : i32
    %dma_start3A_36 = arith.constant 0 : i32
    %dma_start3A_37 = tpu.memref_slice %arg2[%dma_start3A_35, %dma_start3A_36] : memref<10000x64xf32, #tpu.memory_space<hbm>> -> memref<10000x64xf32, #tpu.memory_space<hbm>>
    tpu.enqueue_indirect_dma source(%dma_start3A_37 : memref<10000x64xf32, #tpu.memory_space<hbm>>) target(%dma_start3A_31 : memref<125x64xf32, #tpu.memory_space<vmem>>) offsets(%dma_start3A_34 : memref<125xi32, #tpu.memory_space<vmem>>) semaphore(%arg13 : memref<!tpu.dma_semaphore, #tpu.memory_space<semaphore_mem>>)
    %dma_start3A_38 = arith.constant 2 : i32
    %dma_start3A_39 = arith.constant 2 : i32
    %dma_start3A_40 = arith.constant 0 : i32
    %dma_start3A_41 = arith.constant 0 : i32
    %dma_start3A_42 = tpu.memref_slice %arg9[%dma_start3A_39, %dma_start3A_40, %dma_start3A_41] : memref<5x125x64xf32, #tpu.memory_space<vmem>> -> memref<1x125x64xf32, #tpu.memory_space<vmem>>
    %dma_start3A_43 = tpu.memref_squeeze %dma_start3A_42 : memref<1x125x64xf32, #tpu.memory_space<vmem>> -> memref<125x64xf32, #tpu.memory_space<vmem>>
    %dma_start3A_44 = arith.constant 0 : i32
    %dma_start3A_45 = tpu.memref_slice %arg7[%dma_start3A_38, %dma_start3A_44] : memref<80x125xi32, #tpu.memory_space<vmem>> -> memref<1x125xi32, #tpu.memory_space<vmem>>
    %dma_start3A_46 = tpu.memref_squeeze %dma_start3A_45 : memref<1x125xi32, #tpu.memory_space<vmem>> -> memref<125xi32, #tpu.memory_space<vmem>>
    %dma_start3A_47 = arith.constant 0 : i32
    %dma_start3A_48 = arith.constant 0 : i32
    %dma_start3A_49 = tpu.memref_slice %arg2[%dma_start3A_47, %dma_start3A_48] : memref<10000x64xf32, #tpu.memory_space<hbm>> -> memref<10000x64xf32, #tpu.memory_space<hbm>>
    tpu.enqueue_indirect_dma source(%dma_start3A_49 : memref<10000x64xf32, #tpu.memory_space<hbm>>) target(%dma_start3A_43 : memref<125x64xf32, #tpu.memory_space<vmem>>) offsets(%dma_start3A_46 : memref<125xi32, #tpu.memory_space<vmem>>) semaphore(%arg14 : memref<!tpu.dma_semaphore, #tpu.memory_space<semaphore_mem>>)
    %scan3A_50 = arith.constant 0 : i32
    %scan3A_51 = arith.constant 0 : i32
    %scan3A_52 = arith.constant 16 : i32
    %scan3A_53 = arith.addi %scan3A_51, %scan3A_52 : i32
    %scan3A_54 = arith.constant 1 : i32
    %scan3A_55 = scf.for %scan3A_174 = %scan3A_51 to %scan3A_53 step %scan3A_54 iter_args(%scan3A_175 = %scan3A_50) -> (i32)  : i32 {
      %mul3A_176 = arith.constant 5 : i32
      %mul3A_177 = arith.muli %scan3A_174, %mul3A_176 : i32
      %add3A_178 = arith.constant 0 : i32
      %add3A_179 = arith.addi %mul3A_177, %add3A_178 : i32
      %sub3A = arith.constant 2 : i32
      %sub3A_180 = arith.subi %add3A_179, %sub3A : i32
      %ge3A = arith.constant 0 : i32
      %ge3A_181 = arith.cmpi sge, %sub3A_180, %ge3A : i32
      %convert_element_type3A_182 = arith.extui %ge3A_181 : i1 to i32
      %cond3A_183 = arith.constant 0 : i32
      %cond3A_184 = arith.cmpi ne, %convert_element_type3A_182, %cond3A_183 : i32
      scf.if %cond3A_184 {
        %dma_wait3A_374 = arith.constant 3 : i32
        %dma_wait3A_375 = arith.constant 0 : i32
        %dma_wait3A_376 = arith.constant 0 : i32
        %dma_wait3A_377 = arith.constant 0 : i32
        %dma_wait3A_378 = tpu.memref_slice %arg9[%dma_wait3A_374, %dma_wait3A_376, %dma_wait3A_377] : memref<5x125x64xf32, #tpu.memory_space<vmem>> -> memref<1x125x64xf32, #tpu.memory_space<vmem>>
        %dma_wait3A_379 = tpu.memref_squeeze %dma_wait3A_378 : memref<1x125x64xf32, #tpu.memory_space<vmem>> -> memref<125x64xf32, #tpu.memory_space<vmem>>
        %dma_wait3A_380 = arith.constant 0 : i32
        %dma_wait3A_381 = tpu.memref_slice %arg8[%dma_wait3A_375, %dma_wait3A_380] : memref<80x125xi32, #tpu.memory_space<vmem>> -> memref<1x125xi32, #tpu.memory_space<vmem>>
        %dma_wait3A_382 = tpu.memref_squeeze %dma_wait3A_381 : memref<1x125xi32, #tpu.memory_space<vmem>> -> memref<125xi32, #tpu.memory_space<vmem>>
        %dma_wait3A_383 = arith.constant 0 : i32
        %dma_wait3A_384 = arith.constant 0 : i32
        %dma_wait3A_385 = tpu.memref_slice %arg11[%dma_wait3A_383, %dma_wait3A_384] : memref<10240x64xf32, #tpu.memory_space<vmem_shared>> -> memref<10240x64xf32, #tpu.memory_space<vmem_shared>>
        tpu.wait_indirect_dma semaphore(%arg20 : memref<!tpu.dma_semaphore, #tpu.memory_space<semaphore_mem>>) src(%dma_wait3A_379 : memref<125x64xf32, #tpu.memory_space<vmem>>) dst(%dma_wait3A_385 : memref<10240x64xf32, #tpu.memory_space<vmem_shared>>)
      } else {
      }
      %add3A_185 = arith.constant 3 : i32
      %add3A_186 = arith.addi %add3A_179, %add3A_185 : i32
      %lt3A = arith.constant 80 : i32
      %lt3A_187 = arith.cmpi slt, %add3A_186, %lt3A : i32
      %convert_element_type3A_188 = arith.extui %lt3A_187 : i1 to i32
      %cond3A_189 = arith.constant 0 : i32
      %cond3A_190 = arith.cmpi ne, %convert_element_type3A_188, %cond3A_189 : i32
      scf.if %cond3A_190 {
        %add3A_374 = arith.constant 3 : i32
        %add3A_375 = arith.addi %add3A_179, %add3A_374 : i32
        %dma_start3A_376 = arith.constant 3 : i32
        %dma_start3A_377 = arith.constant 0 : i32
        %dma_start3A_378 = arith.constant 0 : i32
        %dma_start3A_379 = tpu.memref_slice %arg9[%dma_start3A_376, %dma_start3A_377, %dma_start3A_378] : memref<5x125x64xf32, #tpu.memory_space<vmem>> -> memref<1x125x64xf32, #tpu.memory_space<vmem>>
        %dma_start3A_380 = tpu.memref_squeeze %dma_start3A_379 : memref<1x125x64xf32, #tpu.memory_space<vmem>> -> memref<125x64xf32, #tpu.memory_space<vmem>>
        %dma_start3A_381 = arith.constant 0 : i32
        %dma_start3A_382 = tpu.memref_slice %arg7[%add3A_375, %dma_start3A_381] : memref<80x125xi32, #tpu.memory_space<vmem>> -> memref<1x125xi32, #tpu.memory_space<vmem>>
        %dma_start3A_383 = tpu.memref_squeeze %dma_start3A_382 : memref<1x125xi32, #tpu.memory_space<vmem>> -> memref<125xi32, #tpu.memory_space<vmem>>
        %dma_start3A_384 = arith.constant 0 : i32
        %dma_start3A_385 = arith.constant 0 : i32
        %dma_start3A_386 = tpu.memref_slice %arg2[%dma_start3A_384, %dma_start3A_385] : memref<10000x64xf32, #tpu.memory_space<hbm>> -> memref<10000x64xf32, #tpu.memory_space<hbm>>
        tpu.enqueue_indirect_dma source(%dma_start3A_386 : memref<10000x64xf32, #tpu.memory_space<hbm>>) target(%dma_start3A_380 : memref<125x64xf32, #tpu.memory_space<vmem>>) offsets(%dma_start3A_383 : memref<125xi32, #tpu.memory_space<vmem>>) semaphore(%arg15 : memref<!tpu.dma_semaphore, #tpu.memory_space<semaphore_mem>>)
      } else {
      }
      %dma_wait3A_191 = arith.constant 0 : i32
      %dma_wait3A_192 = arith.constant 0 : i32
      %dma_wait3A_193 = arith.constant 0 : i32
      %dma_wait3A_194 = tpu.memref_slice %arg9[%dma_wait3A_191, %dma_wait3A_192, %dma_wait3A_193] : memref<5x125x64xf32, #tpu.memory_space<vmem>> -> memref<1x125x64xf32, #tpu.memory_space<vmem>>
      %dma_wait3A_195 = tpu.memref_squeeze %dma_wait3A_194 : memref<1x125x64xf32, #tpu.memory_space<vmem>> -> memref<125x64xf32, #tpu.memory_space<vmem>>
      %dma_wait3A_196 = arith.constant 0 : i32
      %dma_wait3A_197 = tpu.memref_slice %arg7[%add3A_179, %dma_wait3A_196] : memref<80x125xi32, #tpu.memory_space<vmem>> -> memref<1x125xi32, #tpu.memory_space<vmem>>
      %dma_wait3A_198 = tpu.memref_squeeze %dma_wait3A_197 : memref<1x125xi32, #tpu.memory_space<vmem>> -> memref<125xi32, #tpu.memory_space<vmem>>
      %dma_wait3A_199 = arith.constant 0 : i32
      %dma_wait3A_200 = arith.constant 0 : i32
      %dma_wait3A_201 = tpu.memref_slice %arg2[%dma_wait3A_199, %dma_wait3A_200] : memref<10000x64xf32, #tpu.memory_space<hbm>> -> memref<10000x64xf32, #tpu.memory_space<hbm>>
      tpu.wait_indirect_dma semaphore(%arg12 : memref<!tpu.dma_semaphore, #tpu.memory_space<semaphore_mem>>) src(%dma_wait3A_201 : memref<10000x64xf32, #tpu.memory_space<hbm>>) dst(%dma_wait3A_195 : memref<125x64xf32, #tpu.memory_space<vmem>>)
      %dma_start3A_202 = arith.constant 0 : i32
      %dma_start3A_203 = arith.constant 0 : i32
      %dma_start3A_204 = arith.constant 0 : i32
      %dma_start3A_205 = tpu.memref_slice %arg9[%dma_start3A_202, %dma_start3A_203, %dma_start3A_204] : memref<5x125x64xf32, #tpu.memory_space<vmem>> -> memref<1x125x64xf32, #tpu.memory_space<vmem>>
      %dma_start3A_206 = tpu.memref_squeeze %dma_start3A_205 : memref<1x125x64xf32, #tpu.memory_space<vmem>> -> memref<125x64xf32, #tpu.memory_space<vmem>>
      %dma_start3A_207 = arith.constant 0 : i32
      %dma_start3A_208 = tpu.memref_slice %arg8[%add3A_179, %dma_start3A_207] : memref<80x125xi32, #tpu.memory_space<vmem>> -> memref<1x125xi32, #tpu.memory_space<vmem>>
      %dma_start3A_209 = tpu.memref_squeeze %dma_start3A_208 : memref<1x125xi32, #tpu.memory_space<vmem>> -> memref<125xi32, #tpu.memory_space<vmem>>
      %dma_start3A_210 = arith.constant 0 : i32
      %dma_start3A_211 = arith.constant 0 : i32
      %dma_start3A_212 = tpu.memref_slice %arg11[%dma_start3A_210, %dma_start3A_211] : memref<10240x64xf32, #tpu.memory_space<vmem_shared>> -> memref<10240x64xf32, #tpu.memory_space<vmem_shared>>
      tpu.enqueue_indirect_dma source(%dma_start3A_206 : memref<125x64xf32, #tpu.memory_space<vmem>>) target(%dma_start3A_212 : memref<10240x64xf32, #tpu.memory_space<vmem_shared>>) offsets(%dma_start3A_209 : memref<125xi32, #tpu.memory_space<vmem>>) semaphore(%arg17 : memref<!tpu.dma_semaphore, #tpu.memory_space<semaphore_mem>>) {add = true}
      %mul3A_213 = arith.constant 5 : i32
      %mul3A_214 = arith.muli %scan3A_174, %mul3A_213 : i32
      %add3A_215 = arith.constant 1 : i32
      %add3A_216 = arith.addi %mul3A_214, %add3A_215 : i32
      %sub3A_217 = arith.constant 2 : i32
      %sub3A_218 = arith.subi %add3A_216, %sub3A_217 : i32
      %ge3A_219 = arith.constant 0 : i32
      %ge3A_220 = arith.cmpi sge, %sub3A_218, %ge3A_219 : i32
      %convert_element_type3A_221 = arith.extui %ge3A_220 : i1 to i32
      %cond3A_222 = arith.constant 0 : i32
      %cond3A_223 = arith.cmpi ne, %convert_element_type3A_221, %cond3A_222 : i32
      scf.if %cond3A_223 {
        %dma_wait3A_374 = arith.constant 4 : i32
        %dma_wait3A_375 = arith.constant 0 : i32
        %dma_wait3A_376 = arith.constant 0 : i32
        %dma_wait3A_377 = arith.constant 0 : i32
        %dma_wait3A_378 = tpu.memref_slice %arg9[%dma_wait3A_374, %dma_wait3A_376, %dma_wait3A_377] : memref<5x125x64xf32, #tpu.memory_space<vmem>> -> memref<1x125x64xf32, #tpu.memory_space<vmem>>
        %dma_wait3A_379 = tpu.memref_squeeze %dma_wait3A_378 : memref<1x125x64xf32, #tpu.memory_space<vmem>> -> memref<125x64xf32, #tpu.memory_space<vmem>>
        %dma_wait3A_380 = arith.constant 0 : i32
        %dma_wait3A_381 = tpu.memref_slice %arg8[%dma_wait3A_375, %dma_wait3A_380] : memref<80x125xi32, #tpu.memory_space<vmem>> -> memref<1x125xi32, #tpu.memory_space<vmem>>
        %dma_wait3A_382 = tpu.memref_squeeze %dma_wait3A_381 : memref<1x125xi32, #tpu.memory_space<vmem>> -> memref<125xi32, #tpu.memory_space<vmem>>
        %dma_wait3A_383 = arith.constant 0 : i32
        %dma_wait3A_384 = arith.constant 0 : i32
        %dma_wait3A_385 = tpu.memref_slice %arg11[%dma_wait3A_383, %dma_wait3A_384] : memref<10240x64xf32, #tpu.memory_space<vmem_shared>> -> memref<10240x64xf32, #tpu.memory_space<vmem_shared>>
        tpu.wait_indirect_dma semaphore(%arg21 : memref<!tpu.dma_semaphore, #tpu.memory_space<semaphore_mem>>) src(%dma_wait3A_379 : memref<125x64xf32, #tpu.memory_space<vmem>>) dst(%dma_wait3A_385 : memref<10240x64xf32, #tpu.memory_space<vmem_shared>>)
      } else {
      }
      %add3A_224 = arith.constant 3 : i32
      %add3A_225 = arith.addi %add3A_216, %add3A_224 : i32
      %lt3A_226 = arith.constant 80 : i32
      %lt3A_227 = arith.cmpi slt, %add3A_225, %lt3A_226 : i32
      %convert_element_type3A_228 = arith.extui %lt3A_227 : i1 to i32
      %cond3A_229 = arith.constant 0 : i32
      %cond3A_230 = arith.cmpi ne, %convert_element_type3A_228, %cond3A_229 : i32
      scf.if %cond3A_230 {
        %add3A_374 = arith.constant 3 : i32
        %add3A_375 = arith.addi %add3A_216, %add3A_374 : i32
        %dma_start3A_376 = arith.constant 4 : i32
        %dma_start3A_377 = arith.constant 0 : i32
        %dma_start3A_378 = arith.constant 0 : i32
        %dma_start3A_379 = tpu.memref_slice %arg9[%dma_start3A_376, %dma_start3A_377, %dma_start3A_378] : memref<5x125x64xf32, #tpu.memory_space<vmem>> -> memref<1x125x64xf32, #tpu.memory_space<vmem>>
        %dma_start3A_380 = tpu.memref_squeeze %dma_start3A_379 : memref<1x125x64xf32, #tpu.memory_space<vmem>> -> memref<125x64xf32, #tpu.memory_space<vmem>>
        %dma_start3A_381 = arith.constant 0 : i32
        %dma_start3A_382 = tpu.memref_slice %arg7[%add3A_375, %dma_start3A_381] : memref<80x125xi32, #tpu.memory_space<vmem>> -> memref<1x125xi32, #tpu.memory_space<vmem>>
        %dma_start3A_383 = tpu.memref_squeeze %dma_start3A_382 : memref<1x125xi32, #tpu.memory_space<vmem>> -> memref<125xi32, #tpu.memory_space<vmem>>
        %dma_start3A_384 = arith.constant 0 : i32
        %dma_start3A_385 = arith.constant 0 : i32
        %dma_start3A_386 = tpu.memref_slice %arg2[%dma_start3A_384, %dma_start3A_385] : memref<10000x64xf32, #tpu.memory_space<hbm>> -> memref<10000x64xf32, #tpu.memory_space<hbm>>
        tpu.enqueue_indirect_dma source(%dma_start3A_386 : memref<10000x64xf32, #tpu.memory_space<hbm>>) target(%dma_start3A_380 : memref<125x64xf32, #tpu.memory_space<vmem>>) offsets(%dma_start3A_383 : memref<125xi32, #tpu.memory_space<vmem>>) semaphore(%arg16 : memref<!tpu.dma_semaphore, #tpu.memory_space<semaphore_mem>>)
      } else {
      }
      %dma_wait3A_231 = arith.constant 1 : i32
      %dma_wait3A_232 = arith.constant 0 : i32
      %dma_wait3A_233 = arith.constant 0 : i32
      %dma_wait3A_234 = tpu.memref_slice %arg9[%dma_wait3A_231, %dma_wait3A_232, %dma_wait3A_233] : memref<5x125x64xf32, #tpu.memory_space<vmem>> -> memref<1x125x64xf32, #tpu.memory_space<vmem>>
      %dma_wait3A_235 = tpu.memref_squeeze %dma_wait3A_234 : memref<1x125x64xf32, #tpu.memory_space<vmem>> -> memref<125x64xf32, #tpu.memory_space<vmem>>
      %dma_wait3A_236 = arith.constant 0 : i32
      %dma_wait3A_237 = tpu.memref_slice %arg7[%add3A_216, %dma_wait3A_236] : memref<80x125xi32, #tpu.memory_space<vmem>> -> memref<1x125xi32, #tpu.memory_space<vmem>>
      %dma_wait3A_238 = tpu.memref_squeeze %dma_wait3A_237 : memref<1x125xi32, #tpu.memory_space<vmem>> -> memref<125xi32, #tpu.memory_space<vmem>>
      %dma_wait3A_239 = arith.constant 0 : i32
      %dma_wait3A_240 = arith.constant 0 : i32
      %dma_wait3A_241 = tpu.memref_slice %arg2[%dma_wait3A_239, %dma_wait3A_240] : memref<10000x64xf32, #tpu.memory_space<hbm>> -> memref<10000x64xf32, #tpu.memory_space<hbm>>
      tpu.wait_indirect_dma semaphore(%arg13 : memref<!tpu.dma_semaphore, #tpu.memory_space<semaphore_mem>>) src(%dma_wait3A_241 : memref<10000x64xf32, #tpu.memory_space<hbm>>) dst(%dma_wait3A_235 : memref<125x64xf32, #tpu.memory_space<vmem>>)
      %dma_start3A_242 = arith.constant 1 : i32
      %dma_start3A_243 = arith.constant 0 : i32
      %dma_start3A_244 = arith.constant 0 : i32
      %dma_start3A_245 = tpu.memref_slice %arg9[%dma_start3A_242, %dma_start3A_243, %dma_start3A_244] : memref<5x125x64xf32, #tpu.memory_space<vmem>> -> memref<1x125x64xf32, #tpu.memory_space<vmem>>
      %dma_start3A_246 = tpu.memref_squeeze %dma_start3A_245 : memref<1x125x64xf32, #tpu.memory_space<vmem>> -> memref<125x64xf32, #tpu.memory_space<vmem>>
      %dma_start3A_247 = arith.constant 0 : i32
      %dma_start3A_248 = tpu.memref_slice %arg8[%add3A_216, %dma_start3A_247] : memref<80x125xi32, #tpu.memory_space<vmem>> -> memref<1x125xi32, #tpu.memory_space<vmem>>
      %dma_start3A_249 = tpu.memref_squeeze %dma_start3A_248 : memref<1x125xi32, #tpu.memory_space<vmem>> -> memref<125xi32, #tpu.memory_space<vmem>>
      %dma_start3A_250 = arith.constant 0 : i32
      %dma_start3A_251 = arith.constant 0 : i32
      %dma_start3A_252 = tpu.memref_slice %arg11[%dma_start3A_250, %dma_start3A_251] : memref<10240x64xf32, #tpu.memory_space<vmem_shared>> -> memref<10240x64xf32, #tpu.memory_space<vmem_shared>>
      tpu.enqueue_indirect_dma source(%dma_start3A_246 : memref<125x64xf32, #tpu.memory_space<vmem>>) target(%dma_start3A_252 : memref<10240x64xf32, #tpu.memory_space<vmem_shared>>) offsets(%dma_start3A_249 : memref<125xi32, #tpu.memory_space<vmem>>) semaphore(%arg18 : memref<!tpu.dma_semaphore, #tpu.memory_space<semaphore_mem>>) {add = true}
      %mul3A_253 = arith.constant 5 : i32
      %mul3A_254 = arith.muli %scan3A_174, %mul3A_253 : i32
      %add3A_255 = arith.constant 2 : i32
      %add3A_256 = arith.addi %mul3A_254, %add3A_255 : i32
      %sub3A_257 = arith.constant 2 : i32
      %sub3A_258 = arith.subi %add3A_256, %sub3A_257 : i32
      %ge3A_259 = arith.constant 0 : i32
      %ge3A_260 = arith.cmpi sge, %sub3A_258, %ge3A_259 : i32
      %convert_element_type3A_261 = arith.extui %ge3A_260 : i1 to i32
      %cond3A_262 = arith.constant 0 : i32
      %cond3A_263 = arith.cmpi ne, %convert_element_type3A_261, %cond3A_262 : i32
      scf.if %cond3A_263 {
        %dma_wait3A_374 = arith.constant 0 : i32
        %dma_wait3A_375 = arith.constant 0 : i32
        %dma_wait3A_376 = arith.constant 0 : i32
        %dma_wait3A_377 = arith.constant 0 : i32
        %dma_wait3A_378 = tpu.memref_slice %arg9[%dma_wait3A_374, %dma_wait3A_376, %dma_wait3A_377] : memref<5x125x64xf32, #tpu.memory_space<vmem>> -> memref<1x125x64xf32, #tpu.memory_space<vmem>>
        %dma_wait3A_379 = tpu.memref_squeeze %dma_wait3A_378 : memref<1x125x64xf32, #tpu.memory_space<vmem>> -> memref<125x64xf32, #tpu.memory_space<vmem>>
        %dma_wait3A_380 = arith.constant 0 : i32
        %dma_wait3A_381 = tpu.memref_slice %arg8[%dma_wait3A_375, %dma_wait3A_380] : memref<80x125xi32, #tpu.memory_space<vmem>> -> memref<1x125xi32, #tpu.memory_space<vmem>>
        %dma_wait3A_382 = tpu.memref_squeeze %dma_wait3A_381 : memref<1x125xi32, #tpu.memory_space<vmem>> -> memref<125xi32, #tpu.memory_space<vmem>>
        %dma_wait3A_383 = arith.constant 0 : i32
        %dma_wait3A_384 = arith.constant 0 : i32
        %dma_wait3A_385 = tpu.memref_slice %arg11[%dma_wait3A_383, %dma_wait3A_384] : memref<10240x64xf32, #tpu.memory_space<vmem_shared>> -> memref<10240x64xf32, #tpu.memory_space<vmem_shared>>
        tpu.wait_indirect_dma semaphore(%arg17 : memref<!tpu.dma_semaphore, #tpu.memory_space<semaphore_mem>>) src(%dma_wait3A_379 : memref<125x64xf32, #tpu.memory_space<vmem>>) dst(%dma_wait3A_385 : memref<10240x64xf32, #tpu.memory_space<vmem_shared>>)
      } else {
      }
      %add3A_264 = arith.constant 3 : i32
      %add3A_265 = arith.addi %add3A_256, %add3A_264 : i32
      %lt3A_266 = arith.constant 80 : i32
      %lt3A_267 = arith.cmpi slt, %add3A_265, %lt3A_266 : i32
      %convert_element_type3A_268 = arith.extui %lt3A_267 : i1 to i32
      %cond3A_269 = arith.constant 0 : i32
      %cond3A_270 = arith.cmpi ne, %convert_element_type3A_268, %cond3A_269 : i32
      scf.if %cond3A_270 {
        %add3A_374 = arith.constant 3 : i32
        %add3A_375 = arith.addi %add3A_256, %add3A_374 : i32
        %dma_start3A_376 = arith.constant 0 : i32
        %dma_start3A_377 = arith.constant 0 : i32
        %dma_start3A_378 = arith.constant 0 : i32
        %dma_start3A_379 = tpu.memref_slice %arg9[%dma_start3A_376, %dma_start3A_377, %dma_start3A_378] : memref<5x125x64xf32, #tpu.memory_space<vmem>> -> memref<1x125x64xf32, #tpu.memory_space<vmem>>
        %dma_start3A_380 = tpu.memref_squeeze %dma_start3A_379 : memref<1x125x64xf32, #tpu.memory_space<vmem>> -> memref<125x64xf32, #tpu.memory_space<vmem>>
        %dma_start3A_381 = arith.constant 0 : i32
        %dma_start3A_382 = tpu.memref_slice %arg7[%add3A_375, %dma_start3A_381] : memref<80x125xi32, #tpu.memory_space<vmem>> -> memref<1x125xi32, #tpu.memory_space<vmem>>
        %dma_start3A_383 = tpu.memref_squeeze %dma_start3A_382 : memref<1x125xi32, #tpu.memory_space<vmem>> -> memref<125xi32, #tpu.memory_space<vmem>>
        %dma_start3A_384 = arith.constant 0 : i32
        %dma_start3A_385 = arith.constant 0 : i32
        %dma_start3A_386 = tpu.memref_slice %arg2[%dma_start3A_384, %dma_start3A_385] : memref<10000x64xf32, #tpu.memory_space<hbm>> -> memref<10000x64xf32, #tpu.memory_space<hbm>>
        tpu.enqueue_indirect_dma source(%dma_start3A_386 : memref<10000x64xf32, #tpu.memory_space<hbm>>) target(%dma_start3A_380 : memref<125x64xf32, #tpu.memory_space<vmem>>) offsets(%dma_start3A_383 : memref<125xi32, #tpu.memory_space<vmem>>) semaphore(%arg12 : memref<!tpu.dma_semaphore, #tpu.memory_space<semaphore_mem>>)
      } else {
      }
      %dma_wait3A_271 = arith.constant 2 : i32
      %dma_wait3A_272 = arith.constant 0 : i32
      %dma_wait3A_273 = arith.constant 0 : i32
      %dma_wait3A_274 = tpu.memref_slice %arg9[%dma_wait3A_271, %dma_wait3A_272, %dma_wait3A_273] : memref<5x125x64xf32, #tpu.memory_space<vmem>> -> memref<1x125x64xf32, #tpu.memory_space<vmem>>
      %dma_wait3A_275 = tpu.memref_squeeze %dma_wait3A_274 : memref<1x125x64xf32, #tpu.memory_space<vmem>> -> memref<125x64xf32, #tpu.memory_space<vmem>>
      %dma_wait3A_276 = arith.constant 0 : i32
      %dma_wait3A_277 = tpu.memref_slice %arg7[%add3A_256, %dma_wait3A_276] : memref<80x125xi32, #tpu.memory_space<vmem>> -> memref<1x125xi32, #tpu.memory_space<vmem>>
      %dma_wait3A_278 = tpu.memref_squeeze %dma_wait3A_277 : memref<1x125xi32, #tpu.memory_space<vmem>> -> memref<125xi32, #tpu.memory_space<vmem>>
      %dma_wait3A_279 = arith.constant 0 : i32
      %dma_wait3A_280 = arith.constant 0 : i32
      %dma_wait3A_281 = tpu.memref_slice %arg2[%dma_wait3A_279, %dma_wait3A_280] : memref<10000x64xf32, #tpu.memory_space<hbm>> -> memref<10000x64xf32, #tpu.memory_space<hbm>>
      tpu.wait_indirect_dma semaphore(%arg14 : memref<!tpu.dma_semaphore, #tpu.memory_space<semaphore_mem>>) src(%dma_wait3A_281 : memref<10000x64xf32, #tpu.memory_space<hbm>>) dst(%dma_wait3A_275 : memref<125x64xf32, #tpu.memory_space<vmem>>)
      %dma_start3A_282 = arith.constant 2 : i32
      %dma_start3A_283 = arith.constant 0 : i32
      %dma_start3A_284 = arith.constant 0 : i32
      %dma_start3A_285 = tpu.memref_slice %arg9[%dma_start3A_282, %dma_start3A_283, %dma_start3A_284] : memref<5x125x64xf32, #tpu.memory_space<vmem>> -> memref<1x125x64xf32, #tpu.memory_space<vmem>>
      %dma_start3A_286 = tpu.memref_squeeze %dma_start3A_285 : memref<1x125x64xf32, #tpu.memory_space<vmem>> -> memref<125x64xf32, #tpu.memory_space<vmem>>
      %dma_start3A_287 = arith.constant 0 : i32
      %dma_start3A_288 = tpu.memref_slice %arg8[%add3A_256, %dma_start3A_287] : memref<80x125xi32, #tpu.memory_space<vmem>> -> memref<1x125xi32, #tpu.memory_space<vmem>>
      %dma_start3A_289 = tpu.memref_squeeze %dma_start3A_288 : memref<1x125xi32, #tpu.memory_space<vmem>> -> memref<125xi32, #tpu.memory_space<vmem>>
      %dma_start3A_290 = arith.constant 0 : i32
      %dma_start3A_291 = arith.constant 0 : i32
      %dma_start3A_292 = tpu.memref_slice %arg11[%dma_start3A_290, %dma_start3A_291] : memref<10240x64xf32, #tpu.memory_space<vmem_shared>> -> memref<10240x64xf32, #tpu.memory_space<vmem_shared>>
      tpu.enqueue_indirect_dma source(%dma_start3A_286 : memref<125x64xf32, #tpu.memory_space<vmem>>) target(%dma_start3A_292 : memref<10240x64xf32, #tpu.memory_space<vmem_shared>>) offsets(%dma_start3A_289 : memref<125xi32, #tpu.memory_space<vmem>>) semaphore(%arg19 : memref<!tpu.dma_semaphore, #tpu.memory_space<semaphore_mem>>) {add = true}
      %mul3A_293 = arith.constant 5 : i32
      %mul3A_294 = arith.muli %scan3A_174, %mul3A_293 : i32
      %add3A_295 = arith.constant 3 : i32
      %add3A_296 = arith.addi %mul3A_294, %add3A_295 : i32
      %sub3A_297 = arith.constant 2 : i32
      %sub3A_298 = arith.subi %add3A_296, %sub3A_297 : i32
      %ge3A_299 = arith.constant 0 : i32
      %ge3A_300 = arith.cmpi sge, %sub3A_298, %ge3A_299 : i32
      %convert_element_type3A_301 = arith.extui %ge3A_300 : i1 to i32
      %cond3A_302 = arith.constant 0 : i32
      %cond3A_303 = arith.cmpi ne, %convert_element_type3A_301, %cond3A_302 : i32
      scf.if %cond3A_303 {
        %dma_wait3A_374 = arith.constant 1 : i32
        %dma_wait3A_375 = arith.constant 0 : i32
        %dma_wait3A_376 = arith.constant 0 : i32
        %dma_wait3A_377 = arith.constant 0 : i32
        %dma_wait3A_378 = tpu.memref_slice %arg9[%dma_wait3A_374, %dma_wait3A_376, %dma_wait3A_377] : memref<5x125x64xf32, #tpu.memory_space<vmem>> -> memref<1x125x64xf32, #tpu.memory_space<vmem>>
        %dma_wait3A_379 = tpu.memref_squeeze %dma_wait3A_378 : memref<1x125x64xf32, #tpu.memory_space<vmem>> -> memref<125x64xf32, #tpu.memory_space<vmem>>
        %dma_wait3A_380 = arith.constant 0 : i32
        %dma_wait3A_381 = tpu.memref_slice %arg8[%dma_wait3A_375, %dma_wait3A_380] : memref<80x125xi32, #tpu.memory_space<vmem>> -> memref<1x125xi32, #tpu.memory_space<vmem>>
        %dma_wait3A_382 = tpu.memref_squeeze %dma_wait3A_381 : memref<1x125xi32, #tpu.memory_space<vmem>> -> memref<125xi32, #tpu.memory_space<vmem>>
        %dma_wait3A_383 = arith.constant 0 : i32
        %dma_wait3A_384 = arith.constant 0 : i32
        %dma_wait3A_385 = tpu.memref_slice %arg11[%dma_wait3A_383, %dma_wait3A_384] : memref<10240x64xf32, #tpu.memory_space<vmem_shared>> -> memref<10240x64xf32, #tpu.memory_space<vmem_shared>>
        tpu.wait_indirect_dma semaphore(%arg18 : memref<!tpu.dma_semaphore, #tpu.memory_space<semaphore_mem>>) src(%dma_wait3A_379 : memref<125x64xf32, #tpu.memory_space<vmem>>) dst(%dma_wait3A_385 : memref<10240x64xf32, #tpu.memory_space<vmem_shared>>)
      } else {
      }
      %add3A_304 = arith.constant 3 : i32
      %add3A_305 = arith.addi %add3A_296, %add3A_304 : i32
      %lt3A_306 = arith.constant 80 : i32
      %lt3A_307 = arith.cmpi slt, %add3A_305, %lt3A_306 : i32
      %convert_element_type3A_308 = arith.extui %lt3A_307 : i1 to i32
      %cond3A_309 = arith.constant 0 : i32
      %cond3A_310 = arith.cmpi ne, %convert_element_type3A_308, %cond3A_309 : i32
      scf.if %cond3A_310 {
        %add3A_374 = arith.constant 3 : i32
        %add3A_375 = arith.addi %add3A_296, %add3A_374 : i32
        %dma_start3A_376 = arith.constant 1 : i32
        %dma_start3A_377 = arith.constant 0 : i32
        %dma_start3A_378 = arith.constant 0 : i32
        %dma_start3A_379 = tpu.memref_slice %arg9[%dma_start3A_376, %dma_start3A_377, %dma_start3A_378] : memref<5x125x64xf32, #tpu.memory_space<vmem>> -> memref<1x125x64xf32, #tpu.memory_space<vmem>>
        %dma_start3A_380 = tpu.memref_squeeze %dma_start3A_379 : memref<1x125x64xf32, #tpu.memory_space<vmem>> -> memref<125x64xf32, #tpu.memory_space<vmem>>
        %dma_start3A_381 = arith.constant 0 : i32
        %dma_start3A_382 = tpu.memref_slice %arg7[%add3A_375, %dma_start3A_381] : memref<80x125xi32, #tpu.memory_space<vmem>> -> memref<1x125xi32, #tpu.memory_space<vmem>>
        %dma_start3A_383 = tpu.memref_squeeze %dma_start3A_382 : memref<1x125xi32, #tpu.memory_space<vmem>> -> memref<125xi32, #tpu.memory_space<vmem>>
        %dma_start3A_384 = arith.constant 0 : i32
        %dma_start3A_385 = arith.constant 0 : i32
        %dma_start3A_386 = tpu.memref_slice %arg2[%dma_start3A_384, %dma_start3A_385] : memref<10000x64xf32, #tpu.memory_space<hbm>> -> memref<10000x64xf32, #tpu.memory_space<hbm>>
        tpu.enqueue_indirect_dma source(%dma_start3A_386 : memref<10000x64xf32, #tpu.memory_space<hbm>>) target(%dma_start3A_380 : memref<125x64xf32, #tpu.memory_space<vmem>>) offsets(%dma_start3A_383 : memref<125xi32, #tpu.memory_space<vmem>>) semaphore(%arg13 : memref<!tpu.dma_semaphore, #tpu.memory_space<semaphore_mem>>)
      } else {
      }
      %dma_wait3A_311 = arith.constant 3 : i32
      %dma_wait3A_312 = arith.constant 0 : i32
      %dma_wait3A_313 = arith.constant 0 : i32
      %dma_wait3A_314 = tpu.memref_slice %arg9[%dma_wait3A_311, %dma_wait3A_312, %dma_wait3A_313] : memref<5x125x64xf32, #tpu.memory_space<vmem>> -> memref<1x125x64xf32, #tpu.memory_space<vmem>>
      %dma_wait3A_315 = tpu.memref_squeeze %dma_wait3A_314 : memref<1x125x64xf32, #tpu.memory_space<vmem>> -> memref<125x64xf32, #tpu.memory_space<vmem>>
      %dma_wait3A_316 = arith.constant 0 : i32
      %dma_wait3A_317 = tpu.memref_slice %arg7[%add3A_296, %dma_wait3A_316] : memref<80x125xi32, #tpu.memory_space<vmem>> -> memref<1x125xi32, #tpu.memory_space<vmem>>
      %dma_wait3A_318 = tpu.memref_squeeze %dma_wait3A_317 : memref<1x125xi32, #tpu.memory_space<vmem>> -> memref<125xi32, #tpu.memory_space<vmem>>
      %dma_wait3A_319 = arith.constant 0 : i32
      %dma_wait3A_320 = arith.constant 0 : i32
      %dma_wait3A_321 = tpu.memref_slice %arg2[%dma_wait3A_319, %dma_wait3A_320] : memref<10000x64xf32, #tpu.memory_space<hbm>> -> memref<10000x64xf32, #tpu.memory_space<hbm>>
      tpu.wait_indirect_dma semaphore(%arg15 : memref<!tpu.dma_semaphore, #tpu.memory_space<semaphore_mem>>) src(%dma_wait3A_321 : memref<10000x64xf32, #tpu.memory_space<hbm>>) dst(%dma_wait3A_315 : memref<125x64xf32, #tpu.memory_space<vmem>>)
      %dma_start3A_322 = arith.constant 3 : i32
      %dma_start3A_323 = arith.constant 0 : i32
      %dma_start3A_324 = arith.constant 0 : i32
      %dma_start3A_325 = tpu.memref_slice %arg9[%dma_start3A_322, %dma_start3A_323, %dma_start3A_324] : memref<5x125x64xf32, #tpu.memory_space<vmem>> -> memref<1x125x64xf32, #tpu.memory_space<vmem>>
      %dma_start3A_326 = tpu.memref_squeeze %dma_start3A_325 : memref<1x125x64xf32, #tpu.memory_space<vmem>> -> memref<125x64xf32, #tpu.memory_space<vmem>>
      %dma_start3A_327 = arith.constant 0 : i32
      %dma_start3A_328 = tpu.memref_slice %arg8[%add3A_296, %dma_start3A_327] : memref<80x125xi32, #tpu.memory_space<vmem>> -> memref<1x125xi32, #tpu.memory_space<vmem>>
      %dma_start3A_329 = tpu.memref_squeeze %dma_start3A_328 : memref<1x125xi32, #tpu.memory_space<vmem>> -> memref<125xi32, #tpu.memory_space<vmem>>
      %dma_start3A_330 = arith.constant 0 : i32
      %dma_start3A_331 = arith.constant 0 : i32
      %dma_start3A_332 = tpu.memref_slice %arg11[%dma_start3A_330, %dma_start3A_331] : memref<10240x64xf32, #tpu.memory_space<vmem_shared>> -> memref<10240x64xf32, #tpu.memory_space<vmem_shared>>
      tpu.enqueue_indirect_dma source(%dma_start3A_326 : memref<125x64xf32, #tpu.memory_space<vmem>>) target(%dma_start3A_332 : memref<10240x64xf32, #tpu.memory_space<vmem_shared>>) offsets(%dma_start3A_329 : memref<125xi32, #tpu.memory_space<vmem>>) semaphore(%arg20 : memref<!tpu.dma_semaphore, #tpu.memory_space<semaphore_mem>>) {add = true}
      %mul3A_333 = arith.constant 5 : i32
      %mul3A_334 = arith.muli %scan3A_174, %mul3A_333 : i32
      %add3A_335 = arith.constant 4 : i32
      %add3A_336 = arith.addi %mul3A_334, %add3A_335 : i32
      %sub3A_337 = arith.constant 2 : i32
      %sub3A_338 = arith.subi %add3A_336, %sub3A_337 : i32
      %ge3A_339 = arith.constant 0 : i32
      %ge3A_340 = arith.cmpi sge, %sub3A_338, %ge3A_339 : i32
      %convert_element_type3A_341 = arith.extui %ge3A_340 : i1 to i32
      %cond3A_342 = arith.constant 0 : i32
      %cond3A_343 = arith.cmpi ne, %convert_element_type3A_341, %cond3A_342 : i32
      scf.if %cond3A_343 {
        %dma_wait3A_374 = arith.constant 2 : i32
        %dma_wait3A_375 = arith.constant 0 : i32
        %dma_wait3A_376 = arith.constant 0 : i32
        %dma_wait3A_377 = arith.constant 0 : i32
        %dma_wait3A_378 = tpu.memref_slice %arg9[%dma_wait3A_374, %dma_wait3A_376, %dma_wait3A_377] : memref<5x125x64xf32, #tpu.memory_space<vmem>> -> memref<1x125x64xf32, #tpu.memory_space<vmem>>
        %dma_wait3A_379 = tpu.memref_squeeze %dma_wait3A_378 : memref<1x125x64xf32, #tpu.memory_space<vmem>> -> memref<125x64xf32, #tpu.memory_space<vmem>>
        %dma_wait3A_380 = arith.constant 0 : i32
        %dma_wait3A_381 = tpu.memref_slice %arg8[%dma_wait3A_375, %dma_wait3A_380] : memref<80x125xi32, #tpu.memory_space<vmem>> -> memref<1x125xi32, #tpu.memory_space<vmem>>
        %dma_wait3A_382 = tpu.memref_squeeze %dma_wait3A_381 : memref<1x125xi32, #tpu.memory_space<vmem>> -> memref<125xi32, #tpu.memory_space<vmem>>
        %dma_wait3A_383 = arith.constant 0 : i32
        %dma_wait3A_384 = arith.constant 0 : i32
        %dma_wait3A_385 = tpu.memref_slice %arg11[%dma_wait3A_383, %dma_wait3A_384] : memref<10240x64xf32, #tpu.memory_space<vmem_shared>> -> memref<10240x64xf32, #tpu.memory_space<vmem_shared>>
        tpu.wait_indirect_dma semaphore(%arg19 : memref<!tpu.dma_semaphore, #tpu.memory_space<semaphore_mem>>) src(%dma_wait3A_379 : memref<125x64xf32, #tpu.memory_space<vmem>>) dst(%dma_wait3A_385 : memref<10240x64xf32, #tpu.memory_space<vmem_shared>>)
      } else {
      }
      %add3A_344 = arith.constant 3 : i32
      %add3A_345 = arith.addi %add3A_336, %add3A_344 : i32
      %lt3A_346 = arith.constant 80 : i32
      %lt3A_347 = arith.cmpi slt, %add3A_345, %lt3A_346 : i32
      %convert_element_type3A_348 = arith.extui %lt3A_347 : i1 to i32
      %cond3A_349 = arith.constant 0 : i32
      %cond3A_350 = arith.cmpi ne, %convert_element_type3A_348, %cond3A_349 : i32
      scf.if %cond3A_350 {
        %add3A_374 = arith.constant 3 : i32
        %add3A_375 = arith.addi %add3A_336, %add3A_374 : i32
        %dma_start3A_376 = arith.constant 2 : i32
        %dma_start3A_377 = arith.constant 0 : i32
        %dma_start3A_378 = arith.constant 0 : i32
        %dma_start3A_379 = tpu.memref_slice %arg9[%dma_start3A_376, %dma_start3A_377, %dma_start3A_378] : memref<5x125x64xf32, #tpu.memory_space<vmem>> -> memref<1x125x64xf32, #tpu.memory_space<vmem>>
        %dma_start3A_380 = tpu.memref_squeeze %dma_start3A_379 : memref<1x125x64xf32, #tpu.memory_space<vmem>> -> memref<125x64xf32, #tpu.memory_space<vmem>>
        %dma_start3A_381 = arith.constant 0 : i32
        %dma_start3A_382 = tpu.memref_slice %arg7[%add3A_375, %dma_start3A_381] : memref<80x125xi32, #tpu.memory_space<vmem>> -> memref<1x125xi32, #tpu.memory_space<vmem>>
        %dma_start3A_383 = tpu.memref_squeeze %dma_start3A_382 : memref<1x125xi32, #tpu.memory_space<vmem>> -> memref<125xi32, #tpu.memory_space<vmem>>
        %dma_start3A_384 = arith.constant 0 : i32
        %dma_start3A_385 = arith.constant 0 : i32
        %dma_start3A_386 = tpu.memref_slice %arg2[%dma_start3A_384, %dma_start3A_385] : memref<10000x64xf32, #tpu.memory_space<hbm>> -> memref<10000x64xf32, #tpu.memory_space<hbm>>
        tpu.enqueue_indirect_dma source(%dma_start3A_386 : memref<10000x64xf32, #tpu.memory_space<hbm>>) target(%dma_start3A_380 : memref<125x64xf32, #tpu.memory_space<vmem>>) offsets(%dma_start3A_383 : memref<125xi32, #tpu.memory_space<vmem>>) semaphore(%arg14 : memref<!tpu.dma_semaphore, #tpu.memory_space<semaphore_mem>>)
      } else {
      }
      %dma_wait3A_351 = arith.constant 4 : i32
      %dma_wait3A_352 = arith.constant 0 : i32
      %dma_wait3A_353 = arith.constant 0 : i32
      %dma_wait3A_354 = tpu.memref_slice %arg9[%dma_wait3A_351, %dma_wait3A_352, %dma_wait3A_353] : memref<5x125x64xf32, #tpu.memory_space<vmem>> -> memref<1x125x64xf32, #tpu.memory_space<vmem>>
      %dma_wait3A_355 = tpu.memref_squeeze %dma_wait3A_354 : memref<1x125x64xf32, #tpu.memory_space<vmem>> -> memref<125x64xf32, #tpu.memory_space<vmem>>
      %dma_wait3A_356 = arith.constant 0 : i32
      %dma_wait3A_357 = tpu.memref_slice %arg7[%add3A_336, %dma_wait3A_356] : memref<80x125xi32, #tpu.memory_space<vmem>> -> memref<1x125xi32, #tpu.memory_space<vmem>>
      %dma_wait3A_358 = tpu.memref_squeeze %dma_wait3A_357 : memref<1x125xi32, #tpu.memory_space<vmem>> -> memref<125xi32, #tpu.memory_space<vmem>>
      %dma_wait3A_359 = arith.constant 0 : i32
      %dma_wait3A_360 = arith.constant 0 : i32
      %dma_wait3A_361 = tpu.memref_slice %arg2[%dma_wait3A_359, %dma_wait3A_360] : memref<10000x64xf32, #tpu.memory_space<hbm>> -> memref<10000x64xf32, #tpu.memory_space<hbm>>
      tpu.wait_indirect_dma semaphore(%arg16 : memref<!tpu.dma_semaphore, #tpu.memory_space<semaphore_mem>>) src(%dma_wait3A_361 : memref<10000x64xf32, #tpu.memory_space<hbm>>) dst(%dma_wait3A_355 : memref<125x64xf32, #tpu.memory_space<vmem>>)
      %dma_start3A_362 = arith.constant 4 : i32
      %dma_start3A_363 = arith.constant 0 : i32
      %dma_start3A_364 = arith.constant 0 : i32
      %dma_start3A_365 = tpu.memref_slice %arg9[%dma_start3A_362, %dma_start3A_363, %dma_start3A_364] : memref<5x125x64xf32, #tpu.memory_space<vmem>> -> memref<1x125x64xf32, #tpu.memory_space<vmem>>
      %dma_start3A_366 = tpu.memref_squeeze %dma_start3A_365 : memref<1x125x64xf32, #tpu.memory_space<vmem>> -> memref<125x64xf32, #tpu.memory_space<vmem>>
      %dma_start3A_367 = arith.constant 0 : i32
      %dma_start3A_368 = tpu.memref_slice %arg8[%add3A_336, %dma_start3A_367] : memref<80x125xi32, #tpu.memory_space<vmem>> -> memref<1x125xi32, #tpu.memory_space<vmem>>
      %dma_start3A_369 = tpu.memref_squeeze %dma_start3A_368 : memref<1x125xi32, #tpu.memory_space<vmem>> -> memref<125xi32, #tpu.memory_space<vmem>>
      %dma_start3A_370 = arith.constant 0 : i32
      %dma_start3A_371 = arith.constant 0 : i32
      %dma_start3A_372 = tpu.memref_slice %arg11[%dma_start3A_370, %dma_start3A_371] : memref<10240x64xf32, #tpu.memory_space<vmem_shared>> -> memref<10240x64xf32, #tpu.memory_space<vmem_shared>>
      tpu.enqueue_indirect_dma source(%dma_start3A_366 : memref<125x64xf32, #tpu.memory_space<vmem>>) target(%dma_start3A_372 : memref<10240x64xf32, #tpu.memory_space<vmem_shared>>) offsets(%dma_start3A_369 : memref<125xi32, #tpu.memory_space<vmem>>) semaphore(%arg21 : memref<!tpu.dma_semaphore, #tpu.memory_space<semaphore_mem>>) {add = true}
      %scan3A_373 = arith.constant 0 : i32
      scf.yield %scan3A_373 : i32
    }
    %scan3A_56 = arith.constant 16 : i32
    %dma_wait3A = arith.constant 3 : i32
    %dma_wait3A_57 = arith.constant 0 : i32
    %dma_wait3A_58 = arith.constant 0 : i32
    %dma_wait3A_59 = arith.constant 0 : i32
    %dma_wait3A_60 = tpu.memref_slice %arg9[%dma_wait3A, %dma_wait3A_58, %dma_wait3A_59] : memref<5x125x64xf32, #tpu.memory_space<vmem>> -> memref<1x125x64xf32, #tpu.memory_space<vmem>>
    %dma_wait3A_61 = tpu.memref_squeeze %dma_wait3A_60 : memref<1x125x64xf32, #tpu.memory_space<vmem>> -> memref<125x64xf32, #tpu.memory_space<vmem>>
    %dma_wait3A_62 = arith.constant 0 : i32
    %dma_wait3A_63 = tpu.memref_slice %arg8[%dma_wait3A_57, %dma_wait3A_62] : memref<80x125xi32, #tpu.memory_space<vmem>> -> memref<1x125xi32, #tpu.memory_space<vmem>>
    %dma_wait3A_64 = tpu.memref_squeeze %dma_wait3A_63 : memref<1x125xi32, #tpu.memory_space<vmem>> -> memref<125xi32, #tpu.memory_space<vmem>>
    %dma_wait3A_65 = arith.constant 0 : i32
    %dma_wait3A_66 = arith.constant 0 : i32
    %dma_wait3A_67 = tpu.memref_slice %arg11[%dma_wait3A_65, %dma_wait3A_66] : memref<10240x64xf32, #tpu.memory_space<vmem_shared>> -> memref<10240x64xf32, #tpu.memory_space<vmem_shared>>
    tpu.wait_indirect_dma semaphore(%arg20 : memref<!tpu.dma_semaphore, #tpu.memory_space<semaphore_mem>>) src(%dma_wait3A_61 : memref<125x64xf32, #tpu.memory_space<vmem>>) dst(%dma_wait3A_67 : memref<10240x64xf32, #tpu.memory_space<vmem_shared>>)
    %dma_wait3A_68 = arith.constant 4 : i32
    %dma_wait3A_69 = arith.constant 0 : i32
    %dma_wait3A_70 = arith.constant 0 : i32
    %dma_wait3A_71 = arith.constant 0 : i32
    %dma_wait3A_72 = tpu.memref_slice %arg9[%dma_wait3A_68, %dma_wait3A_70, %dma_wait3A_71] : memref<5x125x64xf32, #tpu.memory_space<vmem>> -> memref<1x125x64xf32, #tpu.memory_space<vmem>>
    %dma_wait3A_73 = tpu.memref_squeeze %dma_wait3A_72 : memref<1x125x64xf32, #tpu.memory_space<vmem>> -> memref<125x64xf32, #tpu.memory_space<vmem>>
    %dma_wait3A_74 = arith.constant 0 : i32
    %dma_wait3A_75 = tpu.memref_slice %arg8[%dma_wait3A_69, %dma_wait3A_74] : memref<80x125xi32, #tpu.memory_space<vmem>> -> memref<1x125xi32, #tpu.memory_space<vmem>>
    %dma_wait3A_76 = tpu.memref_squeeze %dma_wait3A_75 : memref<1x125xi32, #tpu.memory_space<vmem>> -> memref<125xi32, #tpu.memory_space<vmem>>
    %dma_wait3A_77 = arith.constant 0 : i32
    %dma_wait3A_78 = arith.constant 0 : i32
    %dma_wait3A_79 = tpu.memref_slice %arg11[%dma_wait3A_77, %dma_wait3A_78] : memref<10240x64xf32, #tpu.memory_space<vmem_shared>> -> memref<10240x64xf32, #tpu.memory_space<vmem_shared>>
    tpu.wait_indirect_dma semaphore(%arg21 : memref<!tpu.dma_semaphore, #tpu.memory_space<semaphore_mem>>) src(%dma_wait3A_73 : memref<125x64xf32, #tpu.memory_space<vmem>>) dst(%dma_wait3A_79 : memref<10240x64xf32, #tpu.memory_space<vmem_shared>>)
    %barrier3A_80 = arith.constant 0 : index
    tpu.barrier barrier_id(%barrier3A_80)
    %eq3A = arith.constant 0 : i32
    %eq3A_81 = arith.cmpi eq, %arg0, %eq3A : i32
    %convert_element_type3A = arith.extui %eq3A_81 : i1 to i32
    %cond3A = arith.constant 0 : i32
    %cond3A_82 = arith.cmpi ne, %convert_element_type3A, %cond3A : i32
    scf.if %cond3A_82 {
      %mul3A_174 = arith.constant 640 : i32
      %mul3A_175 = arith.muli %arg1, %mul3A_174 : i32
      %mul3A_176 = arith.constant 640 : i32
      %mul3A_177 = arith.muli %arg1, %mul3A_176 : i32
      "tpu.region"() ({
        %run_scoped3A_178 = tpu.sem_alloc : memref<!tpu.dma_semaphore, #tpu.memory_space<semaphore_mem>>
        %dma_start3A_179 = arith.constant 0 : i32
        %dma_start3A_180 = tpu.memref_slice %arg5[%mul3A_177, %dma_start3A_179] : memref<10240x128xf32, #tpu.memory_space<hbm>> -> memref<640x64xf32, #tpu.memory_space<hbm>>
        %dma_start3A_181 = arith.constant 0 : i32
        %dma_start3A_182 = tpu.memref_slice %arg11[%mul3A_175, %dma_start3A_181] : memref<10240x64xf32, #tpu.memory_space<vmem_shared>> -> memref<640x64xf32, #tpu.memory_space<vmem_shared>>
        tpu.enqueue_dma source(%dma_start3A_182 : memref<640x64xf32, #tpu.memory_space<vmem_shared>>) target(%dma_start3A_180 : memref<640x64xf32, #tpu.memory_space<hbm>>) target_semaphore(%run_scoped3A_178 : memref<!tpu.dma_semaphore, #tpu.memory_space<semaphore_mem>>)
        %dma_wait3A_183 = arith.constant 0 : i32
        %dma_wait3A_184 = tpu.memref_slice %arg5[%mul3A_177, %dma_wait3A_183] : memref<10240x128xf32, #tpu.memory_space<hbm>> -> memref<640x64xf32, #tpu.memory_space<hbm>>
        %dma_wait3A_185 = arith.constant 0 : i32
        %dma_wait3A_186 = tpu.memref_slice %arg11[%mul3A_175, %dma_wait3A_185] : memref<10240x64xf32, #tpu.memory_space<vmem_shared>> -> memref<640x64xf32, #tpu.memory_space<vmem_shared>>
        tpu.wait_dma2 semaphore(%run_scoped3A_178 : memref<!tpu.dma_semaphore, #tpu.memory_space<semaphore_mem>>) src(%dma_wait3A_186 : memref<640x64xf32, #tpu.memory_space<vmem_shared>>) dst(%dma_wait3A_184 : memref<640x64xf32, #tpu.memory_space<hbm>>)
        tpu.yield
      }) : () -> ()
    } else {
    }
    %eq3A_83 = arith.constant 1 : i32
    %eq3A_84 = arith.cmpi eq, %arg0, %eq3A_83 : i32
    %convert_element_type3A_85 = arith.extui %eq3A_84 : i1 to i32
    %cond3A_86 = arith.constant 0 : i32
    %cond3A_87 = arith.cmpi ne, %convert_element_type3A_85, %cond3A_86 : i32
    scf.if %cond3A_87 {
      %mul3A_174 = arith.constant 640 : i32
      %mul3A_175 = arith.muli %arg1, %mul3A_174 : i32
      %mul3A_176 = arith.constant 640 : i32
      %mul3A_177 = arith.muli %arg1, %mul3A_176 : i32
      "tpu.region"() ({
        %run_scoped3A_178 = tpu.sem_alloc : memref<!tpu.dma_semaphore, #tpu.memory_space<semaphore_mem>>
        %dma_start3A_179 = arith.constant 0 : i32
        %dma_start3A_180 = tpu.memref_slice %arg6[%mul3A_177, %dma_start3A_179] : memref<10240x128xf32, #tpu.memory_space<hbm>> -> memref<640x64xf32, #tpu.memory_space<hbm>>
        %dma_start3A_181 = arith.constant 0 : i32
        %dma_start3A_182 = tpu.memref_slice %arg11[%mul3A_175, %dma_start3A_181] : memref<10240x64xf32, #tpu.memory_space<vmem_shared>> -> memref<640x64xf32, #tpu.memory_space<vmem_shared>>
        tpu.enqueue_dma source(%dma_start3A_182 : memref<640x64xf32, #tpu.memory_space<vmem_shared>>) target(%dma_start3A_180 : memref<640x64xf32, #tpu.memory_space<hbm>>) target_semaphore(%run_scoped3A_178 : memref<!tpu.dma_semaphore, #tpu.memory_space<semaphore_mem>>)
        %dma_wait3A_183 = arith.constant 0 : i32
        %dma_wait3A_184 = tpu.memref_slice %arg6[%mul3A_177, %dma_wait3A_183] : memref<10240x128xf32, #tpu.memory_space<hbm>> -> memref<640x64xf32, #tpu.memory_space<hbm>>
        %dma_wait3A_185 = arith.constant 0 : i32
        %dma_wait3A_186 = tpu.memref_slice %arg11[%mul3A_175, %dma_wait3A_185] : memref<10240x64xf32, #tpu.memory_space<vmem_shared>> -> memref<640x64xf32, #tpu.memory_space<vmem_shared>>
        tpu.wait_dma2 semaphore(%run_scoped3A_178 : memref<!tpu.dma_semaphore, #tpu.memory_space<semaphore_mem>>) src(%dma_wait3A_186 : memref<640x64xf32, #tpu.memory_space<vmem_shared>>) dst(%dma_wait3A_184 : memref<640x64xf32, #tpu.memory_space<hbm>>)
        tpu.yield
      }) : () -> ()
    } else {
    }
    %scan3A_88 = arith.constant 0 : i32
    %scan3A_89 = arith.constant 0 : i32
    %scan3A_90 = arith.constant 10 : i32
    %scan3A_91 = arith.addi %scan3A_89, %scan3A_90 : i32
    %scan3A_92 = arith.constant 1 : i32
    %scan3A_93 = scf.for %scan3A_174 = %scan3A_89 to %scan3A_91 step %scan3A_92 iter_args(%scan3A_175 = %scan3A_88) -> (i32)  : i32 {
      %mul3A_176 = arith.constant 640 : i32
      %mul3A_177 = arith.muli %arg1, %mul3A_176 : i32
      %mul3A_178 = arith.constant 64 : i32
      %mul3A_179 = arith.muli %scan3A_174, %mul3A_178 : i32
      %add3A_180 = arith.addi %mul3A_177, %mul3A_179 : i32
      "tpu.region"() ({
        %run_scoped3A_182 = tpu.sem_alloc : memref<!tpu.dma_semaphore, #tpu.memory_space<semaphore_mem>>
        %dma_start3A_183 = arith.constant 0 : i32
        %dma_start3A_184 = tpu.memref_slice %arg11[%add3A_180, %dma_start3A_183] : memref<10240x64xf32, #tpu.memory_space<vmem_shared>> -> memref<64x64xf32, #tpu.memory_space<vmem_shared>>
        %dma_start3A_185 = arith.constant 0 : i32
        %dma_start3A_186 = tpu.memref_slice %arg11[%add3A_180, %dma_start3A_185] : memref<10240x64xf32, #tpu.memory_space<vmem_shared>> -> memref<64x64xf32, #tpu.memory_space<vmem_shared>>
        tpu.enqueue_dma source(%arg10 : memref<64x64xf32, #tpu.memory_space<vmem>>) target(%dma_start3A_186 : memref<64x64xf32, #tpu.memory_space<vmem_shared>>) target_semaphore(%run_scoped3A_182 : memref<!tpu.dma_semaphore, #tpu.memory_space<semaphore_mem>>)
        %dma_wait3A_187 = arith.constant 0 : i32
        %dma_wait3A_188 = tpu.memref_slice %arg11[%add3A_180, %dma_wait3A_187] : memref<10240x64xf32, #tpu.memory_space<vmem_shared>> -> memref<64x64xf32, #tpu.memory_space<vmem_shared>>
        %dma_wait3A_189 = arith.constant 0 : i32
        %dma_wait3A_190 = tpu.memref_slice %arg11[%add3A_180, %dma_wait3A_189] : memref<10240x64xf32, #tpu.memory_space<vmem_shared>> -> memref<64x64xf32, #tpu.memory_space<vmem_shared>>
        tpu.wait_dma2 semaphore(%run_scoped3A_182 : memref<!tpu.dma_semaphore, #tpu.memory_space<semaphore_mem>>) src(%arg10 : memref<64x64xf32, #tpu.memory_space<vmem>>) dst(%dma_wait3A_190 : memref<64x64xf32, #tpu.memory_space<vmem_shared>>)
        tpu.yield
      }) : () -> ()
      %scan3A_181 = arith.constant 0 : i32
      scf.yield %scan3A_181 : i32
    }
    %scan3A_94 = arith.constant 10 : i32
    %barrier3A_95 = arith.constant 0 : index
    tpu.barrier barrier_id(%barrier3A_95)
    %dma_start3A_96 = arith.constant 0 : i32
    %dma_start3A_97 = arith.constant 0 : i32
    %dma_start3A_98 = arith.constant 0 : i32
    %dma_start3A_99 = arith.constant 0 : i32
    %dma_start3A_100 = tpu.memref_slice %arg9[%dma_start3A_97, %dma_start3A_98, %dma_start3A_99] : memref<5x125x64xf32, #tpu.memory_space<vmem>> -> memref<1x125x64xf32, #tpu.memory_space<vmem>>
    %dma_start3A_101 = tpu.memref_squeeze %dma_start3A_100 : memref<1x125x64xf32, #tpu.memory_space<vmem>> -> memref<125x64xf32, #tpu.memory_space<vmem>>
    %dma_start3A_102 = arith.constant 0 : i32
    %dma_start3A_103 = tpu.memref_slice %arg7[%dma_start3A_96, %dma_start3A_102] : memref<80x125xi32, #tpu.memory_space<vmem>> -> memref<1x125xi32, #tpu.memory_space<vmem>>
    %dma_start3A_104 = tpu.memref_squeeze %dma_start3A_103 : memref<1x125xi32, #tpu.memory_space<vmem>> -> memref<125xi32, #tpu.memory_space<vmem>>
    %dma_start3A_105 = arith.constant 0 : i32
    %dma_start3A_106 = arith.constant 0 : i32
    %dma_start3A_107 = tpu.memref_slice %arg3[%dma_start3A_105, %dma_start3A_106] : memref<10000x64xf32, #tpu.memory_space<hbm>> -> memref<10000x64xf32, #tpu.memory_space<hbm>>
    tpu.enqueue_indirect_dma source(%dma_start3A_107 : memref<10000x64xf32, #tpu.memory_space<hbm>>) target(%dma_start3A_101 : memref<125x64xf32, #tpu.memory_space<vmem>>) offsets(%dma_start3A_104 : memref<125xi32, #tpu.memory_space<vmem>>) semaphore(%arg12 : memref<!tpu.dma_semaphore, #tpu.memory_space<semaphore_mem>>)
    %dma_start3A_108 = arith.constant 1 : i32
    %dma_start3A_109 = arith.constant 1 : i32
    %dma_start3A_110 = arith.constant 0 : i32
    %dma_start3A_111 = arith.constant 0 : i32
    %dma_start3A_112 = tpu.memref_slice %arg9[%dma_start3A_109, %dma_start3A_110, %dma_start3A_111] : memref<5x125x64xf32, #tpu.memory_space<vmem>> -> memref<1x125x64xf32, #tpu.memory_space<vmem>>
    %dma_start3A_113 = tpu.memref_squeeze %dma_start3A_112 : memref<1x125x64xf32, #tpu.memory_space<vmem>> -> memref<125x64xf32, #tpu.memory_space<vmem>>
    %dma_start3A_114 = arith.constant 0 : i32
    %dma_start3A_115 = tpu.memref_slice %arg7[%dma_start3A_108, %dma_start3A_114] : memref<80x125xi32, #tpu.memory_space<vmem>> -> memref<1x125xi32, #tpu.memory_space<vmem>>
    %dma_start3A_116 = tpu.memref_squeeze %dma_start3A_115 : memref<1x125xi32, #tpu.memory_space<vmem>> -> memref<125xi32, #tpu.memory_space<vmem>>
    %dma_start3A_117 = arith.constant 0 : i32
    %dma_start3A_118 = arith.constant 0 : i32
    %dma_start3A_119 = tpu.memref_slice %arg3[%dma_start3A_117, %dma_start3A_118] : memref<10000x64xf32, #tpu.memory_space<hbm>> -> memref<10000x64xf32, #tpu.memory_space<hbm>>
    tpu.enqueue_indirect_dma source(%dma_start3A_119 : memref<10000x64xf32, #tpu.memory_space<hbm>>) target(%dma_start3A_113 : memref<125x64xf32, #tpu.memory_space<vmem>>) offsets(%dma_start3A_116 : memref<125xi32, #tpu.memory_space<vmem>>) semaphore(%arg13 : memref<!tpu.dma_semaphore, #tpu.memory_space<semaphore_mem>>)
    %dma_start3A_120 = arith.constant 2 : i32
    %dma_start3A_121 = arith.constant 2 : i32
    %dma_start3A_122 = arith.constant 0 : i32
    %dma_start3A_123 = arith.constant 0 : i32
    %dma_start3A_124 = tpu.memref_slice %arg9[%dma_start3A_121, %dma_start3A_122, %dma_start3A_123] : memref<5x125x64xf32, #tpu.memory_space<vmem>> -> memref<1x125x64xf32, #tpu.memory_space<vmem>>
    %dma_start3A_125 = tpu.memref_squeeze %dma_start3A_124 : memref<1x125x64xf32, #tpu.memory_space<vmem>> -> memref<125x64xf32, #tpu.memory_space<vmem>>
    %dma_start3A_126 = arith.constant 0 : i32
    %dma_start3A_127 = tpu.memref_slice %arg7[%dma_start3A_120, %dma_start3A_126] : memref<80x125xi32, #tpu.memory_space<vmem>> -> memref<1x125xi32, #tpu.memory_space<vmem>>
    %dma_start3A_128 = tpu.memref_squeeze %dma_start3A_127 : memref<1x125xi32, #tpu.memory_space<vmem>> -> memref<125xi32, #tpu.memory_space<vmem>>
    %dma_start3A_129 = arith.constant 0 : i32
    %dma_start3A_130 = arith.constant 0 : i32
    %dma_start3A_131 = tpu.memref_slice %arg3[%dma_start3A_129, %dma_start3A_130] : memref<10000x64xf32, #tpu.memory_space<hbm>> -> memref<10000x64xf32, #tpu.memory_space<hbm>>
    tpu.enqueue_indirect_dma source(%dma_start3A_131 : memref<10000x64xf32, #tpu.memory_space<hbm>>) target(%dma_start3A_125 : memref<125x64xf32, #tpu.memory_space<vmem>>) offsets(%dma_start3A_128 : memref<125xi32, #tpu.memory_space<vmem>>) semaphore(%arg14 : memref<!tpu.dma_semaphore, #tpu.memory_space<semaphore_mem>>)
    %scan3A_132 = arith.constant 0 : i32
    %scan3A_133 = arith.constant 0 : i32
    %scan3A_134 = arith.constant 16 : i32
    %scan3A_135 = arith.addi %scan3A_133, %scan3A_134 : i32
    %scan3A_136 = arith.constant 1 : i32
    %scan3A_137 = scf.for %scan3A_174 = %scan3A_133 to %scan3A_135 step %scan3A_136 iter_args(%scan3A_175 = %scan3A_132) -> (i32)  : i32 {
      %mul3A_176 = arith.constant 5 : i32
      %mul3A_177 = arith.muli %scan3A_174, %mul3A_176 : i32
      %add3A_178 = arith.constant 0 : i32
      %add3A_179 = arith.addi %mul3A_177, %add3A_178 : i32
      %sub3A = arith.constant 2 : i32
      %sub3A_180 = arith.subi %add3A_179, %sub3A : i32
      %ge3A = arith.constant 0 : i32
      %ge3A_181 = arith.cmpi sge, %sub3A_180, %ge3A : i32
      %convert_element_type3A_182 = arith.extui %ge3A_181 : i1 to i32
      %cond3A_183 = arith.constant 0 : i32
      %cond3A_184 = arith.cmpi ne, %convert_element_type3A_182, %cond3A_183 : i32
      scf.if %cond3A_184 {
        %dma_wait3A_374 = arith.constant 3 : i32
        %dma_wait3A_375 = arith.constant 0 : i32
        %dma_wait3A_376 = arith.constant 0 : i32
        %dma_wait3A_377 = arith.constant 0 : i32
        %dma_wait3A_378 = tpu.memref_slice %arg9[%dma_wait3A_374, %dma_wait3A_376, %dma_wait3A_377] : memref<5x125x64xf32, #tpu.memory_space<vmem>> -> memref<1x125x64xf32, #tpu.memory_space<vmem>>
        %dma_wait3A_379 = tpu.memref_squeeze %dma_wait3A_378 : memref<1x125x64xf32, #tpu.memory_space<vmem>> -> memref<125x64xf32, #tpu.memory_space<vmem>>
        %dma_wait3A_380 = arith.constant 0 : i32
        %dma_wait3A_381 = tpu.memref_slice %arg8[%dma_wait3A_375, %dma_wait3A_380] : memref<80x125xi32, #tpu.memory_space<vmem>> -> memref<1x125xi32, #tpu.memory_space<vmem>>
        %dma_wait3A_382 = tpu.memref_squeeze %dma_wait3A_381 : memref<1x125xi32, #tpu.memory_space<vmem>> -> memref<125xi32, #tpu.memory_space<vmem>>
        %dma_wait3A_383 = arith.constant 0 : i32
        %dma_wait3A_384 = arith.constant 0 : i32
        %dma_wait3A_385 = tpu.memref_slice %arg11[%dma_wait3A_383, %dma_wait3A_384] : memref<10240x64xf32, #tpu.memory_space<vmem_shared>> -> memref<10240x64xf32, #tpu.memory_space<vmem_shared>>
        tpu.wait_indirect_dma semaphore(%arg20 : memref<!tpu.dma_semaphore, #tpu.memory_space<semaphore_mem>>) src(%dma_wait3A_379 : memref<125x64xf32, #tpu.memory_space<vmem>>) dst(%dma_wait3A_385 : memref<10240x64xf32, #tpu.memory_space<vmem_shared>>)
      } else {
      }
      %add3A_185 = arith.constant 3 : i32
      %add3A_186 = arith.addi %add3A_179, %add3A_185 : i32
      %lt3A = arith.constant 80 : i32
      %lt3A_187 = arith.cmpi slt, %add3A_186, %lt3A : i32
      %convert_element_type3A_188 = arith.extui %lt3A_187 : i1 to i32
      %cond3A_189 = arith.constant 0 : i32
      %cond3A_190 = arith.cmpi ne, %convert_element_type3A_188, %cond3A_189 : i32
      scf.if %cond3A_190 {
        %add3A_374 = arith.constant 3 : i32
        %add3A_375 = arith.addi %add3A_179, %add3A_374 : i32
        %dma_start3A_376 = arith.constant 3 : i32
        %dma_start3A_377 = arith.constant 0 : i32
        %dma_start3A_378 = arith.constant 0 : i32
        %dma_start3A_379 = tpu.memref_slice %arg9[%dma_start3A_376, %dma_start3A_377, %dma_start3A_378] : memref<5x125x64xf32, #tpu.memory_space<vmem>> -> memref<1x125x64xf32, #tpu.memory_space<vmem>>
        %dma_start3A_380 = tpu.memref_squeeze %dma_start3A_379 : memref<1x125x64xf32, #tpu.memory_space<vmem>> -> memref<125x64xf32, #tpu.memory_space<vmem>>
        %dma_start3A_381 = arith.constant 0 : i32
        %dma_start3A_382 = tpu.memref_slice %arg7[%add3A_375, %dma_start3A_381] : memref<80x125xi32, #tpu.memory_space<vmem>> -> memref<1x125xi32, #tpu.memory_space<vmem>>
        %dma_start3A_383 = tpu.memref_squeeze %dma_start3A_382 : memref<1x125xi32, #tpu.memory_space<vmem>> -> memref<125xi32, #tpu.memory_space<vmem>>
        %dma_start3A_384 = arith.constant 0 : i32
        %dma_start3A_385 = arith.constant 0 : i32
        %dma_start3A_386 = tpu.memref_slice %arg3[%dma_start3A_384, %dma_start3A_385] : memref<10000x64xf32, #tpu.memory_space<hbm>> -> memref<10000x64xf32, #tpu.memory_space<hbm>>
        tpu.enqueue_indirect_dma source(%dma_start3A_386 : memref<10000x64xf32, #tpu.memory_space<hbm>>) target(%dma_start3A_380 : memref<125x64xf32, #tpu.memory_space<vmem>>) offsets(%dma_start3A_383 : memref<125xi32, #tpu.memory_space<vmem>>) semaphore(%arg15 : memref<!tpu.dma_semaphore, #tpu.memory_space<semaphore_mem>>)
      } else {
      }
      %dma_wait3A_191 = arith.constant 0 : i32
      %dma_wait3A_192 = arith.constant 0 : i32
      %dma_wait3A_193 = arith.constant 0 : i32
      %dma_wait3A_194 = tpu.memref_slice %arg9[%dma_wait3A_191, %dma_wait3A_192, %dma_wait3A_193] : memref<5x125x64xf32, #tpu.memory_space<vmem>> -> memref<1x125x64xf32, #tpu.memory_space<vmem>>
      %dma_wait3A_195 = tpu.memref_squeeze %dma_wait3A_194 : memref<1x125x64xf32, #tpu.memory_space<vmem>> -> memref<125x64xf32, #tpu.memory_space<vmem>>
      %dma_wait3A_196 = arith.constant 0 : i32
      %dma_wait3A_197 = tpu.memref_slice %arg7[%add3A_179, %dma_wait3A_196] : memref<80x125xi32, #tpu.memory_space<vmem>> -> memref<1x125xi32, #tpu.memory_space<vmem>>
      %dma_wait3A_198 = tpu.memref_squeeze %dma_wait3A_197 : memref<1x125xi32, #tpu.memory_space<vmem>> -> memref<125xi32, #tpu.memory_space<vmem>>
      %dma_wait3A_199 = arith.constant 0 : i32
      %dma_wait3A_200 = arith.constant 0 : i32
      %dma_wait3A_201 = tpu.memref_slice %arg3[%dma_wait3A_199, %dma_wait3A_200] : memref<10000x64xf32, #tpu.memory_space<hbm>> -> memref<10000x64xf32, #tpu.memory_space<hbm>>
      tpu.wait_indirect_dma semaphore(%arg12 : memref<!tpu.dma_semaphore, #tpu.memory_space<semaphore_mem>>) src(%dma_wait3A_201 : memref<10000x64xf32, #tpu.memory_space<hbm>>) dst(%dma_wait3A_195 : memref<125x64xf32, #tpu.memory_space<vmem>>)
      %dma_start3A_202 = arith.constant 0 : i32
      %dma_start3A_203 = arith.constant 0 : i32
      %dma_start3A_204 = arith.constant 0 : i32
      %dma_start3A_205 = tpu.memref_slice %arg9[%dma_start3A_202, %dma_start3A_203, %dma_start3A_204] : memref<5x125x64xf32, #tpu.memory_space<vmem>> -> memref<1x125x64xf32, #tpu.memory_space<vmem>>
      %dma_start3A_206 = tpu.memref_squeeze %dma_start3A_205 : memref<1x125x64xf32, #tpu.memory_space<vmem>> -> memref<125x64xf32, #tpu.memory_space<vmem>>
      %dma_start3A_207 = arith.constant 0 : i32
      %dma_start3A_208 = tpu.memref_slice %arg8[%add3A_179, %dma_start3A_207] : memref<80x125xi32, #tpu.memory_space<vmem>> -> memref<1x125xi32, #tpu.memory_space<vmem>>
      %dma_start3A_209 = tpu.memref_squeeze %dma_start3A_208 : memref<1x125xi32, #tpu.memory_space<vmem>> -> memref<125xi32, #tpu.memory_space<vmem>>
      %dma_start3A_210 = arith.constant 0 : i32
      %dma_start3A_211 = arith.constant 0 : i32
      %dma_start3A_212 = tpu.memref_slice %arg11[%dma_start3A_210, %dma_start3A_211] : memref<10240x64xf32, #tpu.memory_space<vmem_shared>> -> memref<10240x64xf32, #tpu.memory_space<vmem_shared>>
      tpu.enqueue_indirect_dma source(%dma_start3A_206 : memref<125x64xf32, #tpu.memory_space<vmem>>) target(%dma_start3A_212 : memref<10240x64xf32, #tpu.memory_space<vmem_shared>>) offsets(%dma_start3A_209 : memref<125xi32, #tpu.memory_space<vmem>>) semaphore(%arg17 : memref<!tpu.dma_semaphore, #tpu.memory_space<semaphore_mem>>) {add = true}
      %mul3A_213 = arith.constant 5 : i32
      %mul3A_214 = arith.muli %scan3A_174, %mul3A_213 : i32
      %add3A_215 = arith.constant 1 : i32
      %add3A_216 = arith.addi %mul3A_214, %add3A_215 : i32
      %sub3A_217 = arith.constant 2 : i32
      %sub3A_218 = arith.subi %add3A_216, %sub3A_217 : i32
      %ge3A_219 = arith.constant 0 : i32
      %ge3A_220 = arith.cmpi sge, %sub3A_218, %ge3A_219 : i32
      %convert_element_type3A_221 = arith.extui %ge3A_220 : i1 to i32
      %cond3A_222 = arith.constant 0 : i32
      %cond3A_223 = arith.cmpi ne, %convert_element_type3A_221, %cond3A_222 : i32
      scf.if %cond3A_223 {
        %dma_wait3A_374 = arith.constant 4 : i32
        %dma_wait3A_375 = arith.constant 0 : i32
        %dma_wait3A_376 = arith.constant 0 : i32
        %dma_wait3A_377 = arith.constant 0 : i32
        %dma_wait3A_378 = tpu.memref_slice %arg9[%dma_wait3A_374, %dma_wait3A_376, %dma_wait3A_377] : memref<5x125x64xf32, #tpu.memory_space<vmem>> -> memref<1x125x64xf32, #tpu.memory_space<vmem>>
        %dma_wait3A_379 = tpu.memref_squeeze %dma_wait3A_378 : memref<1x125x64xf32, #tpu.memory_space<vmem>> -> memref<125x64xf32, #tpu.memory_space<vmem>>
        %dma_wait3A_380 = arith.constant 0 : i32
        %dma_wait3A_381 = tpu.memref_slice %arg8[%dma_wait3A_375, %dma_wait3A_380] : memref<80x125xi32, #tpu.memory_space<vmem>> -> memref<1x125xi32, #tpu.memory_space<vmem>>
        %dma_wait3A_382 = tpu.memref_squeeze %dma_wait3A_381 : memref<1x125xi32, #tpu.memory_space<vmem>> -> memref<125xi32, #tpu.memory_space<vmem>>
        %dma_wait3A_383 = arith.constant 0 : i32
        %dma_wait3A_384 = arith.constant 0 : i32
        %dma_wait3A_385 = tpu.memref_slice %arg11[%dma_wait3A_383, %dma_wait3A_384] : memref<10240x64xf32, #tpu.memory_space<vmem_shared>> -> memref<10240x64xf32, #tpu.memory_space<vmem_shared>>
        tpu.wait_indirect_dma semaphore(%arg21 : memref<!tpu.dma_semaphore, #tpu.memory_space<semaphore_mem>>) src(%dma_wait3A_379 : memref<125x64xf32, #tpu.memory_space<vmem>>) dst(%dma_wait3A_385 : memref<10240x64xf32, #tpu.memory_space<vmem_shared>>)
      } else {
      }
      %add3A_224 = arith.constant 3 : i32
      %add3A_225 = arith.addi %add3A_216, %add3A_224 : i32
      %lt3A_226 = arith.constant 80 : i32
      %lt3A_227 = arith.cmpi slt, %add3A_225, %lt3A_226 : i32
      %convert_element_type3A_228 = arith.extui %lt3A_227 : i1 to i32
      %cond3A_229 = arith.constant 0 : i32
      %cond3A_230 = arith.cmpi ne, %convert_element_type3A_228, %cond3A_229 : i32
      scf.if %cond3A_230 {
        %add3A_374 = arith.constant 3 : i32
        %add3A_375 = arith.addi %add3A_216, %add3A_374 : i32
        %dma_start3A_376 = arith.constant 4 : i32
        %dma_start3A_377 = arith.constant 0 : i32
        %dma_start3A_378 = arith.constant 0 : i32
        %dma_start3A_379 = tpu.memref_slice %arg9[%dma_start3A_376, %dma_start3A_377, %dma_start3A_378] : memref<5x125x64xf32, #tpu.memory_space<vmem>> -> memref<1x125x64xf32, #tpu.memory_space<vmem>>
        %dma_start3A_380 = tpu.memref_squeeze %dma_start3A_379 : memref<1x125x64xf32, #tpu.memory_space<vmem>> -> memref<125x64xf32, #tpu.memory_space<vmem>>
        %dma_start3A_381 = arith.constant 0 : i32
        %dma_start3A_382 = tpu.memref_slice %arg7[%add3A_375, %dma_start3A_381] : memref<80x125xi32, #tpu.memory_space<vmem>> -> memref<1x125xi32, #tpu.memory_space<vmem>>
        %dma_start3A_383 = tpu.memref_squeeze %dma_start3A_382 : memref<1x125xi32, #tpu.memory_space<vmem>> -> memref<125xi32, #tpu.memory_space<vmem>>
        %dma_start3A_384 = arith.constant 0 : i32
        %dma_start3A_385 = arith.constant 0 : i32
        %dma_start3A_386 = tpu.memref_slice %arg3[%dma_start3A_384, %dma_start3A_385] : memref<10000x64xf32, #tpu.memory_space<hbm>> -> memref<10000x64xf32, #tpu.memory_space<hbm>>
        tpu.enqueue_indirect_dma source(%dma_start3A_386 : memref<10000x64xf32, #tpu.memory_space<hbm>>) target(%dma_start3A_380 : memref<125x64xf32, #tpu.memory_space<vmem>>) offsets(%dma_start3A_383 : memref<125xi32, #tpu.memory_space<vmem>>) semaphore(%arg16 : memref<!tpu.dma_semaphore, #tpu.memory_space<semaphore_mem>>)
      } else {
      }
      %dma_wait3A_231 = arith.constant 1 : i32
      %dma_wait3A_232 = arith.constant 0 : i32
      %dma_wait3A_233 = arith.constant 0 : i32
      %dma_wait3A_234 = tpu.memref_slice %arg9[%dma_wait3A_231, %dma_wait3A_232, %dma_wait3A_233] : memref<5x125x64xf32, #tpu.memory_space<vmem>> -> memref<1x125x64xf32, #tpu.memory_space<vmem>>
      %dma_wait3A_235 = tpu.memref_squeeze %dma_wait3A_234 : memref<1x125x64xf32, #tpu.memory_space<vmem>> -> memref<125x64xf32, #tpu.memory_space<vmem>>
      %dma_wait3A_236 = arith.constant 0 : i32
      %dma_wait3A_237 = tpu.memref_slice %arg7[%add3A_216, %dma_wait3A_236] : memref<80x125xi32, #tpu.memory_space<vmem>> -> memref<1x125xi32, #tpu.memory_space<vmem>>
      %dma_wait3A_238 = tpu.memref_squeeze %dma_wait3A_237 : memref<1x125xi32, #tpu.memory_space<vmem>> -> memref<125xi32, #tpu.memory_space<vmem>>
      %dma_wait3A_239 = arith.constant 0 : i32
      %dma_wait3A_240 = arith.constant 0 : i32
      %dma_wait3A_241 = tpu.memref_slice %arg3[%dma_wait3A_239, %dma_wait3A_240] : memref<10000x64xf32, #tpu.memory_space<hbm>> -> memref<10000x64xf32, #tpu.memory_space<hbm>>
      tpu.wait_indirect_dma semaphore(%arg13 : memref<!tpu.dma_semaphore, #tpu.memory_space<semaphore_mem>>) src(%dma_wait3A_241 : memref<10000x64xf32, #tpu.memory_space<hbm>>) dst(%dma_wait3A_235 : memref<125x64xf32, #tpu.memory_space<vmem>>)
      %dma_start3A_242 = arith.constant 1 : i32
      %dma_start3A_243 = arith.constant 0 : i32
      %dma_start3A_244 = arith.constant 0 : i32
      %dma_start3A_245 = tpu.memref_slice %arg9[%dma_start3A_242, %dma_start3A_243, %dma_start3A_244] : memref<5x125x64xf32, #tpu.memory_space<vmem>> -> memref<1x125x64xf32, #tpu.memory_space<vmem>>
      %dma_start3A_246 = tpu.memref_squeeze %dma_start3A_245 : memref<1x125x64xf32, #tpu.memory_space<vmem>> -> memref<125x64xf32, #tpu.memory_space<vmem>>
      %dma_start3A_247 = arith.constant 0 : i32
      %dma_start3A_248 = tpu.memref_slice %arg8[%add3A_216, %dma_start3A_247] : memref<80x125xi32, #tpu.memory_space<vmem>> -> memref<1x125xi32, #tpu.memory_space<vmem>>
      %dma_start3A_249 = tpu.memref_squeeze %dma_start3A_248 : memref<1x125xi32, #tpu.memory_space<vmem>> -> memref<125xi32, #tpu.memory_space<vmem>>
      %dma_start3A_250 = arith.constant 0 : i32
      %dma_start3A_251 = arith.constant 0 : i32
      %dma_start3A_252 = tpu.memref_slice %arg11[%dma_start3A_250, %dma_start3A_251] : memref<10240x64xf32, #tpu.memory_space<vmem_shared>> -> memref<10240x64xf32, #tpu.memory_space<vmem_shared>>
      tpu.enqueue_indirect_dma source(%dma_start3A_246 : memref<125x64xf32, #tpu.memory_space<vmem>>) target(%dma_start3A_252 : memref<10240x64xf32, #tpu.memory_space<vmem_shared>>) offsets(%dma_start3A_249 : memref<125xi32, #tpu.memory_space<vmem>>) semaphore(%arg18 : memref<!tpu.dma_semaphore, #tpu.memory_space<semaphore_mem>>) {add = true}
      %mul3A_253 = arith.constant 5 : i32
      %mul3A_254 = arith.muli %scan3A_174, %mul3A_253 : i32
      %add3A_255 = arith.constant 2 : i32
      %add3A_256 = arith.addi %mul3A_254, %add3A_255 : i32
      %sub3A_257 = arith.constant 2 : i32
      %sub3A_258 = arith.subi %add3A_256, %sub3A_257 : i32
      %ge3A_259 = arith.constant 0 : i32
      %ge3A_260 = arith.cmpi sge, %sub3A_258, %ge3A_259 : i32
      %convert_element_type3A_261 = arith.extui %ge3A_260 : i1 to i32
      %cond3A_262 = arith.constant 0 : i32
      %cond3A_263 = arith.cmpi ne, %convert_element_type3A_261, %cond3A_262 : i32
      scf.if %cond3A_263 {
        %dma_wait3A_374 = arith.constant 0 : i32
        %dma_wait3A_375 = arith.constant 0 : i32
        %dma_wait3A_376 = arith.constant 0 : i32
        %dma_wait3A_377 = arith.constant 0 : i32
        %dma_wait3A_378 = tpu.memref_slice %arg9[%dma_wait3A_374, %dma_wait3A_376, %dma_wait3A_377] : memref<5x125x64xf32, #tpu.memory_space<vmem>> -> memref<1x125x64xf32, #tpu.memory_space<vmem>>
        %dma_wait3A_379 = tpu.memref_squeeze %dma_wait3A_378 : memref<1x125x64xf32, #tpu.memory_space<vmem>> -> memref<125x64xf32, #tpu.memory_space<vmem>>
        %dma_wait3A_380 = arith.constant 0 : i32
        %dma_wait3A_381 = tpu.memref_slice %arg8[%dma_wait3A_375, %dma_wait3A_380] : memref<80x125xi32, #tpu.memory_space<vmem>> -> memref<1x125xi32, #tpu.memory_space<vmem>>
        %dma_wait3A_382 = tpu.memref_squeeze %dma_wait3A_381 : memref<1x125xi32, #tpu.memory_space<vmem>> -> memref<125xi32, #tpu.memory_space<vmem>>
        %dma_wait3A_383 = arith.constant 0 : i32
        %dma_wait3A_384 = arith.constant 0 : i32
        %dma_wait3A_385 = tpu.memref_slice %arg11[%dma_wait3A_383, %dma_wait3A_384] : memref<10240x64xf32, #tpu.memory_space<vmem_shared>> -> memref<10240x64xf32, #tpu.memory_space<vmem_shared>>
        tpu.wait_indirect_dma semaphore(%arg17 : memref<!tpu.dma_semaphore, #tpu.memory_space<semaphore_mem>>) src(%dma_wait3A_379 : memref<125x64xf32, #tpu.memory_space<vmem>>) dst(%dma_wait3A_385 : memref<10240x64xf32, #tpu.memory_space<vmem_shared>>)
      } else {
      }
      %add3A_264 = arith.constant 3 : i32
      %add3A_265 = arith.addi %add3A_256, %add3A_264 : i32
      %lt3A_266 = arith.constant 80 : i32
      %lt3A_267 = arith.cmpi slt, %add3A_265, %lt3A_266 : i32
      %convert_element_type3A_268 = arith.extui %lt3A_267 : i1 to i32
      %cond3A_269 = arith.constant 0 : i32
      %cond3A_270 = arith.cmpi ne, %convert_element_type3A_268, %cond3A_269 : i32
      scf.if %cond3A_270 {
        %add3A_374 = arith.constant 3 : i32
        %add3A_375 = arith.addi %add3A_256, %add3A_374 : i32
        %dma_start3A_376 = arith.constant 0 : i32
        %dma_start3A_377 = arith.constant 0 : i32
        %dma_start3A_378 = arith.constant 0 : i32
        %dma_start3A_379 = tpu.memref_slice %arg9[%dma_start3A_376, %dma_start3A_377, %dma_start3A_378] : memref<5x125x64xf32, #tpu.memory_space<vmem>> -> memref<1x125x64xf32, #tpu.memory_space<vmem>>
        %dma_start3A_380 = tpu.memref_squeeze %dma_start3A_379 : memref<1x125x64xf32, #tpu.memory_space<vmem>> -> memref<125x64xf32, #tpu.memory_space<vmem>>
        %dma_start3A_381 = arith.constant 0 : i32
        %dma_start3A_382 = tpu.memref_slice %arg7[%add3A_375, %dma_start3A_381] : memref<80x125xi32, #tpu.memory_space<vmem>> -> memref<1x125xi32, #tpu.memory_space<vmem>>
        %dma_start3A_383 = tpu.memref_squeeze %dma_start3A_382 : memref<1x125xi32, #tpu.memory_space<vmem>> -> memref<125xi32, #tpu.memory_space<vmem>>
        %dma_start3A_384 = arith.constant 0 : i32
        %dma_start3A_385 = arith.constant 0 : i32
        %dma_start3A_386 = tpu.memref_slice %arg3[%dma_start3A_384, %dma_start3A_385] : memref<10000x64xf32, #tpu.memory_space<hbm>> -> memref<10000x64xf32, #tpu.memory_space<hbm>>
        tpu.enqueue_indirect_dma source(%dma_start3A_386 : memref<10000x64xf32, #tpu.memory_space<hbm>>) target(%dma_start3A_380 : memref<125x64xf32, #tpu.memory_space<vmem>>) offsets(%dma_start3A_383 : memref<125xi32, #tpu.memory_space<vmem>>) semaphore(%arg12 : memref<!tpu.dma_semaphore, #tpu.memory_space<semaphore_mem>>)
      } else {
      }
      %dma_wait3A_271 = arith.constant 2 : i32
      %dma_wait3A_272 = arith.constant 0 : i32
      %dma_wait3A_273 = arith.constant 0 : i32
      %dma_wait3A_274 = tpu.memref_slice %arg9[%dma_wait3A_271, %dma_wait3A_272, %dma_wait3A_273] : memref<5x125x64xf32, #tpu.memory_space<vmem>> -> memref<1x125x64xf32, #tpu.memory_space<vmem>>
      %dma_wait3A_275 = tpu.memref_squeeze %dma_wait3A_274 : memref<1x125x64xf32, #tpu.memory_space<vmem>> -> memref<125x64xf32, #tpu.memory_space<vmem>>
      %dma_wait3A_276 = arith.constant 0 : i32
      %dma_wait3A_277 = tpu.memref_slice %arg7[%add3A_256, %dma_wait3A_276] : memref<80x125xi32, #tpu.memory_space<vmem>> -> memref<1x125xi32, #tpu.memory_space<vmem>>
      %dma_wait3A_278 = tpu.memref_squeeze %dma_wait3A_277 : memref<1x125xi32, #tpu.memory_space<vmem>> -> memref<125xi32, #tpu.memory_space<vmem>>
      %dma_wait3A_279 = arith.constant 0 : i32
      %dma_wait3A_280 = arith.constant 0 : i32
      %dma_wait3A_281 = tpu.memref_slice %arg3[%dma_wait3A_279, %dma_wait3A_280] : memref<10000x64xf32, #tpu.memory_space<hbm>> -> memref<10000x64xf32, #tpu.memory_space<hbm>>
      tpu.wait_indirect_dma semaphore(%arg14 : memref<!tpu.dma_semaphore, #tpu.memory_space<semaphore_mem>>) src(%dma_wait3A_281 : memref<10000x64xf32, #tpu.memory_space<hbm>>) dst(%dma_wait3A_275 : memref<125x64xf32, #tpu.memory_space<vmem>>)
      %dma_start3A_282 = arith.constant 2 : i32
      %dma_start3A_283 = arith.constant 0 : i32
      %dma_start3A_284 = arith.constant 0 : i32
      %dma_start3A_285 = tpu.memref_slice %arg9[%dma_start3A_282, %dma_start3A_283, %dma_start3A_284] : memref<5x125x64xf32, #tpu.memory_space<vmem>> -> memref<1x125x64xf32, #tpu.memory_space<vmem>>
      %dma_start3A_286 = tpu.memref_squeeze %dma_start3A_285 : memref<1x125x64xf32, #tpu.memory_space<vmem>> -> memref<125x64xf32, #tpu.memory_space<vmem>>
      %dma_start3A_287 = arith.constant 0 : i32
      %dma_start3A_288 = tpu.memref_slice %arg8[%add3A_256, %dma_start3A_287] : memref<80x125xi32, #tpu.memory_space<vmem>> -> memref<1x125xi32, #tpu.memory_space<vmem>>
      %dma_start3A_289 = tpu.memref_squeeze %dma_start3A_288 : memref<1x125xi32, #tpu.memory_space<vmem>> -> memref<125xi32, #tpu.memory_space<vmem>>
      %dma_start3A_290 = arith.constant 0 : i32
      %dma_start3A_291 = arith.constant 0 : i32
      %dma_start3A_292 = tpu.memref_slice %arg11[%dma_start3A_290, %dma_start3A_291] : memref<10240x64xf32, #tpu.memory_space<vmem_shared>> -> memref<10240x64xf32, #tpu.memory_space<vmem_shared>>
      tpu.enqueue_indirect_dma source(%dma_start3A_286 : memref<125x64xf32, #tpu.memory_space<vmem>>) target(%dma_start3A_292 : memref<10240x64xf32, #tpu.memory_space<vmem_shared>>) offsets(%dma_start3A_289 : memref<125xi32, #tpu.memory_space<vmem>>) semaphore(%arg19 : memref<!tpu.dma_semaphore, #tpu.memory_space<semaphore_mem>>) {add = true}
      %mul3A_293 = arith.constant 5 : i32
      %mul3A_294 = arith.muli %scan3A_174, %mul3A_293 : i32
      %add3A_295 = arith.constant 3 : i32
      %add3A_296 = arith.addi %mul3A_294, %add3A_295 : i32
      %sub3A_297 = arith.constant 2 : i32
      %sub3A_298 = arith.subi %add3A_296, %sub3A_297 : i32
      %ge3A_299 = arith.constant 0 : i32
      %ge3A_300 = arith.cmpi sge, %sub3A_298, %ge3A_299 : i32
      %convert_element_type3A_301 = arith.extui %ge3A_300 : i1 to i32
      %cond3A_302 = arith.constant 0 : i32
      %cond3A_303 = arith.cmpi ne, %convert_element_type3A_301, %cond3A_302 : i32
      scf.if %cond3A_303 {
        %dma_wait3A_374 = arith.constant 1 : i32
        %dma_wait3A_375 = arith.constant 0 : i32
        %dma_wait3A_376 = arith.constant 0 : i32
        %dma_wait3A_377 = arith.constant 0 : i32
        %dma_wait3A_378 = tpu.memref_slice %arg9[%dma_wait3A_374, %dma_wait3A_376, %dma_wait3A_377] : memref<5x125x64xf32, #tpu.memory_space<vmem>> -> memref<1x125x64xf32, #tpu.memory_space<vmem>>
        %dma_wait3A_379 = tpu.memref_squeeze %dma_wait3A_378 : memref<1x125x64xf32, #tpu.memory_space<vmem>> -> memref<125x64xf32, #tpu.memory_space<vmem>>
        %dma_wait3A_380 = arith.constant 0 : i32
        %dma_wait3A_381 = tpu.memref_slice %arg8[%dma_wait3A_375, %dma_wait3A_380] : memref<80x125xi32, #tpu.memory_space<vmem>> -> memref<1x125xi32, #tpu.memory_space<vmem>>
        %dma_wait3A_382 = tpu.memref_squeeze %dma_wait3A_381 : memref<1x125xi32, #tpu.memory_space<vmem>> -> memref<125xi32, #tpu.memory_space<vmem>>
        %dma_wait3A_383 = arith.constant 0 : i32
        %dma_wait3A_384 = arith.constant 0 : i32
        %dma_wait3A_385 = tpu.memref_slice %arg11[%dma_wait3A_383, %dma_wait3A_384] : memref<10240x64xf32, #tpu.memory_space<vmem_shared>> -> memref<10240x64xf32, #tpu.memory_space<vmem_shared>>
        tpu.wait_indirect_dma semaphore(%arg18 : memref<!tpu.dma_semaphore, #tpu.memory_space<semaphore_mem>>) src(%dma_wait3A_379 : memref<125x64xf32, #tpu.memory_space<vmem>>) dst(%dma_wait3A_385 : memref<10240x64xf32, #tpu.memory_space<vmem_shared>>)
      } else {
      }
      %add3A_304 = arith.constant 3 : i32
      %add3A_305 = arith.addi %add3A_296, %add3A_304 : i32
      %lt3A_306 = arith.constant 80 : i32
      %lt3A_307 = arith.cmpi slt, %add3A_305, %lt3A_306 : i32
      %convert_element_type3A_308 = arith.extui %lt3A_307 : i1 to i32
      %cond3A_309 = arith.constant 0 : i32
      %cond3A_310 = arith.cmpi ne, %convert_element_type3A_308, %cond3A_309 : i32
      scf.if %cond3A_310 {
        %add3A_374 = arith.constant 3 : i32
        %add3A_375 = arith.addi %add3A_296, %add3A_374 : i32
        %dma_start3A_376 = arith.constant 1 : i32
        %dma_start3A_377 = arith.constant 0 : i32
        %dma_start3A_378 = arith.constant 0 : i32
        %dma_start3A_379 = tpu.memref_slice %arg9[%dma_start3A_376, %dma_start3A_377, %dma_start3A_378] : memref<5x125x64xf32, #tpu.memory_space<vmem>> -> memref<1x125x64xf32, #tpu.memory_space<vmem>>
        %dma_start3A_380 = tpu.memref_squeeze %dma_start3A_379 : memref<1x125x64xf32, #tpu.memory_space<vmem>> -> memref<125x64xf32, #tpu.memory_space<vmem>>
        %dma_start3A_381 = arith.constant 0 : i32
        %dma_start3A_382 = tpu.memref_slice %arg7[%add3A_375, %dma_start3A_381] : memref<80x125xi32, #tpu.memory_space<vmem>> -> memref<1x125xi32, #tpu.memory_space<vmem>>
        %dma_start3A_383 = tpu.memref_squeeze %dma_start3A_382 : memref<1x125xi32, #tpu.memory_space<vmem>> -> memref<125xi32, #tpu.memory_space<vmem>>
        %dma_start3A_384 = arith.constant 0 : i32
        %dma_start3A_385 = arith.constant 0 : i32
        %dma_start3A_386 = tpu.memref_slice %arg3[%dma_start3A_384, %dma_start3A_385] : memref<10000x64xf32, #tpu.memory_space<hbm>> -> memref<10000x64xf32, #tpu.memory_space<hbm>>
        tpu.enqueue_indirect_dma source(%dma_start3A_386 : memref<10000x64xf32, #tpu.memory_space<hbm>>) target(%dma_start3A_380 : memref<125x64xf32, #tpu.memory_space<vmem>>) offsets(%dma_start3A_383 : memref<125xi32, #tpu.memory_space<vmem>>) semaphore(%arg13 : memref<!tpu.dma_semaphore, #tpu.memory_space<semaphore_mem>>)
      } else {
      }
      %dma_wait3A_311 = arith.constant 3 : i32
      %dma_wait3A_312 = arith.constant 0 : i32
      %dma_wait3A_313 = arith.constant 0 : i32
      %dma_wait3A_314 = tpu.memref_slice %arg9[%dma_wait3A_311, %dma_wait3A_312, %dma_wait3A_313] : memref<5x125x64xf32, #tpu.memory_space<vmem>> -> memref<1x125x64xf32, #tpu.memory_space<vmem>>
      %dma_wait3A_315 = tpu.memref_squeeze %dma_wait3A_314 : memref<1x125x64xf32, #tpu.memory_space<vmem>> -> memref<125x64xf32, #tpu.memory_space<vmem>>
      %dma_wait3A_316 = arith.constant 0 : i32
      %dma_wait3A_317 = tpu.memref_slice %arg7[%add3A_296, %dma_wait3A_316] : memref<80x125xi32, #tpu.memory_space<vmem>> -> memref<1x125xi32, #tpu.memory_space<vmem>>
      %dma_wait3A_318 = tpu.memref_squeeze %dma_wait3A_317 : memref<1x125xi32, #tpu.memory_space<vmem>> -> memref<125xi32, #tpu.memory_space<vmem>>
      %dma_wait3A_319 = arith.constant 0 : i32
      %dma_wait3A_320 = arith.constant 0 : i32
      %dma_wait3A_321 = tpu.memref_slice %arg3[%dma_wait3A_319, %dma_wait3A_320] : memref<10000x64xf32, #tpu.memory_space<hbm>> -> memref<10000x64xf32, #tpu.memory_space<hbm>>
      tpu.wait_indirect_dma semaphore(%arg15 : memref<!tpu.dma_semaphore, #tpu.memory_space<semaphore_mem>>) src(%dma_wait3A_321 : memref<10000x64xf32, #tpu.memory_space<hbm>>) dst(%dma_wait3A_315 : memref<125x64xf32, #tpu.memory_space<vmem>>)
      %dma_start3A_322 = arith.constant 3 : i32
      %dma_start3A_323 = arith.constant 0 : i32
      %dma_start3A_324 = arith.constant 0 : i32
      %dma_start3A_325 = tpu.memref_slice %arg9[%dma_start3A_322, %dma_start3A_323, %dma_start3A_324] : memref<5x125x64xf32, #tpu.memory_space<vmem>> -> memref<1x125x64xf32, #tpu.memory_space<vmem>>
      %dma_start3A_326 = tpu.memref_squeeze %dma_start3A_325 : memref<1x125x64xf32, #tpu.memory_space<vmem>> -> memref<125x64xf32, #tpu.memory_space<vmem>>
      %dma_start3A_327 = arith.constant 0 : i32
      %dma_start3A_328 = tpu.memref_slice %arg8[%add3A_296, %dma_start3A_327] : memref<80x125xi32, #tpu.memory_space<vmem>> -> memref<1x125xi32, #tpu.memory_space<vmem>>
      %dma_start3A_329 = tpu.memref_squeeze %dma_start3A_328 : memref<1x125xi32, #tpu.memory_space<vmem>> -> memref<125xi32, #tpu.memory_space<vmem>>
      %dma_start3A_330 = arith.constant 0 : i32
      %dma_start3A_331 = arith.constant 0 : i32
      %dma_start3A_332 = tpu.memref_slice %arg11[%dma_start3A_330, %dma_start3A_331] : memref<10240x64xf32, #tpu.memory_space<vmem_shared>> -> memref<10240x64xf32, #tpu.memory_space<vmem_shared>>
      tpu.enqueue_indirect_dma source(%dma_start3A_326 : memref<125x64xf32, #tpu.memory_space<vmem>>) target(%dma_start3A_332 : memref<10240x64xf32, #tpu.memory_space<vmem_shared>>) offsets(%dma_start3A_329 : memref<125xi32, #tpu.memory_space<vmem>>) semaphore(%arg20 : memref<!tpu.dma_semaphore, #tpu.memory_space<semaphore_mem>>) {add = true}
      %mul3A_333 = arith.constant 5 : i32
      %mul3A_334 = arith.muli %scan3A_174, %mul3A_333 : i32
      %add3A_335 = arith.constant 4 : i32
      %add3A_336 = arith.addi %mul3A_334, %add3A_335 : i32
      %sub3A_337 = arith.constant 2 : i32
      %sub3A_338 = arith.subi %add3A_336, %sub3A_337 : i32
      %ge3A_339 = arith.constant 0 : i32
      %ge3A_340 = arith.cmpi sge, %sub3A_338, %ge3A_339 : i32
      %convert_element_type3A_341 = arith.extui %ge3A_340 : i1 to i32
      %cond3A_342 = arith.constant 0 : i32
      %cond3A_343 = arith.cmpi ne, %convert_element_type3A_341, %cond3A_342 : i32
      scf.if %cond3A_343 {
        %dma_wait3A_374 = arith.constant 2 : i32
        %dma_wait3A_375 = arith.constant 0 : i32
        %dma_wait3A_376 = arith.constant 0 : i32
        %dma_wait3A_377 = arith.constant 0 : i32
        %dma_wait3A_378 = tpu.memref_slice %arg9[%dma_wait3A_374, %dma_wait3A_376, %dma_wait3A_377] : memref<5x125x64xf32, #tpu.memory_space<vmem>> -> memref<1x125x64xf32, #tpu.memory_space<vmem>>
        %dma_wait3A_379 = tpu.memref_squeeze %dma_wait3A_378 : memref<1x125x64xf32, #tpu.memory_space<vmem>> -> memref<125x64xf32, #tpu.memory_space<vmem>>
        %dma_wait3A_380 = arith.constant 0 : i32
        %dma_wait3A_381 = tpu.memref_slice %arg8[%dma_wait3A_375, %dma_wait3A_380] : memref<80x125xi32, #tpu.memory_space<vmem>> -> memref<1x125xi32, #tpu.memory_space<vmem>>
        %dma_wait3A_382 = tpu.memref_squeeze %dma_wait3A_381 : memref<1x125xi32, #tpu.memory_space<vmem>> -> memref<125xi32, #tpu.memory_space<vmem>>
        %dma_wait3A_383 = arith.constant 0 : i32
        %dma_wait3A_384 = arith.constant 0 : i32
        %dma_wait3A_385 = tpu.memref_slice %arg11[%dma_wait3A_383, %dma_wait3A_384] : memref<10240x64xf32, #tpu.memory_space<vmem_shared>> -> memref<10240x64xf32, #tpu.memory_space<vmem_shared>>
        tpu.wait_indirect_dma semaphore(%arg19 : memref<!tpu.dma_semaphore, #tpu.memory_space<semaphore_mem>>) src(%dma_wait3A_379 : memref<125x64xf32, #tpu.memory_space<vmem>>) dst(%dma_wait3A_385 : memref<10240x64xf32, #tpu.memory_space<vmem_shared>>)
      } else {
      }
      %add3A_344 = arith.constant 3 : i32
      %add3A_345 = arith.addi %add3A_336, %add3A_344 : i32
      %lt3A_346 = arith.constant 80 : i32
      %lt3A_347 = arith.cmpi slt, %add3A_345, %lt3A_346 : i32
      %convert_element_type3A_348 = arith.extui %lt3A_347 : i1 to i32
      %cond3A_349 = arith.constant 0 : i32
      %cond3A_350 = arith.cmpi ne, %convert_element_type3A_348, %cond3A_349 : i32
      scf.if %cond3A_350 {
        %add3A_374 = arith.constant 3 : i32
        %add3A_375 = arith.addi %add3A_336, %add3A_374 : i32
        %dma_start3A_376 = arith.constant 2 : i32
        %dma_start3A_377 = arith.constant 0 : i32
        %dma_start3A_378 = arith.constant 0 : i32
        %dma_start3A_379 = tpu.memref_slice %arg9[%dma_start3A_376, %dma_start3A_377, %dma_start3A_378] : memref<5x125x64xf32, #tpu.memory_space<vmem>> -> memref<1x125x64xf32, #tpu.memory_space<vmem>>
        %dma_start3A_380 = tpu.memref_squeeze %dma_start3A_379 : memref<1x125x64xf32, #tpu.memory_space<vmem>> -> memref<125x64xf32, #tpu.memory_space<vmem>>
        %dma_start3A_381 = arith.constant 0 : i32
        %dma_start3A_382 = tpu.memref_slice %arg7[%add3A_375, %dma_start3A_381] : memref<80x125xi32, #tpu.memory_space<vmem>> -> memref<1x125xi32, #tpu.memory_space<vmem>>
        %dma_start3A_383 = tpu.memref_squeeze %dma_start3A_382 : memref<1x125xi32, #tpu.memory_space<vmem>> -> memref<125xi32, #tpu.memory_space<vmem>>
        %dma_start3A_384 = arith.constant 0 : i32
        %dma_start3A_385 = arith.constant 0 : i32
        %dma_start3A_386 = tpu.memref_slice %arg3[%dma_start3A_384, %dma_start3A_385] : memref<10000x64xf32, #tpu.memory_space<hbm>> -> memref<10000x64xf32, #tpu.memory_space<hbm>>
        tpu.enqueue_indirect_dma source(%dma_start3A_386 : memref<10000x64xf32, #tpu.memory_space<hbm>>) target(%dma_start3A_380 : memref<125x64xf32, #tpu.memory_space<vmem>>) offsets(%dma_start3A_383 : memref<125xi32, #tpu.memory_space<vmem>>) semaphore(%arg14 : memref<!tpu.dma_semaphore, #tpu.memory_space<semaphore_mem>>)
      } else {
      }
      %dma_wait3A_351 = arith.constant 4 : i32
      %dma_wait3A_352 = arith.constant 0 : i32
      %dma_wait3A_353 = arith.constant 0 : i32
      %dma_wait3A_354 = tpu.memref_slice %arg9[%dma_wait3A_351, %dma_wait3A_352, %dma_wait3A_353] : memref<5x125x64xf32, #tpu.memory_space<vmem>> -> memref<1x125x64xf32, #tpu.memory_space<vmem>>
      %dma_wait3A_355 = tpu.memref_squeeze %dma_wait3A_354 : memref<1x125x64xf32, #tpu.memory_space<vmem>> -> memref<125x64xf32, #tpu.memory_space<vmem>>
      %dma_wait3A_356 = arith.constant 0 : i32
      %dma_wait3A_357 = tpu.memref_slice %arg7[%add3A_336, %dma_wait3A_356] : memref<80x125xi32, #tpu.memory_space<vmem>> -> memref<1x125xi32, #tpu.memory_space<vmem>>
      %dma_wait3A_358 = tpu.memref_squeeze %dma_wait3A_357 : memref<1x125xi32, #tpu.memory_space<vmem>> -> memref<125xi32, #tpu.memory_space<vmem>>
      %dma_wait3A_359 = arith.constant 0 : i32
      %dma_wait3A_360 = arith.constant 0 : i32
      %dma_wait3A_361 = tpu.memref_slice %arg3[%dma_wait3A_359, %dma_wait3A_360] : memref<10000x64xf32, #tpu.memory_space<hbm>> -> memref<10000x64xf32, #tpu.memory_space<hbm>>
      tpu.wait_indirect_dma semaphore(%arg16 : memref<!tpu.dma_semaphore, #tpu.memory_space<semaphore_mem>>) src(%dma_wait3A_361 : memref<10000x64xf32, #tpu.memory_space<hbm>>) dst(%dma_wait3A_355 : memref<125x64xf32, #tpu.memory_space<vmem>>)
      %dma_start3A_362 = arith.constant 4 : i32
      %dma_start3A_363 = arith.constant 0 : i32
      %dma_start3A_364 = arith.constant 0 : i32
      %dma_start3A_365 = tpu.memref_slice %arg9[%dma_start3A_362, %dma_start3A_363, %dma_start3A_364] : memref<5x125x64xf32, #tpu.memory_space<vmem>> -> memref<1x125x64xf32, #tpu.memory_space<vmem>>
      %dma_start3A_366 = tpu.memref_squeeze %dma_start3A_365 : memref<1x125x64xf32, #tpu.memory_space<vmem>> -> memref<125x64xf32, #tpu.memory_space<vmem>>
      %dma_start3A_367 = arith.constant 0 : i32
      %dma_start3A_368 = tpu.memref_slice %arg8[%add3A_336, %dma_start3A_367] : memref<80x125xi32, #tpu.memory_space<vmem>> -> memref<1x125xi32, #tpu.memory_space<vmem>>
      %dma_start3A_369 = tpu.memref_squeeze %dma_start3A_368 : memref<1x125xi32, #tpu.memory_space<vmem>> -> memref<125xi32, #tpu.memory_space<vmem>>
      %dma_start3A_370 = arith.constant 0 : i32
      %dma_start3A_371 = arith.constant 0 : i32
      %dma_start3A_372 = tpu.memref_slice %arg11[%dma_start3A_370, %dma_start3A_371] : memref<10240x64xf32, #tpu.memory_space<vmem_shared>> -> memref<10240x64xf32, #tpu.memory_space<vmem_shared>>
      tpu.enqueue_indirect_dma source(%dma_start3A_366 : memref<125x64xf32, #tpu.memory_space<vmem>>) target(%dma_start3A_372 : memref<10240x64xf32, #tpu.memory_space<vmem_shared>>) offsets(%dma_start3A_369 : memref<125xi32, #tpu.memory_space<vmem>>) semaphore(%arg21 : memref<!tpu.dma_semaphore, #tpu.memory_space<semaphore_mem>>) {add = true}
      %scan3A_373 = arith.constant 0 : i32
      scf.yield %scan3A_373 : i32
    }
    %scan3A_138 = arith.constant 16 : i32
    %dma_wait3A_139 = arith.constant 3 : i32
    %dma_wait3A_140 = arith.constant 0 : i32
    %dma_wait3A_141 = arith.constant 0 : i32
    %dma_wait3A_142 = arith.constant 0 : i32
    %dma_wait3A_143 = tpu.memref_slice %arg9[%dma_wait3A_139, %dma_wait3A_141, %dma_wait3A_142] : memref<5x125x64xf32, #tpu.memory_space<vmem>> -> memref<1x125x64xf32, #tpu.memory_space<vmem>>
    %dma_wait3A_144 = tpu.memref_squeeze %dma_wait3A_143 : memref<1x125x64xf32, #tpu.memory_space<vmem>> -> memref<125x64xf32, #tpu.memory_space<vmem>>
    %dma_wait3A_145 = arith.constant 0 : i32
    %dma_wait3A_146 = tpu.memref_slice %arg8[%dma_wait3A_140, %dma_wait3A_145] : memref<80x125xi32, #tpu.memory_space<vmem>> -> memref<1x125xi32, #tpu.memory_space<vmem>>
    %dma_wait3A_147 = tpu.memref_squeeze %dma_wait3A_146 : memref<1x125xi32, #tpu.memory_space<vmem>> -> memref<125xi32, #tpu.memory_space<vmem>>
    %dma_wait3A_148 = arith.constant 0 : i32
    %dma_wait3A_149 = arith.constant 0 : i32
    %dma_wait3A_150 = tpu.memref_slice %arg11[%dma_wait3A_148, %dma_wait3A_149] : memref<10240x64xf32, #tpu.memory_space<vmem_shared>> -> memref<10240x64xf32, #tpu.memory_space<vmem_shared>>
    tpu.wait_indirect_dma semaphore(%arg20 : memref<!tpu.dma_semaphore, #tpu.memory_space<semaphore_mem>>) src(%dma_wait3A_144 : memref<125x64xf32, #tpu.memory_space<vmem>>) dst(%dma_wait3A_150 : memref<10240x64xf32, #tpu.memory_space<vmem_shared>>)
    %dma_wait3A_151 = arith.constant 4 : i32
    %dma_wait3A_152 = arith.constant 0 : i32
    %dma_wait3A_153 = arith.constant 0 : i32
    %dma_wait3A_154 = arith.constant 0 : i32
    %dma_wait3A_155 = tpu.memref_slice %arg9[%dma_wait3A_151, %dma_wait3A_153, %dma_wait3A_154] : memref<5x125x64xf32, #tpu.memory_space<vmem>> -> memref<1x125x64xf32, #tpu.memory_space<vmem>>
    %dma_wait3A_156 = tpu.memref_squeeze %dma_wait3A_155 : memref<1x125x64xf32, #tpu.memory_space<vmem>> -> memref<125x64xf32, #tpu.memory_space<vmem>>
    %dma_wait3A_157 = arith.constant 0 : i32
    %dma_wait3A_158 = tpu.memref_slice %arg8[%dma_wait3A_152, %dma_wait3A_157] : memref<80x125xi32, #tpu.memory_space<vmem>> -> memref<1x125xi32, #tpu.memory_space<vmem>>
    %dma_wait3A_159 = tpu.memref_squeeze %dma_wait3A_158 : memref<1x125xi32, #tpu.memory_space<vmem>> -> memref<125xi32, #tpu.memory_space<vmem>>
    %dma_wait3A_160 = arith.constant 0 : i32
    %dma_wait3A_161 = arith.constant 0 : i32
    %dma_wait3A_162 = tpu.memref_slice %arg11[%dma_wait3A_160, %dma_wait3A_161] : memref<10240x64xf32, #tpu.memory_space<vmem_shared>> -> memref<10240x64xf32, #tpu.memory_space<vmem_shared>>
    tpu.wait_indirect_dma semaphore(%arg21 : memref<!tpu.dma_semaphore, #tpu.memory_space<semaphore_mem>>) src(%dma_wait3A_156 : memref<125x64xf32, #tpu.memory_space<vmem>>) dst(%dma_wait3A_162 : memref<10240x64xf32, #tpu.memory_space<vmem_shared>>)
    %barrier3A_163 = arith.constant 0 : index
    tpu.barrier barrier_id(%barrier3A_163)
    %eq3A_164 = arith.constant 0 : i32
    %eq3A_165 = arith.cmpi eq, %arg0, %eq3A_164 : i32
    %convert_element_type3A_166 = arith.extui %eq3A_165 : i1 to i32
    %cond3A_167 = arith.constant 0 : i32
    %cond3A_168 = arith.cmpi ne, %convert_element_type3A_166, %cond3A_167 : i32
    scf.if %cond3A_168 {
      %mul3A_174 = arith.constant 640 : i32
      %mul3A_175 = arith.muli %arg1, %mul3A_174 : i32
      %mul3A_176 = arith.constant 640 : i32
      %mul3A_177 = arith.muli %arg1, %mul3A_176 : i32
      "tpu.region"() ({
        %run_scoped3A_178 = tpu.sem_alloc : memref<!tpu.dma_semaphore, #tpu.memory_space<semaphore_mem>>
        %dma_start3A_179 = arith.constant 64 : i32
        %dma_start3A_180 = tpu.memref_slice %arg5[%mul3A_177, %dma_start3A_179] : memref<10240x128xf32, #tpu.memory_space<hbm>> -> memref<640x64xf32, #tpu.memory_space<hbm>>
        %dma_start3A_181 = arith.constant 0 : i32
        %dma_start3A_182 = tpu.memref_slice %arg11[%mul3A_175, %dma_start3A_181] : memref<10240x64xf32, #tpu.memory_space<vmem_shared>> -> memref<640x64xf32, #tpu.memory_space<vmem_shared>>
        tpu.enqueue_dma source(%dma_start3A_182 : memref<640x64xf32, #tpu.memory_space<vmem_shared>>) target(%dma_start3A_180 : memref<640x64xf32, #tpu.memory_space<hbm>>) target_semaphore(%run_scoped3A_178 : memref<!tpu.dma_semaphore, #tpu.memory_space<semaphore_mem>>)
        %dma_wait3A_183 = arith.constant 64 : i32
        %dma_wait3A_184 = tpu.memref_slice %arg5[%mul3A_177, %dma_wait3A_183] : memref<10240x128xf32, #tpu.memory_space<hbm>> -> memref<640x64xf32, #tpu.memory_space<hbm>>
        %dma_wait3A_185 = arith.constant 0 : i32
        %dma_wait3A_186 = tpu.memref_slice %arg11[%mul3A_175, %dma_wait3A_185] : memref<10240x64xf32, #tpu.memory_space<vmem_shared>> -> memref<640x64xf32, #tpu.memory_space<vmem_shared>>
        tpu.wait_dma2 semaphore(%run_scoped3A_178 : memref<!tpu.dma_semaphore, #tpu.memory_space<semaphore_mem>>) src(%dma_wait3A_186 : memref<640x64xf32, #tpu.memory_space<vmem_shared>>) dst(%dma_wait3A_184 : memref<640x64xf32, #tpu.memory_space<hbm>>)
        tpu.yield
      }) : () -> ()
    } else {
    }
    %eq3A_169 = arith.constant 1 : i32
    %eq3A_170 = arith.cmpi eq, %arg0, %eq3A_169 : i32
    %convert_element_type3A_171 = arith.extui %eq3A_170 : i1 to i32
    %cond3A_172 = arith.constant 0 : i32
    %cond3A_173 = arith.cmpi ne, %convert_element_type3A_171, %cond3A_172 : i32
    scf.if %cond3A_173 {
      %mul3A_174 = arith.constant 640 : i32
      %mul3A_175 = arith.muli %arg1, %mul3A_174 : i32
      %mul3A_176 = arith.constant 640 : i32
      %mul3A_177 = arith.muli %arg1, %mul3A_176 : i32
      "tpu.region"() ({
        %run_scoped3A_178 = tpu.sem_alloc : memref<!tpu.dma_semaphore, #tpu.memory_space<semaphore_mem>>
        %dma_start3A_179 = arith.constant 64 : i32
        %dma_start3A_180 = tpu.memref_slice %arg6[%mul3A_177, %dma_start3A_179] : memref<10240x128xf32, #tpu.memory_space<hbm>> -> memref<640x64xf32, #tpu.memory_space<hbm>>
        %dma_start3A_181 = arith.constant 0 : i32
        %dma_start3A_182 = tpu.memref_slice %arg11[%mul3A_175, %dma_start3A_181] : memref<10240x64xf32, #tpu.memory_space<vmem_shared>> -> memref<640x64xf32, #tpu.memory_space<vmem_shared>>
        tpu.enqueue_dma source(%dma_start3A_182 : memref<640x64xf32, #tpu.memory_space<vmem_shared>>) target(%dma_start3A_180 : memref<640x64xf32, #tpu.memory_space<hbm>>) target_semaphore(%run_scoped3A_178 : memref<!tpu.dma_semaphore, #tpu.memory_space<semaphore_mem>>)
        %dma_wait3A_183 = arith.constant 64 : i32
        %dma_wait3A_184 = tpu.memref_slice %arg6[%mul3A_177, %dma_wait3A_183] : memref<10240x128xf32, #tpu.memory_space<hbm>> -> memref<640x64xf32, #tpu.memory_space<hbm>>
        %dma_wait3A_185 = arith.constant 0 : i32
        %dma_wait3A_186 = tpu.memref_slice %arg11[%mul3A_175, %dma_wait3A_185] : memref<10240x64xf32, #tpu.memory_space<vmem_shared>> -> memref<640x64xf32, #tpu.memory_space<vmem_shared>>
        tpu.wait_dma2 semaphore(%run_scoped3A_178 : memref<!tpu.dma_semaphore, #tpu.memory_space<semaphore_mem>>) src(%dma_wait3A_186 : memref<640x64xf32, #tpu.memory_space<vmem_shared>>) dst(%dma_wait3A_184 : memref<640x64xf32, #tpu.memory_space<hbm>>)
        tpu.yield
      }) : () -> ()
    } else {
    }
    return
  }
}

#map = affine_map<(d0, d1) -> (0, 0, 0, 0)>
#map1 = affine_map<(d0, d1) -> (0)>
module attributes {stable_mosaic.version = 14 : i64} {
  func.func @_deg_kernel(%arg0: i32, %arg1: i32, %arg2: memref<2x32x80x125xi32, #tpu.memory_space<hbm>>, %arg3: memref<10240xf32, #tpu.memory_space<hbm>>, %arg4: memref<10240xf32, #tpu.memory_space<hbm>>, %arg5: memref<80x125xi32, #tpu.memory_space<vmem>>, %arg6: memref<128xf32, #tpu.memory_space<vmem>>, %arg7: memref<640xf32, #tpu.memory_space<vmem>>, %arg8: memref<10240xf32, #tpu.memory_space<vmem_shared>>, %arg9: memref<!tpu.dma_semaphore, #tpu.memory_space<semaphore_mem>>) attributes {dimension_semantics = [#tpu.dimension_semantics<core_parallel>, #tpu.dimension_semantics<subcore_parallel>], iteration_bounds = array<i64: 2, 16>, scalar_prefetch = 0 : i64, scratch_operands = 5 : i64, tpu.core_type = #tpu.core_type<sc_vector_subcore>, window_params = [{transform_indices = #map}, {transform_indices = #map1}, {transform_indices = #map1}]} {
    %mul3A = arith.constant 16 : i32
    %mul3A_0 = arith.muli %arg0, %mul3A : i32
    %add3A = arith.addi %mul3A_0, %arg1 : i32
    %scan3A = arith.constant 0 : i32
    %scan3A_1 = arith.constant 0 : i32
    %scan3A_2 = arith.constant 40 : i32
    %scan3A_3 = arith.addi %scan3A_1, %scan3A_2 : i32
    %scan3A_4 = arith.constant 1 : i32
    %scan3A_5 = scf.for %scan3A_38 = %scan3A_1 to %scan3A_3 step %scan3A_4 iter_args(%scan3A_39 = %scan3A) -> (i32)  : i32 {
      %broadcast_in_dim3A = arith.constant 0.000000e+00 : f32
      %broadcast_in_dim3A_40 = vector.broadcast %broadcast_in_dim3A : f32 to vector<16xf32>
      %mul3A_41 = arith.constant 16 : i32
      %mul3A_42 = arith.muli %scan3A_38, %mul3A_41 : i32
      %swap3A = arith.index_cast %mul3A_42 : i32 to index
      %swap3A_43 = tpu.vector_load %arg7[%swap3A] {strides = array<i32>} : memref<640xf32, #tpu.memory_space<vmem>>, vector<16xf32>,
      %swap3A_44 = vector.shape_cast %swap3A_43 : vector<16xf32> to vector<16xf32>
      %swap3A_45 = vector.shape_cast %broadcast_in_dim3A_40 : vector<16xf32> to vector<16xf32>
      tpu.vector_store %arg7[%swap3A], %swap3A_45 {strides = array<i32>} : memref<640xf32, #tpu.memory_space<vmem>>, vector<16xf32>,
      %scan3A_46 = arith.constant 0 : i32
      scf.yield %scan3A_46 : i32
    }
    %scan3A_6 = arith.constant 40 : i32
    %scan3A_7 = arith.constant 0 : i32
    %scan3A_8 = arith.constant 0 : i32
    %scan3A_9 = arith.constant 8 : i32
    %scan3A_10 = arith.addi %scan3A_8, %scan3A_9 : i32
    %scan3A_11 = arith.constant 1 : i32
    %scan3A_12 = scf.for %scan3A_38 = %scan3A_8 to %scan3A_10 step %scan3A_11 iter_args(%scan3A_39 = %scan3A_7) -> (i32)  : i32 {
      %broadcast_in_dim3A = arith.constant 1.000000e+00 : f32
      %broadcast_in_dim3A_40 = vector.broadcast %broadcast_in_dim3A : f32 to vector<16xf32>
      %mul3A_41 = arith.constant 16 : i32
      %mul3A_42 = arith.muli %scan3A_38, %mul3A_41 : i32
      %swap3A = arith.index_cast %mul3A_42 : i32 to index
      %swap3A_43 = tpu.vector_load %arg6[%swap3A] {strides = array<i32>} : memref<128xf32, #tpu.memory_space<vmem>>, vector<16xf32>,
      %swap3A_44 = vector.shape_cast %swap3A_43 : vector<16xf32> to vector<16xf32>
      %swap3A_45 = vector.shape_cast %broadcast_in_dim3A_40 : vector<16xf32> to vector<16xf32>
      tpu.vector_store %arg6[%swap3A], %swap3A_45 {strides = array<i32>} : memref<128xf32, #tpu.memory_space<vmem>>, vector<16xf32>,
      %scan3A_46 = arith.constant 0 : i32
      scf.yield %scan3A_46 : i32
    }
    %scan3A_13 = arith.constant 8 : i32
    %run_scoped3A = arith.constant 1 : i32
    "tpu.region"() ({
      %run_scoped3A_38 = tpu.sem_alloc : memref<!tpu.dma_semaphore, #tpu.memory_space<semaphore_mem>>
      %dma_start3A = arith.constant 0 : i32
      %dma_start3A_39 = arith.constant 0 : i32
      %dma_start3A_40 = tpu.memref_slice %arg2[%run_scoped3A, %add3A, %dma_start3A, %dma_start3A_39] : memref<2x32x80x125xi32, #tpu.memory_space<hbm>> -> memref<1x1x80x125xi32, #tpu.memory_space<hbm>>
      %dma_start3A_41 = tpu.memref_squeeze %dma_start3A_40 : memref<1x1x80x125xi32, #tpu.memory_space<hbm>> -> memref<80x125xi32, #tpu.memory_space<hbm>>
      %dma_start3A_42 = arith.constant 0 : i32
      %dma_start3A_43 = arith.constant 0 : i32
      %dma_start3A_44 = tpu.memref_slice %arg2[%run_scoped3A, %add3A, %dma_start3A_42, %dma_start3A_43] : memref<2x32x80x125xi32, #tpu.memory_space<hbm>> -> memref<1x1x80x125xi32, #tpu.memory_space<hbm>>
      %dma_start3A_45 = tpu.memref_squeeze %dma_start3A_44 : memref<1x1x80x125xi32, #tpu.memory_space<hbm>> -> memref<80x125xi32, #tpu.memory_space<hbm>>
      tpu.enqueue_dma source(%dma_start3A_45 : memref<80x125xi32, #tpu.memory_space<hbm>>) target(%arg5 : memref<80x125xi32, #tpu.memory_space<vmem>>) target_semaphore(%run_scoped3A_38 : memref<!tpu.dma_semaphore, #tpu.memory_space<semaphore_mem>>)
      %dma_wait3A = arith.constant 0 : i32
      %dma_wait3A_46 = arith.constant 0 : i32
      %dma_wait3A_47 = tpu.memref_slice %arg2[%run_scoped3A, %add3A, %dma_wait3A, %dma_wait3A_46] : memref<2x32x80x125xi32, #tpu.memory_space<hbm>> -> memref<1x1x80x125xi32, #tpu.memory_space<hbm>>
      %dma_wait3A_48 = tpu.memref_squeeze %dma_wait3A_47 : memref<1x1x80x125xi32, #tpu.memory_space<hbm>> -> memref<80x125xi32, #tpu.memory_space<hbm>>
      %dma_wait3A_49 = arith.constant 0 : i32
      %dma_wait3A_50 = arith.constant 0 : i32
      %dma_wait3A_51 = tpu.memref_slice %arg2[%run_scoped3A, %add3A, %dma_wait3A_49, %dma_wait3A_50] : memref<2x32x80x125xi32, #tpu.memory_space<hbm>> -> memref<1x1x80x125xi32, #tpu.memory_space<hbm>>
      %dma_wait3A_52 = tpu.memref_squeeze %dma_wait3A_51 : memref<1x1x80x125xi32, #tpu.memory_space<hbm>> -> memref<80x125xi32, #tpu.memory_space<hbm>>
      tpu.wait_dma2 semaphore(%run_scoped3A_38 : memref<!tpu.dma_semaphore, #tpu.memory_space<semaphore_mem>>) src(%dma_wait3A_52 : memref<80x125xi32, #tpu.memory_space<hbm>>) dst(%arg5 : memref<80x125xi32, #tpu.memory_space<vmem>>)
      tpu.yield
    }) : () -> ()
    %mul3A_14 = arith.constant 640 : i32
    %mul3A_15 = arith.muli %arg1, %mul3A_14 : i32
    "tpu.region"() ({
      %run_scoped3A_38 = tpu.sem_alloc : memref<!tpu.dma_semaphore, #tpu.memory_space<semaphore_mem>>
      %dma_start3A = tpu.memref_slice %arg8[%mul3A_15] : memref<10240xf32, #tpu.memory_space<vmem_shared>> -> memref<640xf32, #tpu.memory_space<vmem_shared>>
      %dma_start3A_39 = tpu.memref_slice %arg8[%mul3A_15] : memref<10240xf32, #tpu.memory_space<vmem_shared>> -> memref<640xf32, #tpu.memory_space<vmem_shared>>
      tpu.enqueue_dma source(%arg7 : memref<640xf32, #tpu.memory_space<vmem>>) target(%dma_start3A_39 : memref<640xf32, #tpu.memory_space<vmem_shared>>) target_semaphore(%run_scoped3A_38 : memref<!tpu.dma_semaphore, #tpu.memory_space<semaphore_mem>>)
      %dma_wait3A = tpu.memref_slice %arg8[%mul3A_15] : memref<10240xf32, #tpu.memory_space<vmem_shared>> -> memref<640xf32, #tpu.memory_space<vmem_shared>>
      %dma_wait3A_40 = tpu.memref_slice %arg8[%mul3A_15] : memref<10240xf32, #tpu.memory_space<vmem_shared>> -> memref<640xf32, #tpu.memory_space<vmem_shared>>
      tpu.wait_dma2 semaphore(%run_scoped3A_38 : memref<!tpu.dma_semaphore, #tpu.memory_space<semaphore_mem>>) src(%arg7 : memref<640xf32, #tpu.memory_space<vmem>>) dst(%dma_wait3A_40 : memref<640xf32, #tpu.memory_space<vmem_shared>>)
      tpu.yield
    }) : () -> ()
    %barrier3A = arith.constant 0 : index
    tpu.barrier barrier_id(%barrier3A)
    %scan3A_16 = arith.constant 0 : i32
    %scan3A_17 = arith.constant 0 : i32
    %scan3A_18 = arith.constant 80 : i32
    %scan3A_19 = arith.addi %scan3A_17, %scan3A_18 : i32
    %scan3A_20 = arith.constant 1 : i32
    %scan3A_21 = scf.for %scan3A_38 = %scan3A_17 to %scan3A_19 step %scan3A_20 iter_args(%scan3A_39 = %scan3A_16) -> (i32)  : i32 {
      %dma_start3A = arith.constant 0 : i32
      %dma_start3A_40 = tpu.memref_slice %arg6[%dma_start3A] : memref<128xf32, #tpu.memory_space<vmem>> -> memref<125xf32, #tpu.memory_space<vmem>>
      %dma_start3A_41 = arith.constant 0 : i32
      %dma_start3A_42 = tpu.memref_slice %arg5[%scan3A_38, %dma_start3A_41] : memref<80x125xi32, #tpu.memory_space<vmem>> -> memref<1x125xi32, #tpu.memory_space<vmem>>
      %dma_start3A_43 = tpu.memref_squeeze %dma_start3A_42 : memref<1x125xi32, #tpu.memory_space<vmem>> -> memref<125xi32, #tpu.memory_space<vmem>>
      %dma_start3A_44 = arith.constant 0 : i32
      %dma_start3A_45 = tpu.memref_slice %arg8[%dma_start3A_44] : memref<10240xf32, #tpu.memory_space<vmem_shared>> -> memref<10240xf32, #tpu.memory_space<vmem_shared>>
      tpu.enqueue_indirect_dma source(%dma_start3A_40 : memref<125xf32, #tpu.memory_space<vmem>>) target(%dma_start3A_45 : memref<10240xf32, #tpu.memory_space<vmem_shared>>) offsets(%dma_start3A_43 : memref<125xi32, #tpu.memory_space<vmem>>) semaphore(%arg9 : memref<!tpu.dma_semaphore, #tpu.memory_space<semaphore_mem>>) {add = true}
      %scan3A_46 = arith.constant 0 : i32
      scf.yield %scan3A_46 : i32
    }
    %scan3A_22 = arith.constant 80 : i32
    %scan3A_23 = arith.constant 0 : i32
    %scan3A_24 = arith.constant 0 : i32
    %scan3A_25 = arith.constant 80 : i32
    %scan3A_26 = arith.addi %scan3A_24, %scan3A_25 : i32
    %scan3A_27 = arith.constant 1 : i32
    %scan3A_28 = scf.for %scan3A_38 = %scan3A_24 to %scan3A_26 step %scan3A_27 iter_args(%scan3A_39 = %scan3A_23) -> (i32)  : i32 {
      %dma_wait3A = arith.constant 0 : i32
      %dma_wait3A_40 = arith.constant 0 : i32
      %dma_wait3A_41 = tpu.memref_slice %arg6[%dma_wait3A_40] : memref<128xf32, #tpu.memory_space<vmem>> -> memref<125xf32, #tpu.memory_space<vmem>>
      %dma_wait3A_42 = arith.constant 0 : i32
      %dma_wait3A_43 = tpu.memref_slice %arg5[%dma_wait3A, %dma_wait3A_42] : memref<80x125xi32, #tpu.memory_space<vmem>> -> memref<1x125xi32, #tpu.memory_space<vmem>>
      %dma_wait3A_44 = tpu.memref_squeeze %dma_wait3A_43 : memref<1x125xi32, #tpu.memory_space<vmem>> -> memref<125xi32, #tpu.memory_space<vmem>>
      %dma_wait3A_45 = arith.constant 0 : i32
      %dma_wait3A_46 = tpu.memref_slice %arg8[%dma_wait3A_45] : memref<10240xf32, #tpu.memory_space<vmem_shared>> -> memref<10240xf32, #tpu.memory_space<vmem_shared>>
      tpu.wait_indirect_dma semaphore(%arg9 : memref<!tpu.dma_semaphore, #tpu.memory_space<semaphore_mem>>) src(%dma_wait3A_41 : memref<125xf32, #tpu.memory_space<vmem>>) dst(%dma_wait3A_46 : memref<10240xf32, #tpu.memory_space<vmem_shared>>)
      %scan3A_47 = arith.constant 0 : i32
      scf.yield %scan3A_47 : i32
    }
    %scan3A_29 = arith.constant 80 : i32
    %barrier3A_30 = arith.constant 0 : index
    tpu.barrier barrier_id(%barrier3A_30)
    %eq3A = arith.constant 0 : i32
    %eq3A_31 = arith.cmpi eq, %arg0, %eq3A : i32
    %convert_element_type3A = arith.extui %eq3A_31 : i1 to i32
    %cond3A = arith.constant 0 : i32
    %cond3A_32 = arith.cmpi ne, %convert_element_type3A, %cond3A : i32
    scf.if %cond3A_32 {
      %mul3A_38 = arith.constant 640 : i32
      %mul3A_39 = arith.muli %arg1, %mul3A_38 : i32
      %mul3A_40 = arith.constant 640 : i32
      %mul3A_41 = arith.muli %arg1, %mul3A_40 : i32
      "tpu.region"() ({
        %run_scoped3A_42 = tpu.sem_alloc : memref<!tpu.dma_semaphore, #tpu.memory_space<semaphore_mem>>
        %dma_start3A = tpu.memref_slice %arg3[%mul3A_41] : memref<10240xf32, #tpu.memory_space<hbm>> -> memref<640xf32, #tpu.memory_space<hbm>>
        %dma_start3A_43 = tpu.memref_slice %arg8[%mul3A_39] : memref<10240xf32, #tpu.memory_space<vmem_shared>> -> memref<640xf32, #tpu.memory_space<vmem_shared>>
        tpu.enqueue_dma source(%dma_start3A_43 : memref<640xf32, #tpu.memory_space<vmem_shared>>) target(%dma_start3A : memref<640xf32, #tpu.memory_space<hbm>>) target_semaphore(%run_scoped3A_42 : memref<!tpu.dma_semaphore, #tpu.memory_space<semaphore_mem>>)
        %dma_wait3A = tpu.memref_slice %arg3[%mul3A_41] : memref<10240xf32, #tpu.memory_space<hbm>> -> memref<640xf32, #tpu.memory_space<hbm>>
        %dma_wait3A_44 = tpu.memref_slice %arg8[%mul3A_39] : memref<10240xf32, #tpu.memory_space<vmem_shared>> -> memref<640xf32, #tpu.memory_space<vmem_shared>>
        tpu.wait_dma2 semaphore(%run_scoped3A_42 : memref<!tpu.dma_semaphore, #tpu.memory_space<semaphore_mem>>) src(%dma_wait3A_44 : memref<640xf32, #tpu.memory_space<vmem_shared>>) dst(%dma_wait3A : memref<640xf32, #tpu.memory_space<hbm>>)
        tpu.yield
      }) : () -> ()
    } else {
    }
    %eq3A_33 = arith.constant 1 : i32
    %eq3A_34 = arith.cmpi eq, %arg0, %eq3A_33 : i32
    %convert_element_type3A_35 = arith.extui %eq3A_34 : i1 to i32
    %cond3A_36 = arith.constant 0 : i32
    %cond3A_37 = arith.cmpi ne, %convert_element_type3A_35, %cond3A_36 : i32
    scf.if %cond3A_37 {
      %mul3A_38 = arith.constant 640 : i32
      %mul3A_39 = arith.muli %arg1, %mul3A_38 : i32
      %mul3A_40 = arith.constant 640 : i32
      %mul3A_41 = arith.muli %arg1, %mul3A_40 : i32
      "tpu.region"() ({
        %run_scoped3A_42 = tpu.sem_alloc : memref<!tpu.dma_semaphore, #tpu.memory_space<semaphore_mem>>
        %dma_start3A = tpu.memref_slice %arg4[%mul3A_41] : memref<10240xf32, #tpu.memory_space<hbm>> -> memref<640xf32, #tpu.memory_space<hbm>>
        %dma_start3A_43 = tpu.memref_slice %arg8[%mul3A_39] : memref<10240xf32, #tpu.memory_space<vmem_shared>> -> memref<640xf32, #tpu.memory_space<vmem_shared>>
        tpu.enqueue_dma source(%dma_start3A_43 : memref<640xf32, #tpu.memory_space<vmem_shared>>) target(%dma_start3A : memref<640xf32, #tpu.memory_space<hbm>>) target_semaphore(%run_scoped3A_42 : memref<!tpu.dma_semaphore, #tpu.memory_space<semaphore_mem>>)
        %dma_wait3A = tpu.memref_slice %arg4[%mul3A_41] : memref<10240xf32, #tpu.memory_space<hbm>> -> memref<640xf32, #tpu.memory_space<hbm>>
        %dma_wait3A_44 = tpu.memref_slice %arg8[%mul3A_39] : memref<10240xf32, #tpu.memory_space<vmem_shared>> -> memref<640xf32, #tpu.memory_space<vmem_shared>>
        tpu.wait_dma2 semaphore(%run_scoped3A_42 : memref<!tpu.dma_semaphore, #tpu.memory_space<semaphore_mem>>) src(%dma_wait3A_44 : memref<640xf32, #tpu.memory_space<vmem_shared>>) dst(%dma_wait3A : memref<640xf32, #tpu.memory_space<hbm>>)
        tpu.yield
      }) : () -> ()
    } else {
    }
    return
  }
}

module attributes {stable_mosaic.version = 14 : i64} {
  func.func @_t1_body(%arg0: i32, %arg1: memref<1024x128xf32, #tpu.memory_space<vmem>>, %arg2: memref<128x128xf32, #tpu.memory_space<vmem>>, %arg3: memref<1x1024xf32, #tpu.memory_space<vmem>>, %arg4: memref<1x1024xf32, #tpu.memory_space<vmem>>, %arg5: memref<1x128xf32, #tpu.memory_space<vmem>>, %arg6: memref<1024x64xf32, #tpu.memory_space<vmem>>, %arg7: memref<1024x64xf32, #tpu.memory_space<vmem>>, %arg8: memref<1024x128xf32, #tpu.memory_space<vmem>>) attributes {dimension_semantics = [#tpu.dimension_semantics<arbitrary>], iteration_bounds = array<i64: 10>, scalar_prefetch = 0 : i64, scratch_operands = 0 : i64, tpu.core_type = #tpu.core_type<tc>, window_params = [{transform_indices = @transform_0, window_bounds = array<i64: 1024, 128>}, {pipeline_mode = #tpu.pipeline_mode<synchronous>, transform_indices = @transform_1, window_bounds = array<i64: 128, 128>}, {transform_indices = @transform_2, window_bounds = array<i64: 1, 1024>}, {transform_indices = @transform_3, window_bounds = array<i64: 1, 1024>}, {pipeline_mode = #tpu.pipeline_mode<synchronous>, transform_indices = @transform_4, window_bounds = array<i64: 1, 128>}, {transform_indices = @transform_5, window_bounds = array<i64: 1024, 64>}, {transform_indices = @transform_6, window_bounds = array<i64: 1024, 64>}, {transform_indices = @transform_7, window_bounds = array<i64: 1024, 128>}]} {
    %get3A = arith.constant 0 : index
    %get3A_0 = arith.constant 0 : index
    %get3A_1 = vector.load %arg1[%get3A, %get3A_0] : memref<1024x128xf32, #tpu.memory_space<vmem>>, vector<1024x128xf32>
    %get3A_2 = arith.constant 0 : index
    %get3A_3 = arith.constant 0 : index
    %get3A_4 = vector.load %arg2[%get3A_2, %get3A_3] : memref<128x128xf32, #tpu.memory_space<vmem>>, vector<128x128xf32>
    %dot_general3A = arith.constant dense<0.000000e+00> : vector<1024x128xf32>
    %dot_general3A_5 = tpu.matmul %get3A_1, %get3A_4, %dot_general3A {dimension_numbers = #tpu.dot_dimension_numbers<[1], [1], [0], [0], [0, 0, 1, 0], [], []>, transpose_lhs_hint = false} : vector<1024x128xf32>, vector<128x128xf32>, vector<1024x128xf32> -> vector<1024x128xf32>
    %get3A_6 = arith.constant 0 : index
    %get3A_7 = arith.constant 0 : index
    %get3A_8 = vector.load %arg3[%get3A_6, %get3A_7] : memref<1x1024xf32, #tpu.memory_space<vmem>>, vector<1x1024xf32>
    %get3A_9 = arith.constant 0 : index
    %get3A_10 = arith.constant 0 : index
    %get3A_11 = vector.load %arg4[%get3A_9, %get3A_10] : memref<1x1024xf32, #tpu.memory_space<vmem>>, vector<1x1024xf32>
    %add3A = arith.addf %get3A_8, %get3A_11 : vector<1x1024xf32>
    %add3A_12 = arith.constant 1.000000e+00 : f32
    %add3A_13 = vector.broadcast %add3A_12 : f32 to vector<1x1024xf32>
    %add3A_14 = arith.addf %add3A, %add3A_13 : vector<1x1024xf32>
    %rsqrt3A = math.rsqrt %add3A_14 : vector<1x1024xf32>
    %iota3A = tpu.iota {dimensions = array<i32: 0>} : vector<1024x1024xi32>
    %iota3A_15 = tpu.iota {dimensions = array<i32: 1>} : vector<1024x1024xi32>
    %eq3A = arith.cmpi eq, %iota3A, %iota3A_15 : vector<1024x1024xi32>
    %jit3A = arith.constant 1.000000e+00 : f32
    %jit3A_16 = arith.constant 0.000000e+00 : f32
    %broadcast_in_dim3A = vector.broadcast %jit3A : f32 to vector<1024x1024xf32>
    %broadcast_in_dim3A_17 = vector.broadcast %jit3A_16 : f32 to vector<1024x1024xf32>
    %select_n3A = arith.select %eq3A, %broadcast_in_dim3A, %broadcast_in_dim3A_17 : vector<1024x1024xi1>, vector<1024x1024xf32>
    %dot_general3A_18 = arith.constant dense<0.000000e+00> : vector<1024x1xf32>
    %dot_general3A_19 = tpu.matmul %select_n3A, %rsqrt3A, %dot_general3A_18 {dimension_numbers = #tpu.dot_dimension_numbers<[1], [1], [0], [0], [0, 0, 1, 0], [], []>, transpose_lhs_hint = false} : vector<1024x1024xf32>, vector<1x1024xf32>, vector<1024x1xf32> -> vector<1024x1xf32>
    %mul3A = vector.broadcast %dot_general3A_19 : vector<1024x1xf32> to vector<1024x128xf32>
    %mul3A_20 = arith.mulf %dot_general3A_5, %mul3A : vector<1024x128xf32>
    %slice3A = vector.extract_strided_slice %mul3A_20 {offsets = [0, 0], sizes = [1024, 64], strides = [1, 1]} : vector<1024x128xf32> to vector<1024x64xf32>
    %swap3A = arith.constant 0 : index
    %swap3A_21 = arith.constant 0 : index
    %swap3A_22 = vector.load %arg6[%swap3A, %swap3A_21] : memref<1024x64xf32, #tpu.memory_space<vmem>>, vector<1024x64xf32>
    tpu.vector_store %arg6[%swap3A, %swap3A_21], %slice3A {strides = array<i32>} : memref<1024x64xf32, #tpu.memory_space<vmem>>, vector<1024x64xf32>,
    %slice3A_23 = vector.extract_strided_slice %mul3A_20 {offsets = [0, 64], sizes = [1024, 64], strides = [1, 1]} : vector<1024x128xf32> to vector<1024x64xf32>
    %swap3A_24 = arith.constant 0 : index
    %swap3A_25 = arith.constant 0 : index
    %swap3A_26 = vector.load %arg7[%swap3A_24, %swap3A_25] : memref<1024x64xf32, #tpu.memory_space<vmem>>, vector<1024x64xf32>
    tpu.vector_store %arg7[%swap3A_24, %swap3A_25], %slice3A_23 {strides = array<i32>} : memref<1024x64xf32, #tpu.memory_space<vmem>>, vector<1024x64xf32>,
    %mul3A_27 = arith.mulf %dot_general3A_19, %dot_general3A_19 : vector<1024x1xf32>
    %mul3A_28 = vector.broadcast %mul3A_27 : vector<1024x1xf32> to vector<1024x128xf32>
    %mul3A_29 = arith.mulf %dot_general3A_5, %mul3A_28 : vector<1024x128xf32>
    %get3A_30 = arith.constant 0 : index
    %get3A_31 = arith.constant 0 : index
    %get3A_32 = vector.load %arg5[%get3A_30, %get3A_31] : memref<1x128xf32, #tpu.memory_space<vmem>>, vector<1x128xf32>
    %add3A_33 = vector.broadcast %get3A_32 : vector<1x128xf32> to vector<1024x128xf32>
    %add3A_34 = arith.addf %mul3A_29, %add3A_33 : vector<1024x128xf32>
    %swap3A_35 = arith.constant 0 : index
    %swap3A_36 = arith.constant 0 : index
    %swap3A_37 = vector.load %arg8[%swap3A_35, %swap3A_36] : memref<1024x128xf32, #tpu.memory_space<vmem>>, vector<1024x128xf32>
    tpu.vector_store %arg8[%swap3A_35, %swap3A_36], %add3A_34 {strides = array<i32>} : memref<1024x128xf32, #tpu.memory_space<vmem>>, vector<1024x128xf32>,
    return
  }
  func.func @transform_0(%arg0: i32) -> (i32, i32) {
    %c0_i32 = arith.constant 0 : i32
    %c0_i32_0 = arith.constant 0 : i32
    return %arg0, %c0_i32 : i32, i32
  }
  func.func @transform_1(%arg0: i32) -> (i32, i32) {
    %c0_i32 = arith.constant 0 : i32
    %c0_i32_0 = arith.constant 0 : i32
    %c0_i32_1 = arith.constant 0 : i32
    return %c0_i32, %c0_i32_0 : i32, i32
  }
  func.func @transform_2(%arg0: i32) -> (i32, i32) {
    %c0_i32 = arith.constant 0 : i32
    %c0_i32_0 = arith.constant 0 : i32
    return %c0_i32, %arg0 : i32, i32
  }
  func.func @transform_3(%arg0: i32) -> (i32, i32) {
    %c0_i32 = arith.constant 0 : i32
    %c0_i32_0 = arith.constant 0 : i32
    return %c0_i32, %arg0 : i32, i32
  }
  func.func @transform_4(%arg0: i32) -> (i32, i32) {
    %c0_i32 = arith.constant 0 : i32
    %c0_i32_0 = arith.constant 0 : i32
    %c0_i32_1 = arith.constant 0 : i32
    return %c0_i32, %c0_i32_0 : i32, i32
  }
  func.func @transform_5(%arg0: i32) -> (i32, i32) {
    %c0_i32 = arith.constant 0 : i32
    %c0_i32_0 = arith.constant 0 : i32
    return %arg0, %c0_i32 : i32, i32
  }
  func.func @transform_6(%arg0: i32) -> (i32, i32) {
    %c0_i32 = arith.constant 0 : i32
    %c0_i32_0 = arith.constant 0 : i32
    return %arg0, %c0_i32 : i32, i32
  }
  func.func @transform_7(%arg0: i32) -> (i32, i32) {
    %c0_i32 = arith.constant 0 : i32
    %c0_i32_0 = arith.constant 0 : i32
    return %arg0, %c0_i32 : i32, i32
  }
}

module attributes {stable_mosaic.version = 14 : i64} {
  func.func @_t2_body(%arg0: i32, %arg1: memref<1024x128xf32, #tpu.memory_space<vmem>>, %arg2: memref<1024x128xf32, #tpu.memory_space<vmem>>, %arg3: memref<1x1024xf32, #tpu.memory_space<vmem>>, %arg4: memref<1x1024xf32, #tpu.memory_space<vmem>>, %arg5: memref<1024x128xf32, #tpu.memory_space<vmem>>, %arg6: memref<1024x128xf32, #tpu.memory_space<vmem>>) attributes {dimension_semantics = [#tpu.dimension_semantics<arbitrary>], iteration_bounds = array<i64: 10>, scalar_prefetch = 0 : i64, scratch_operands = 0 : i64, tpu.core_type = #tpu.core_type<tc>, window_params = [{transform_indices = @transform_0, window_bounds = array<i64: 1024, 128>}, {transform_indices = @transform_1, window_bounds = array<i64: 1024, 128>}, {transform_indices = @transform_2, window_bounds = array<i64: 1, 1024>}, {transform_indices = @transform_3, window_bounds = array<i64: 1, 1024>}, {transform_indices = @transform_4, window_bounds = array<i64: 1024, 128>}, {transform_indices = @transform_5, window_bounds = array<i64: 1024, 128>}]} {
    %get3A = arith.constant 0 : index
    %get3A_0 = arith.constant 0 : index
    %get3A_1 = vector.load %arg3[%get3A, %get3A_0] : memref<1x1024xf32, #tpu.memory_space<vmem>>, vector<1x1024xf32>
    %get3A_2 = arith.constant 0 : index
    %get3A_3 = arith.constant 0 : index
    %get3A_4 = vector.load %arg4[%get3A_2, %get3A_3] : memref<1x1024xf32, #tpu.memory_space<vmem>>, vector<1x1024xf32>
    %add3A = arith.addf %get3A_1, %get3A_4 : vector<1x1024xf32>
    %add3A_5 = arith.constant 1.000000e+00 : f32
    %add3A_6 = vector.broadcast %add3A_5 : f32 to vector<1x1024xf32>
    %add3A_7 = arith.addf %add3A, %add3A_6 : vector<1x1024xf32>
    %rsqrt3A = math.rsqrt %add3A_7 : vector<1x1024xf32>
    %iota3A = tpu.iota {dimensions = array<i32: 0>} : vector<1024x1024xi32>
    %iota3A_8 = tpu.iota {dimensions = array<i32: 1>} : vector<1024x1024xi32>
    %eq3A = arith.cmpi eq, %iota3A, %iota3A_8 : vector<1024x1024xi32>
    %jit3A = arith.constant 1.000000e+00 : f32
    %jit3A_9 = arith.constant 0.000000e+00 : f32
    %broadcast_in_dim3A = vector.broadcast %jit3A : f32 to vector<1024x1024xf32>
    %broadcast_in_dim3A_10 = vector.broadcast %jit3A_9 : f32 to vector<1024x1024xf32>
    %select_n3A = arith.select %eq3A, %broadcast_in_dim3A, %broadcast_in_dim3A_10 : vector<1024x1024xi1>, vector<1024x1024xf32>
    %dot_general3A = arith.constant dense<0.000000e+00> : vector<1024x1xf32>
    %dot_general3A_11 = tpu.matmul %select_n3A, %rsqrt3A, %dot_general3A {dimension_numbers = #tpu.dot_dimension_numbers<[1], [1], [0], [0], [0, 0, 1, 0], [], []>, transpose_lhs_hint = false} : vector<1024x1024xf32>, vector<1x1024xf32>, vector<1024x1xf32> -> vector<1024x1xf32>
    %get3A_12 = arith.constant 0 : index
    %get3A_13 = arith.constant 0 : index
    %get3A_14 = vector.load %arg1[%get3A_12, %get3A_13] : memref<1024x128xf32, #tpu.memory_space<vmem>>, vector<1024x128xf32>
    %get3A_15 = arith.constant 0 : index
    %get3A_16 = arith.constant 0 : index
    %get3A_17 = vector.load %arg2[%get3A_15, %get3A_16] : memref<1024x128xf32, #tpu.memory_space<vmem>>, vector<1024x128xf32>
    %add3A_18 = arith.addf %get3A_14, %get3A_17 : vector<1024x128xf32>
    %mul3A = vector.broadcast %dot_general3A_11 : vector<1024x1xf32> to vector<1024x128xf32>
    %mul3A_19 = arith.mulf %add3A_18, %mul3A : vector<1024x128xf32>
    %get3A_20 = arith.constant 0 : index
    %get3A_21 = arith.constant 0 : index
    %get3A_22 = vector.load %arg5[%get3A_20, %get3A_21] : memref<1024x128xf32, #tpu.memory_space<vmem>>, vector<1024x128xf32>
    %add3A_23 = arith.addf %mul3A_19, %get3A_22 : vector<1024x128xf32>
    %swap3A = arith.constant 0 : index
    %swap3A_24 = arith.constant 0 : index
    %swap3A_25 = vector.load %arg6[%swap3A, %swap3A_24] : memref<1024x128xf32, #tpu.memory_space<vmem>>, vector<1024x128xf32>
    tpu.vector_store %arg6[%swap3A, %swap3A_24], %add3A_23 {strides = array<i32>} : memref<1024x128xf32, #tpu.memory_space<vmem>>, vector<1024x128xf32>,
    return
  }
  func.func @transform_0(%arg0: i32) -> (i32, i32) {
    %c0_i32 = arith.constant 0 : i32
    %c0_i32_0 = arith.constant 0 : i32
    return %arg0, %c0_i32 : i32, i32
  }
  func.func @transform_1(%arg0: i32) -> (i32, i32) {
    %c0_i32 = arith.constant 0 : i32
    %c0_i32_0 = arith.constant 0 : i32
    return %arg0, %c0_i32 : i32, i32
  }
  func.func @transform_2(%arg0: i32) -> (i32, i32) {
    %c0_i32 = arith.constant 0 : i32
    %c0_i32_0 = arith.constant 0 : i32
    return %c0_i32, %arg0 : i32, i32
  }
  func.func @transform_3(%arg0: i32) -> (i32, i32) {
    %c0_i32 = arith.constant 0 : i32
    %c0_i32_0 = arith.constant 0 : i32
    return %c0_i32, %arg0 : i32, i32
  }
  func.func @transform_4(%arg0: i32) -> (i32, i32) {
    %c0_i32 = arith.constant 0 : i32
    %c0_i32_0 = arith.constant 0 : i32
    return %arg0, %c0_i32 : i32, i32
  }
  func.func @transform_5(%arg0: i32) -> (i32, i32) {
    %c0_i32 = arith.constant 0 : i32
    %c0_i32_0 = arith.constant 0 : i32
    return %arg0, %c0_i32 : i32, i32
  }
}

</mosaic_0001>

<sc_bundles>
// kernel: kernel.6.cloned.1.call-start
scs
__scs_entry_jumppad:
0x0: {  	(pc) =	sbr.rel $0x88, $3  }
0x1: {  	(tag) =	ssettag $0x0;
	lr =	simm.s32 $0x1  }
0x2: {  	[smem:$0x3F9D] =	sst lr;
	_ =	strace $0xD0000000  }
0x3: {  	_ = 	snop  }
0x4: {  	_ = 	snop  }
0x5: {  	_ = 	snop  }
0x6: {  	_ = 	snop  }
0x7: {  	_ = 	snop  }
__scs_overlays_trampoline_lowered:
0x8: {  	[smem:$0x3FAC] =	sst s0  }
0x9: {  	[smem:$0x3FAD] =	sst s1  }
0xa: {  	[smem:$0x3FAE] =	sst s2  }
0xb: {  	[smem:$0x3FAF] =	sst s3  }
0xc: {  	[smem:$0x3FB0] =	sst s4  }
0xd: {  	[smem:$0x3FB1] =	sst s5  }
0xe: {  	[smem:$0x3FB2] =	sst s6  }
0xf: {  	[smem:$0x3FB3] =	sst s7  }
0x10: {  	[smem:$0x3FB4] =	sst s8  }
0x11: {  	[smem:$0x3FB5] =	sst s9;
	s0 =	simm.s32 @!p0 $0x0  }
0x12: {  	s1 =	sld [smem:$0x3F9B];
	s0 =	simm.s32 @p0 $0x1  }
0x13: {  	[smem:$0x3FB6] =	sst s0;
	s0 =	simm.s32 @!p1 $0x0  }
0x14: {  	s2 =	sld [smem:$0x3F9A];
	s0 =	simm.s32 @p1 $0x1  }
0x15: {  	[smem:$0x3FB7] =	sst s0;
	s0 =	simm.s32 @!p2 $0x0  }
0x16: {  	s3 =	sld [smem:$0x3FDB];
	s0 =	simm.s32 @p2 $0x1  }
0x17: {  	s4 =	simm.s32 $0x1BF5;
	[smem:$0x3FB9] =	sst s0  }
0x18: {  	s0 =	sld [smem:$0x3F9C];
	_ =	swait.ge [sflag:s4], $0x0  }
0x19: {  	s7 =	sld [smem:$0x3F9D]  }
0x1a: {  	s8 =	sadd.s32 $0xFFFFE003, lr  }
0x1b: {  	s9 =	sadd.s32 $0xFFFFFEF7, lr;
	s5 =	simm.s32 $0xFFFFFFFF;
	p2 =	slt.u32 s8, $0xFFFFF086  }
0x1c: {  	p1 =	slt.u32 s9, $0xF7A;
	s5 =	simm.s32 @!p2 $0x0  }
0x1d: {  	s5 =	simm.s32 @p1 $0x1;
	p0 =	seq.s32 s7, s2  }
0x1e: {  	s7 =	smul.u32 @!p0 $0xF7A, s2;
	p2 =	seq.s32 @!p0 s5, $0x0  }
0x1f: {  	s9 =	smul.u32 $0xF7A, s1;
	s8 =	simm.s32 @!p0 $0x1BF5;
	p2 =	por !p2, p0  }
0x20: {  	[sflag:s8] =	ssyncset.s32 @!p0 $0xFFFFF086;
	s6 =	sadd.s32 @!p0 s3, s7;
	s7 =	simm.s32 @!p0 $0x108  }
0x21: {  	s3 =	sadd.s32 s3, s9;
	s6 =	sadd.s32 @!p0 $0x88, s6;
	s7 =	simm.s32 @p2 $0x1082  }
0x22: {  	[simem:s7], [sflag:s8] =	dma.local @!p0 [hbm:s6], $0xF7A  }
0x23: {  	s9 =	sor.u32 $0xD0000000, s2;
	s6 =	simm.s32 $0x108;
	_ =	swait.ge @!p0 [sflag:s8], $0x0  }
0x24: {  	s3 =	sadd.s32 $0x88, s3;
	s6 =	simm.s32 @!p1 $0x1082;
	[sflag:s4] =	ssyncset.s32 $0xFFFFF086  }
0x25: {  	[simem:s6], [sflag:s4] =	dma.local [hbm:s3], $0xF7A  }
0x26: {  	[smem:$0x3F9D] =	sst s1;
	(tag) =	ssettag s2;
	_ =	strace s9  }
0x27: {  	s1 =	sld [smem:$0x3FAD]  }
0x28: {  	s2 =	sld [smem:$0x3FAE]  }
0x29: {  	s4 =	sld [smem:$0x3FB0]  }
0x2a: {  	p0 =	seq.s32 s5, $0x0;
	s5 =	sld [smem:$0x3FB1]  }
0x2b: {  	s6 =	sld [smem:$0x3FB2]  }
0x2c: {  	s7 =	sld [smem:$0x3FB3]  }
0x2d: {  	s3 =	simm.s32 $0x108;
	s8 =	sld [smem:$0x3FB4]  }
0x2e: {  	s3 =	simm.s32 @!p0 $0x1082;
	s9 =	sld [smem:$0x3FB5]  }
0x2f: {  	lr =	sadd.s32 s0, s3;
	s0 =	sld [smem:$0x3FAC]  }
0x30: {  	s3 =	sld [smem:$0x3FAF]  }
0x31: {  	[smem:$0x3FB8] =	sst s10  }
0x32: {  	s10 =	sld [smem:$0x3FB6];
	_ =	sdelay $0x3  }
0x33: {  	p0 =	seq.s32 s10, $0x1;
	s10 =	sld [smem:$0x3FB8];
	_ =	sdelay $0x3  }
0x34: {  	[smem:$0x3FB8] =	sst s10  }
0x35: {  	s10 =	sld [smem:$0x3FB7];
	_ =	sdelay $0x3  }
0x36: {  	p1 =	seq.s32 s10, $0x1;
	s10 =	sld [smem:$0x3FB8];
	_ =	sdelay $0x3  }
0x37: {  	[smem:$0x3FB8] =	sst s10  }
0x38: {  	s10 =	sld [smem:$0x3FB9]  }
0x39: {  	_ = 	snop;
	(pc) =	sbr.ind lr, $3  }
0x3a: {  	_ = 	snop  }
0x3b: {  	_ = 	snop  }
0x3c: {  	p2 =	seq.s32 s10, $0x1;
	s10 =	sld [smem:$0x3FB8]  }
0x3d: {  	_ =	shalt  }
0x3e: {  	_ =	shalt  }
0x3f: {  	_ =	shalt  }
0x40: {  	_ =	shalt  }
0x41: {  	_ =	shalt  }
0x42: {  	_ =	shalt  }
0x43: {  	_ =	shalt  }
0x44: {  	_ =	shalt  }
0x45: {  	_ =	shalt  }
0x46: {  	_ =	shalt  }
0x47: {  	_ =	shalt  }
0x48: {  	_ =	shalt  }
0x49: {  	_ =	shalt  }
0x4a: {  	_ =	shalt  }
0x4b: {  	_ =	shalt  }
0x4c: {  	_ =	shalt  }
0x4d: {  	_ =	shalt  }
0x4e: {  	_ =	shalt  }
0x4f: {  	_ =	shalt  }
0x50: {  	_ =	shalt  }
0x51: {  	_ =	shalt  }
0x52: {  	_ =	shalt  }
0x53: {  	_ =	shalt  }
0x54: {  	_ =	shalt  }
0x55: {  	_ =	shalt  }
0x56: {  	_ =	shalt  }
0x57: {  	_ =	shalt  }
0x58: {  	_ =	shalt  }
0x59: {  	_ =	shalt  }
0x5a: {  	_ =	shalt  }
0x5b: {  	_ =	shalt  }
0x5c: {  	_ =	shalt  }
0x5d: {  	_ =	shalt  }
0x5e: {  	_ =	shalt  }
0x5f: {  	_ =	shalt  }
0x60: {  	_ =	shalt  }
0x61: {  	_ =	shalt  }
0x62: {  	_ =	shalt  }
0x63: {  	_ =	shalt  }
0x64: {  	_ =	shalt  }
0x65: {  	_ =	shalt  }
0x66: {  	_ =	shalt  }
0x67: {  	_ =	shalt  }
0x68: {  	_ =	shalt  }
0x69: {  	_ =	shalt  }
0x6a: {  	_ =	shalt  }
0x6b: {  	_ =	shalt  }
0x6c: {  	_ =	shalt  }
0x6d: {  	_ =	shalt  }
0x6e: {  	_ =	shalt  }
0x6f: {  	_ =	shalt  }
0x70: {  	_ =	shalt  }
0x71: {  	_ =	shalt  }
0x72: {  	_ =	shalt  }
0x73: {  	_ =	shalt  }
0x74: {  	_ =	shalt  }
0x75: {  	_ =	shalt  }
0x76: {  	_ =	shalt  }
0x77: {  	_ =	shalt  }
0x78: {  	_ =	shalt  }
0x79: {  	_ =	shalt  }
0x7a: {  	_ =	shalt  }
0x7b: {  	_ =	shalt  }
0x7c: {  	_ =	shalt  }
0x7d: {  	_ =	shalt  }
0x7e: {  	_ =	shalt  }
0x7f: {  	_ =	shalt  }
0x80: {  	_ =	shalt  }
0x81: {  	_ =	shalt  }
0x82: {  	_ =	shalt  }
0x83: {  	_ =	shalt  }
0x84: {  	_ =	shalt  }
0x85: {  	_ =	shalt  }
0x86: {  	_ =	shalt  }
0x87: {  	_ =	shalt  }
.Lfunc_end0:
.L_simem_size_0:
called_computation_lowered:
.L_overlay_start_0:
0x88: {  	s2 =	sld [smem:$0x3FD9]  }
0x89: {  	s3 =	sld [smem:$0x3FFE];
	_ =	sdelay $0x1  }
0x8a: {  	s1 =	srdreg.scid  }
0x8b: {  	s0 =	sand.u32 $0x1, s1  }
0x8c: {  	s17 =	sshll.u32 s0, $0xA;
	s2 =	sadd.s32 s3, s2  }
0x8d: {  	s2 =	sadd.s32 s2, s17  }
0x8e: {  	[smem:$0x3FC4] =	sst s2  }
0x8f: {  	_ = 	snop  }
0x90: {  	s2 =	sld [smem:$0x3FD0];
	(tm) =	ssettm $0x1  }
0x91: {  	s18 =	sld [smem:$0x3FFB];
	_ =	sdelay $0x3  }
0x92: {  	_ =	strace s18  }
0x93: {  	s3 =	sld [smem:$0x3FFC];
	_ =	sdelay $0x3  }
0x94: {  	_ =	strace s3  }
0x95: {  	s3 =	sld [smem:$0x3FFD];
	_ =	sdelay $0x3  }
0x96: {  	_ =	strace s3  }
0x97: {  	_ =	strace $0x8FFFFFFF  }
0x98: {  	s19 =	sld [smem:$0x3FDB];
	_ =	sdelay $0x1  }
0x99: {  	s4 =	simm.s32 $_scs_section_size  }
0x9a: {  	s5 =	simm.s32 $_size__tile_overlayer_lowered;
	s6 =	simm.s32 $_tile_overlayer_lowered  }
0x9b: {  	s22 =	simm.s32 $0x1BFF;
	s21 =	sshll.u32 s6, $0x1;
	s3 =	sadd.s32 s4, s19  }
0x9c: {  	s7 =	simm.s32 $0x0;
	s20 =	sshll.u32 s5, $0x1;
	s5 =	sadd.s32 s21, s3  }
0x9d: {  	[timem:s7], [sflag:s22] =	dma.local [hbm:s5], s20  }
0x9e: {  	_ =	swait.ge [sflag:s22], s20  }
0x9f: {  	s4 =	ssub.s32 $0x0, s20;
	[sflag:s22] =	ssyncset.done $0x0  }
0xa0: {  	[sflag:s22] =	ssyncadd.s32 s4;
	_ =	sdelay $0x1  }
0xa1: {  	s23 =	simm.s32 $0x1B8B  }
0xa2: {  	_ =	swait.ge [sflag:s23], $0x1  }
0xa3: {  	[sflag:s23] =	ssyncset.done $0x0  }
0xa4: {  	s25 =	simm.s32 $0x1B8E;
	s24 =	sld [smem:$0x3FFE];
	[sflag:s23] =	ssyncadd.s32 $0xFFFFFFFF  }
0xa5: {  	s26 =	simm.s32 $execute0_lowered;
	[smem:$0x3FD2] =	sst s25  }
0xa6: {  	s5 =	sshll.u32 s26, $0x1;
	_ =	strace $0x80000046;
	[dreg:$0x1] =	wrdreg $0xFFFFFFFF  }
0xa7: {  	s28 =	simm.s32 $_size_execute0_lowered;
	s3 =	sadd.s32 s3, s5;
	[dreg:$0x0] =	wrdreg $0x0  }
0xa8: {  	s5 =	sshll.u32 s28, $0x1;
	[dreg:$0x2] =	wrdreg s3  }
0xa9: {  	[dreg:$0x3] =	wrdreg s5  }
0xaa: {  	[dreg:$0x4] =	wrdreg $0xC0  }
0xab: {  	_ =	task [dreg:s7], $0x5FFFF  }
0xac: {  	[dreg:$0x1] =	wrdreg $0xFFFFFFFF  }
0xad: {  	[dreg:$0x0] =	wrdreg $0x60  }
0xae: {  	[dreg:$0x2] =	wrdreg s2  }
0xaf: {  	[dreg:$0x3] =	wrdreg s24  }
0xb0: {  	[dreg:$0x4] =	wrdreg $0x2B000  }
0xb1: {  	[dreg:$0x5] =	wrdreg $0x9  }
0xb2: {  	_ =	task.clear_ibuf [dreg:s7], $0x6FFFF;
	_ =	strace $0x90000046  }
0xb3: {  	s29 =	simm.s32 $0x9;
	_ =	strace $0x80000048  }
0xb4: {  	_ =	swait.ge [sflag:s29], $0x1  }
0xb5: {  	[sflag:s29] =	ssyncadd.s32 $0xFFFFFFFF  }
0xb6: {  	_ =	strace $0x90000048  }
0xb7: {  	_ =	sfence  }
0xb8: {  	s30 =	sld [smem:$0x0];
	_ =	sdelay $0x2  }
0xb9: {  	s31 =	sshll.u32 s1, $0xD;
	s1 =	sshrl.u32 s1, $0x2  }
0xba: {  	s3 =	sand.u32 $0x4000, s31;
	s1 =	sadd.s32 s1, s30  }
0xbb: {  	s0 =	sor.u32 s3, s0;
	s1 =	sshll.u32 s1, $0x11  }
0xbc: {  	s0 =	sor.u32 s1, s0  }
0xbd: {  	s0 =	sadd.s32 $0x8F2B, s0  }
0xbe: {  	[sflag:s0] =	ssyncadd.remote.s32 $0x1  }
0xbf: {  	_ =	sfence.sel $0xFFFF  }
0xc0: {  	[dreg:$0x0] =	wrdreg $0xFFFFFFFF;
	(pc) =	sbr.abs _section_cstart, $3  }
0xc1: {  	[dreg:$0x1] =	wrdreg $0xFFFFFFFF  }
0xc2: {  	_ =	task.clear_ibuf [dreg:s7], $0x2FFFF;
	_ =	strace $0x9FFFFFFF  }
0xc3: {  	(tm) =	ssettm $0x7FFFFFFF  }
tec
execute0_lowered:
.L_overlay_start_1:
0x0: {  	(tag) =	ssettag $0x1  }
0x1: {  	s4 =	rddreg [dreg:$0x0]  }
0x2: {  	s6 =	rddreg [dreg:$0x1]  }
0x3: {  	s0 =	srdreg.scid;
	s2 =	rddreg [dreg:$0x2]  }
0x4: {  	s3 =	simm.s32 $0x0;
	s11 =	simm.s32 $0x2800;
	s12 =	simm.s32 $0x1  }
0x5: {  	s15 =	simm.s32 $0x0;
	s5 =	sand.u32 $0x1, s0;
	s0 =	stileid.u32  }
0x6: {  	[smem:$0x7FF] =	sst s3;
	s1 =	sshll.u32 s5, $0x4;
	s8 =	ssub.s32 $0x2, s5  }
0x7: {  	s10 =	smul.u32 $0x280, s0;
	p0 =	seq.s32 s5, $0x1;
	s5 =	simm.s32 $0x2E00  }
0x8: {  	s13 =	sshll.u32 s0, $0x6;
	s7 =	sor.u32 s0, s1;
	s1 =	rddreg [dreg:$0x3]  }
0x9: {  	_ =	strace $0x80000047;
	s9 =	sshrl.u32 s8, $0x1;
	s5 =	simm.s32 @!p0 $0x2800  }
0xa: {  	s13 =	sor.u32 $0x1C02, s13;
	s7 =	smul.u32 $0x2800, s7;
	s8 =	ssub.s32 s8, s9  }
0xb: {  	s30 =	sshrl.u32 s10, $0x3;
	s31 =	sadd.s32 s5, s6;
	s5 =	sadd.s32 s10, s2  }
0xc: {  	s9 =	simm.s32 $0x2880;
	s10 =	simm.s32 $0x7D;
	s7 =	sshrl.u32 s7, $0x3  }
0xd: {  	s6 =	smax.u32 s8, $0x1;
	s8 =	simm.s32 $0x2;
	s4 =	sadd.s32 s4, s7  }
0xe: {  	v0 =	vimm.f32 $0.0e+00;
	v1 =	vimm.f32 $1.000000000e+00;
	s14 =	sshrl.u32 s5, $0x3;
	s7 =	sadd.s32 s31, s30;
	s4 =	sadd.s32 $0xA000, s4  }
.LBB2_1:
0xf: {  	[tilespmem:$0x2880] =	vst v0  }
0x10: {  	[tilespmem:$0x2890] =	vst v0  }
0x11: {  	[tilespmem:$0x28A0] =	vst v0  }
0x12: {  	[tilespmem:$0x28B0] =	vst v0  }
0x13: {  	[tilespmem:$0x28C0] =	vst v0  }
0x14: {  	[tilespmem:$0x28D0] =	vst v0  }
0x15: {  	[tilespmem:$0x28E0] =	vst v0  }
0x16: {  	[tilespmem:$0x28F0] =	vst v0  }
0x17: {  	[tilespmem:$0x2900] =	vst v0  }
0x18: {  	[tilespmem:$0x2910] =	vst v0  }
0x19: {  	[tilespmem:$0x2920] =	vst v0  }
0x1a: {  	[tilespmem:$0x2930] =	vst v0  }
0x1b: {  	[tilespmem:$0x2940] =	vst v0  }
0x1c: {  	[tilespmem:$0x2950] =	vst v0  }
0x1d: {  	[tilespmem:$0x2960] =	vst v0  }
0x1e: {  	[tilespmem:$0x2970] =	vst v0  }
0x1f: {  	[tilespmem:$0x2980] =	vst v0  }
0x20: {  	[tilespmem:$0x2990] =	vst v0  }
0x21: {  	[tilespmem:$0x29A0] =	vst v0  }
0x22: {  	[tilespmem:$0x29B0] =	vst v0  }
0x23: {  	[tilespmem:$0x29C0] =	vst v0  }
0x24: {  	[tilespmem:$0x29D0] =	vst v0  }
0x25: {  	[tilespmem:$0x29E0] =	vst v0  }
0x26: {  	[tilespmem:$0x29F0] =	vst v0  }
0x27: {  	[tilespmem:$0x2A00] =	vst v0  }
0x28: {  	[tilespmem:$0x2A10] =	vst v0  }
0x29: {  	[tilespmem:$0x2A20] =	vst v0  }
0x2a: {  	[tilespmem:$0x2A30] =	vst v0  }
0x2b: {  	[tilespmem:$0x2A40] =	vst v0  }
0x2c: {  	[tilespmem:$0x2A50] =	vst v0  }
0x2d: {  	[tilespmem:$0x2A60] =	vst v0  }
0x2e: {  	[tilespmem:$0x2A70] =	vst v0  }
0x2f: {  	[tilespmem:$0x2A80] =	vst v0  }
0x30: {  	[tilespmem:$0x2A90] =	vst v0  }
0x31: {  	[tilespmem:$0x2AA0] =	vst v0  }
0x32: {  	[tilespmem:$0x2AB0] =	vst v0  }
0x33: {  	[tilespmem:$0x2AC0] =	vst v0  }
0x34: {  	[tilespmem:$0x2AD0] =	vst v0  }
0x35: {  	[tilespmem:$0x2AE0] =	vst v0  }
0x36: {  	[tilespmem:$0x2AF0] =	vst v0  }
0x37: {  	[tilespmem:$0x2800] =	vst v1  }
0x38: {  	[tilespmem:$0x2810] =	vst v1  }
0x39: {  	[tilespmem:$0x2820] =	vst v1  }
0x3a: {  	[tilespmem:$0x2830] =	vst v1  }
0x3b: {  	[tilespmem:$0x2840] =	vst v1  }
0x3c: {  	[tilespmem:$0x2850] =	vst v1  }
0x3d: {  	[tilespmem:$0x2860] =	vst v1  }
0x3e: {  	[tilespmem:$0x2870] =	vst v1  }
0x3f: {  	[tilespmem:s3], [sflag:$0x2] =	stream.linear.gather [hbm4b:s4+s3], $0x2800, $0x38;
	[tilespmem:$0x2D80] =	vst v63  }
0x40: {  	_ =	swait.ge [sflag:s8], $0x2800  }
0x41: {  	[sflag:s8] =	ssyncset.done $0x0  }
0x42: {  	[sflag:s8] =	ssyncadd.s32 $0xFFFFD800  }
0x43: {  	[spmem:s5] =	stream.linear.scatter [tilespmem:s9], [sflag:$0x2], $0x280, $0x38;
	[tilespmem:$0x2D80] =	vst v63  }
0x44: {  	_ =	swait.ge [sflag:s8], $0x280  }
0x45: {  	[sflag:s8] =	ssyncset.done $0x0  }
0x46: {  	[sflag:s8] =	ssyncadd.s32 $0xFFFFFD80  }
0x47: {  	s16 =	simm.s32 $0x0;
	[bflag:$0x0] =	sbarrier.arrive $0xFFFF  }
.LBB2_2:
0x48: {  	p0 =	sne.s32 s16, $0x9E00  }
.Ltmp0:
0x49: {  	_ = 	snop;
	(pc) =	sbr.rel @p0 .LBB2_2-.Ltmp0, $3  }
0x4a: {  	_ =	sdelay $0x1  }
0x4b: {  	s17 =	sshra.s32 s16, $0x2;
	s16 =	sadd.s32 $0x200, s16  }
0x4c: {  	[spmem:s2] =	stream.indirect.scatter.add.f32 [tilespmem:s11], [sflag:$0x1], $0x1, s17, s10, $0xb8;
	[tilespmem:$0x2D80] =	vst v63  }
0x4d: {  	_ =	swait.ge [sflag:s12], $0x7D  }
0x4e: {  	s16 =	simm.s32 $0x4F;
	[sflag:s12] =	ssyncset.done $0x0  }
.LBB2_4:
0x4f: {  	p0 =	sne.s32 s16, $0x1;
	s16 =	sadd.s32 $0xFFFFFFFF, s16;
	[sflag:s12] =	ssyncadd.s32 $0xFFFFFF83  }
.Ltmp1:
0x50: {  	(pc) =	sbr.rel @p0 .LBB2_4-.Ltmp1, $3  }
0x51: {  	_ =	sdelay $0x1  }
0x52: {  	_ =	swait.ge [sflag:s12], $0x7D  }
0x53: {  	[sflag:s12] =	ssyncset.done $0x0  }
0x54: {  	s15 =	sadd.s32 $0x1, s15  }
0x55: {  	[sflag:s12] =	ssyncadd.s32 $0xFFFFFF83;
	p0 =	sne.s32 s15, s6  }
.Ltmp2:
0x56: {  	[bflag:$0x0] =	sbarrier.arrive $0xFFFF;
	(pc) =	sbr.rel @p0 .LBB2_1-.Ltmp2, $4  }
0x57: {  	[hbm:s7], [sflag:s13] =	dma.local [spmem:s14], $0x50  }
0x58: {  	_ =	swait.ge [sflag:s8], $0x50  }
0x59: {  	[sflag:s8] =	ssyncset.done $0x0  }
0x5a: {  	[sflag:s8] =	ssyncadd.s32 $0xFFFFFFB0  }
0x5b: {  	_ =	sfence.sel $0x180000  }
0x5c: {  	[bflag:$0x0] =	sbarrier.arrive $0xFFFF  }
0x5d: {  	p0 =	sne.s32 s0, $0x0;
	_ =	strace $0x90000047  }
0x5e: {  	s0 =	sadd.s32 @!p0 $0x100000, s1;
	[bflag:$0x2] =	sbarrier.arrive $0xFFFF  }
0x5f: {  	[sflag:s0] =	ssyncadd.tile.s32 @!p0 $0x1;
	_ =	shalt  }
.Lfunc_end2:
_tile_overlayer_lowered:
.L_overlay_start_2:
0x60: {  	(tag) =	ssettag $0x2  }
0x61: {  	s0 =	rddreg [dreg:$0x0];
	s2 =	stileid.u32  }
0x62: {  	s1 =	rddreg [dreg:$0x1];
	p0 =	sne.s32 s2, $0x0  }
0x63: {  	s3 =	rddreg [dreg:$0x2];
	[bflag:$0x3] =	sbarrier.arrive $0xFFFF;
	s2 =	simm.s32 @!p0 $0x1C02  }
0x64: {  	[timem:s3], [sflag:s2] =	dma.local @!p0 [hbm:s0], s1  }
0x65: {  	s0 =	simm.s32 @!p0 $0x2  }
0x66: {  	_ =	swait.ge @!p0 [sflag:s0], s1  }
0x67: {  	s1 =	ssub.s32 @!p0 $0x0, s1;
	[sflag:s0] =	ssyncset.done @!p0 $0x0  }
0x68: {  	[sflag:s0] =	ssyncadd.s32 @!p0 s1  }
0x69: {  	[bflag:$0x3] =	sbarrier.arrive $0xFFFF  }
0x6a: {  	_ =	shalt  }

// kernel: kernel.9.cloned.1.call-start
scs
__scs_entry_jumppad:
0x0: {  	(pc) =	sbr.rel $0x88, $3  }
0x1: {  	(tag) =	ssettag $0x0;
	lr =	simm.s32 $0x1  }
0x2: {  	[smem:$0x3F9D] =	sst lr;
	_ =	strace $0xD0000000  }
0x3: {  	_ = 	snop  }
0x4: {  	_ = 	snop  }
0x5: {  	_ = 	snop  }
0x6: {  	_ = 	snop  }
0x7: {  	_ = 	snop  }
__scs_overlays_trampoline_lowered:
0x8: {  	[smem:$0x3FAC] =	sst s0  }
0x9: {  	[smem:$0x3FAD] =	sst s1  }
0xa: {  	[smem:$0x3FAE] =	sst s2  }
0xb: {  	[smem:$0x3FAF] =	sst s3  }
0xc: {  	[smem:$0x3FB0] =	sst s4  }
0xd: {  	[smem:$0x3FB1] =	sst s5  }
0xe: {  	[smem:$0x3FB2] =	sst s6  }
0xf: {  	[smem:$0x3FB3] =	sst s7  }
0x10: {  	[smem:$0x3FB4] =	sst s8  }
0x11: {  	[smem:$0x3FB5] =	sst s9;
	s0 =	simm.s32 @!p0 $0x0  }
0x12: {  	s1 =	sld [smem:$0x3F9B];
	s0 =	simm.s32 @p0 $0x1  }
0x13: {  	[smem:$0x3FB6] =	sst s0;
	s0 =	simm.s32 @!p1 $0x0  }
0x14: {  	s2 =	sld [smem:$0x3F9A];
	s0 =	simm.s32 @p1 $0x1  }
0x15: {  	[smem:$0x3FB7] =	sst s0;
	s0 =	simm.s32 @!p2 $0x0  }
0x16: {  	s3 =	sld [smem:$0x3FDB];
	s0 =	simm.s32 @p2 $0x1  }
0x17: {  	s4 =	simm.s32 $0x1BF5;
	[smem:$0x3FB9] =	sst s0  }
0x18: {  	s0 =	sld [smem:$0x3F9C];
	_ =	swait.ge [sflag:s4], $0x0  }
0x19: {  	s7 =	sld [smem:$0x3F9D]  }
0x1a: {  	s8 =	sadd.s32 $0xFFFFE003, lr  }
0x1b: {  	s9 =	sadd.s32 $0xFFFFFEF7, lr;
	s5 =	simm.s32 $0xFFFFFFFF;
	p2 =	slt.u32 s8, $0xFFFFF086  }
0x1c: {  	p1 =	slt.u32 s9, $0xF7A;
	s5 =	simm.s32 @!p2 $0x0  }
0x1d: {  	s5 =	simm.s32 @p1 $0x1;
	p0 =	seq.s32 s7, s2  }
0x1e: {  	s7 =	smul.u32 @!p0 $0xF7A, s2;
	p2 =	seq.s32 @!p0 s5, $0x0  }
0x1f: {  	s9 =	smul.u32 $0xF7A, s1;
	s8 =	simm.s32 @!p0 $0x1BF5;
	p2 =	por !p2, p0  }
0x20: {  	[sflag:s8] =	ssyncset.s32 @!p0 $0xFFFFF086;
	s6 =	sadd.s32 @!p0 s3, s7;
	s7 =	simm.s32 @!p0 $0x108  }
0x21: {  	s3 =	sadd.s32 s3, s9;
	s6 =	sadd.s32 @!p0 $0x88, s6;
	s7 =	simm.s32 @p2 $0x1082  }
0x22: {  	[simem:s7], [sflag:s8] =	dma.local @!p0 [hbm:s6], $0xF7A  }
0x23: {  	s9 =	sor.u32 $0xD0000000, s2;
	s6 =	simm.s32 $0x108;
	_ =	swait.ge @!p0 [sflag:s8], $0x0  }
0x24: {  	s3 =	sadd.s32 $0x88, s3;
	s6 =	simm.s32 @!p1 $0x1082;
	[sflag:s4] =	ssyncset.s32 $0xFFFFF086  }
0x25: {  	[simem:s6], [sflag:s4] =	dma.local [hbm:s3], $0xF7A  }
0x26: {  	[smem:$0x3F9D] =	sst s1;
	(tag) =	ssettag s2;
	_ =	strace s9  }
0x27: {  	s1 =	sld [smem:$0x3FAD]  }
0x28: {  	s2 =	sld [smem:$0x3FAE]  }
0x29: {  	s4 =	sld [smem:$0x3FB0]  }
0x2a: {  	p0 =	seq.s32 s5, $0x0;
	s5 =	sld [smem:$0x3FB1]  }
0x2b: {  	s6 =	sld [smem:$0x3FB2]  }
0x2c: {  	s7 =	sld [smem:$0x3FB3]  }
0x2d: {  	s3 =	simm.s32 $0x108;
	s8 =	sld [smem:$0x3FB4]  }
0x2e: {  	s3 =	simm.s32 @!p0 $0x1082;
	s9 =	sld [smem:$0x3FB5]  }
0x2f: {  	lr =	sadd.s32 s0, s3;
	s0 =	sld [smem:$0x3FAC]  }
0x30: {  	s3 =	sld [smem:$0x3FAF]  }
0x31: {  	[smem:$0x3FB8] =	sst s10  }
0x32: {  	s10 =	sld [smem:$0x3FB6];
	_ =	sdelay $0x3  }
0x33: {  	p0 =	seq.s32 s10, $0x1;
	s10 =	sld [smem:$0x3FB8];
	_ =	sdelay $0x3  }
0x34: {  	[smem:$0x3FB8] =	sst s10  }
0x35: {  	s10 =	sld [smem:$0x3FB7];
	_ =	sdelay $0x3  }
0x36: {  	p1 =	seq.s32 s10, $0x1;
	s10 =	sld [smem:$0x3FB8];
	_ =	sdelay $0x3  }
0x37: {  	[smem:$0x3FB8] =	sst s10  }
0x38: {  	s10 =	sld [smem:$0x3FB9]  }
0x39: {  	_ = 	snop;
	(pc) =	sbr.ind lr, $3  }
0x3a: {  	_ = 	snop  }
0x3b: {  	_ = 	snop  }
0x3c: {  	p2 =	seq.s32 s10, $0x1;
	s10 =	sld [smem:$0x3FB8]  }
0x3d: {  	_ =	shalt  }
0x3e: {  	_ =	shalt  }
0x3f: {  	_ =	shalt  }
0x40: {  	_ =	shalt  }
0x41: {  	_ =	shalt  }
0x42: {  	_ =	shalt  }
0x43: {  	_ =	shalt  }
0x44: {  	_ =	shalt  }
0x45: {  	_ =	shalt  }
0x46: {  	_ =	shalt  }
0x47: {  	_ =	shalt  }
0x48: {  	_ =	shalt  }
0x49: {  	_ =	shalt  }
0x4a: {  	_ =	shalt  }
0x4b: {  	_ =	shalt  }
0x4c: {  	_ =	shalt  }
0x4d: {  	_ =	shalt  }
0x4e: {  	_ =	shalt  }
0x4f: {  	_ =	shalt  }
0x50: {  	_ =	shalt  }
0x51: {  	_ =	shalt  }
0x52: {  	_ =	shalt  }
0x53: {  	_ =	shalt  }
0x54: {  	_ =	shalt  }
0x55: {  	_ =	shalt  }
0x56: {  	_ =	shalt  }
0x57: {  	_ =	shalt  }
0x58: {  	_ =	shalt  }
0x59: {  	_ =	shalt  }
0x5a: {  	_ =	shalt  }
0x5b: {  	_ =	shalt  }
0x5c: {  	_ =	shalt  }
0x5d: {  	_ =	shalt  }
0x5e: {  	_ =	shalt  }
0x5f: {  	_ =	shalt  }
0x60: {  	_ =	shalt  }
0x61: {  	_ =	shalt  }
0x62: {  	_ =	shalt  }
0x63: {  	_ =	shalt  }
0x64: {  	_ =	shalt  }
0x65: {  	_ =	shalt  }
0x66: {  	_ =	shalt  }
0x67: {  	_ =	shalt  }
0x68: {  	_ =	shalt  }
0x69: {  	_ =	shalt  }
0x6a: {  	_ =	shalt  }
0x6b: {  	_ =	shalt  }
0x6c: {  	_ =	shalt  }
0x6d: {  	_ =	shalt  }
0x6e: {  	_ =	shalt  }
0x6f: {  	_ =	shalt  }
0x70: {  	_ =	shalt  }
0x71: {  	_ =	shalt  }
0x72: {  	_ =	shalt  }
0x73: {  	_ =	shalt  }
0x74: {  	_ =	shalt  }
0x75: {  	_ =	shalt  }
0x76: {  	_ =	shalt  }
0x77: {  	_ =	shalt  }
0x78: {  	_ =	shalt  }
0x79: {  	_ =	shalt  }
0x7a: {  	_ =	shalt  }
0x7b: {  	_ =	shalt  }
0x7c: {  	_ =	shalt  }
0x7d: {  	_ =	shalt  }
0x7e: {  	_ =	shalt  }
0x7f: {  	_ =	shalt  }
0x80: {  	_ =	shalt  }
0x81: {  	_ =	shalt  }
0x82: {  	_ =	shalt  }
0x83: {  	_ =	shalt  }
0x84: {  	_ =	shalt  }
0x85: {  	_ =	shalt  }
0x86: {  	_ =	shalt  }
0x87: {  	_ =	shalt  }
.Lfunc_end0:
.L_simem_size_0:
called_computation.1_lowered:
.L_overlay_start_0:
0x88: {  	s2 =	sld [smem:$0x3FD9]  }
0x89: {  	s3 =	sld [smem:$0x3FFE];
	_ =	sdelay $0x1  }
0x8a: {  	s1 =	srdreg.scid  }
0x8b: {  	s0 =	sand.u32 $0x1, s1  }
0x8c: {  	s17 =	sshll.u32 s0, $0xA;
	s2 =	sadd.s32 s3, s2  }
0x8d: {  	s2 =	sadd.s32 s2, s17  }
0x8e: {  	[smem:$0x3FC4] =	sst s2  }
0x8f: {  	_ = 	snop  }
0x90: {  	s2 =	sld [smem:$0x3FD0];
	(tm) =	ssettm $0x1  }
0x91: {  	s18 =	sld [smem:$0x3FFB];
	_ =	sdelay $0x3  }
0x92: {  	_ =	strace s18  }
0x93: {  	s3 =	sld [smem:$0x3FFC];
	_ =	sdelay $0x3  }
0x94: {  	_ =	strace s3  }
0x95: {  	s3 =	sld [smem:$0x3FFD];
	_ =	sdelay $0x3  }
0x96: {  	_ =	strace s3  }
0x97: {  	_ =	strace $0x8FFFFFFF  }
0x98: {  	s19 =	sld [smem:$0x3FDB];
	_ =	sdelay $0x1  }
0x99: {  	s4 =	simm.s32 $_scs_section_size  }
0x9a: {  	s5 =	simm.s32 $_size__tile_overlayer_lowered;
	s6 =	simm.s32 $_tile_overlayer_lowered  }
0x9b: {  	s22 =	simm.s32 $0x1BFF;
	s21 =	sshll.u32 s6, $0x1;
	s3 =	sadd.s32 s4, s19  }
0x9c: {  	s7 =	simm.s32 $0x0;
	s20 =	sshll.u32 s5, $0x1;
	s5 =	sadd.s32 s21, s3  }
0x9d: {  	[timem:s7], [sflag:s22] =	dma.local [hbm:s5], s20  }
0x9e: {  	_ =	swait.ge [sflag:s22], s20  }
0x9f: {  	s4 =	ssub.s32 $0x0, s20;
	[sflag:s22] =	ssyncset.done $0x0  }
0xa0: {  	[sflag:s22] =	ssyncadd.s32 s4;
	_ =	sdelay $0x1  }
0xa1: {  	s23 =	simm.s32 $0x1B8B  }
0xa2: {  	_ =	swait.ge [sflag:s23], $0x1  }
0xa3: {  	[sflag:s23] =	ssyncset.done $0x0  }
0xa4: {  	s25 =	simm.s32 $0x1B8E;
	s24 =	sld [smem:$0x3FFE];
	[sflag:s23] =	ssyncadd.s32 $0xFFFFFFFF  }
0xa5: {  	s26 =	simm.s32 $execute0_lowered;
	[smem:$0x3FD2] =	sst s25  }
0xa6: {  	s5 =	sshll.u32 s26, $0x1;
	_ =	strace $0x80000049;
	[dreg:$0x1] =	wrdreg $0xFFFFFFFF  }
0xa7: {  	s28 =	simm.s32 $_size_execute0_lowered;
	s3 =	sadd.s32 s3, s5;
	[dreg:$0x0] =	wrdreg $0x0  }
0xa8: {  	s5 =	sshll.u32 s28, $0x1;
	[dreg:$0x2] =	wrdreg s3  }
0xa9: {  	[dreg:$0x3] =	wrdreg s5  }
0xaa: {  	[dreg:$0x4] =	wrdreg $0xC0  }
0xab: {  	_ =	task [dreg:s7], $0x5FFFF  }
0xac: {  	[dreg:$0x1] =	wrdreg $0xFFFFFFFF  }
0xad: {  	[dreg:$0x0] =	wrdreg $0x60  }
0xae: {  	[dreg:$0x2] =	wrdreg s2  }
0xaf: {  	[dreg:$0x3] =	wrdreg s24  }
0xb0: {  	[dreg:$0x4] =	wrdreg $0xFC400  }
0xb1: {  	[dreg:$0x5] =	wrdreg $0x9  }
0xb2: {  	_ =	task.clear_ibuf [dreg:s7], $0x6FFFF;
	_ =	strace $0x90000049  }
0xb3: {  	s29 =	simm.s32 $0x9;
	_ =	strace $0x8000004B  }
0xb4: {  	_ =	swait.ge [sflag:s29], $0x1  }
0xb5: {  	[sflag:s29] =	ssyncadd.s32 $0xFFFFFFFF  }
0xb6: {  	_ =	strace $0x9000004B  }
0xb7: {  	_ =	sfence  }
0xb8: {  	s30 =	sld [smem:$0x0];
	_ =	sdelay $0x2  }
0xb9: {  	s31 =	sshll.u32 s1, $0xD;
	s1 =	sshrl.u32 s1, $0x2  }
0xba: {  	s3 =	sand.u32 $0x4000, s31;
	s1 =	sadd.s32 s1, s30  }
0xbb: {  	s0 =	sor.u32 s3, s0;
	s1 =	sshll.u32 s1, $0x11  }
0xbc: {  	s0 =	sor.u32 s1, s0  }
0xbd: {  	s0 =	sadd.s32 $0x8F2B, s0  }
0xbe: {  	[sflag:s0] =	ssyncadd.remote.s32 $0x1  }
0xbf: {  	_ =	sfence.sel $0xFFFF  }
0xc0: {  	[dreg:$0x0] =	wrdreg $0xFFFFFFFF;
	(pc) =	sbr.abs _section_cstart, $3  }
0xc1: {  	[dreg:$0x1] =	wrdreg $0xFFFFFFFF  }
0xc2: {  	_ =	task.clear_ibuf [dreg:s7], $0x2FFFF;
	_ =	strace $0x9FFFFFFF  }
0xc3: {  	(tm) =	ssettm $0x7FFFFFFF  }
tec
execute0_lowered:
.L_overlay_start_1:
0x0: {  	(tag) =	ssettag $0x1  }
0x1: {  	s0 =	rddreg [dreg:$0x0]  }
0x2: {  	s2 =	rddreg [dreg:$0x1]  }
0x3: {  	s1 =	srdreg.scid;
	s3 =	rddreg [dreg:$0x2]  }
0x4: {  	s9 =	stileid.u32;
	s5 =	simm.s32 $0x0;
	s28 =	simm.s32 $0x6F40  }
0x5: {  	s30 =	simm.s32 $0x8E80;
	s31 =	simm.s32 $0x3;
	s29 =	simm.s32 $0x4  }
0x6: {  	s10 =	simm.s32 $0x0;
	s1 =	sand.u32 $0x1, s1;
	[smem:$0x7FF] =	sst s5  }
0x7: {  	s7 =	smul.u32 $0x28000, s9;
	s5 =	sadd.s32 $0x17400, s2;
	s6 =	ssub.s32 $0x2, s1  }
0x8: {  	s19 =	smul.u32 $0x2800, s9;
	s4 =	sshll.u32 s1, $0x4;
	s8 =	sshrl.u32 s6, $0x1  }
0x9: {  	_ =	strace $0x8000004A;
	s7 =	sshrl.u32 s7, $0x2;
	s6 =	ssub.s32 s6, s8  }
0xa: {  	p0 =	seq.s32 s1, $0x0;
	s8 =	sadd.s32 s7, s3;
	s20 =	smax.u32 s6, $0x1  }
0xb: {  	s4 =	sor.u32 s9, s4;
	s21 =	sadd.s32 $0x2000, s8;
	[dreg:$0x6] =	wrdreg s20  }
0xc: {  	s9 =	simm.s32 $0x8;
	s22 =	sadd.s32 $0x3000, s8;
	[dreg:$0x7] =	wrdreg s21  }
0xd: {  	s4 =	smul.u32 $0x2800, s4;
	s23 =	sadd.s32 $0x4000, s8;
	[dreg:$0x8] =	wrdreg s22  }
0xe: {  	s7 =	simm.s32 $0x2;
	s24 =	sadd.s32 $0x5000, s8;
	[dreg:$0x9] =	wrdreg s23  }
0xf: {  	s15 =	sadd.s32 $0x1000, s8;
	s25 =	sadd.s32 $0x6000, s8;
	[dreg:$0xa] =	wrdreg s24  }
0x10: {  	s26 =	sadd.s32 $0x7000, s8;
	s17 =	sadd.s32 $0x8000, s8;
	[dreg:$0xb] =	wrdreg s25  }
0x11: {  	s6 =	simm.s32 $0xCD00;
	s4 =	sshrl.u32 s4, $0x3;
	[dreg:$0xc] =	wrdreg s26  }
0x12: {  	s21 =	simm.s32 $0xB;
	s23 =	simm.s32 $0xEC40;
	s4 =	sadd.s32 s4, s2  }
0x13: {  	s24 =	simm.s32 $0x7D;
	s18 =	sadd.s32 $0x3400, s4;
	s4 =	sadd.s32 $0xD400, s4  }
0x14: {  	s25 =	simm.s32 $0x5000;
	[dreg:$0x5] =	wrdreg s4;
	s4 =	simm.s32 $0x2AE00  }
0x15: {  	s26 =	simm.s32 $0x6;
	s20 =	simm.s32 $0x5;
	s4 =	simm.s32 @!p0 $0x52E00  }
0x16: {  	s22 =	simm.s32 $0xA;
	[dreg:$0x4] =	wrdreg s18;
	s2 =	sadd.s32 s4, s2  }
0x17: {  	s18 =	simm.s32 $0x9;
	s4 =	simm.s32 $0x7;
	s1 =	sadd.s32 s2, s19  }
0x18: {  	s19 =	sadd.s32 $0x9000, s8;
	[dreg:$0xd] =	wrdreg s1;
	s1 =	sadd.s32 $0x8, s1  }
0x19: {  	v0 =	vimm.f32 $0.0e+00;
	s2 =	simm.s32 $0x1;
	[dreg:$0xe] =	wrdreg s1;
	s1 =	simm.s32 $0xADC0  }
.LBB2_1:
0x1a: {  	s12 =	simm.s32 $0x0  }
0x1b: {  	s11 =	sand.u32 $0x3F00, s12  }
0x1c: {  	s12 =	sand.u32 $0x30, s12;
	s13 =	sshrl.u32 s11, $0x2  }
0x1d: {  	s11 =	simm.s32 $0x40;
	s13 =	sor.u32 s12, s13;
	s12 =	simm.s32 $0x0  }
.LBB2_2:
0x1e: {  	p0 =	sne.s32 s11, $0x3FC0  }
0x1f: {  	[tilespmem:s13+$0xEC40] =	vst v0;
	s12 =	sadd.s32 $0x10, s12;
	s13 =	smov.u32 s11;
	s11 =	sadd.s32 $0x40, s11  }
.Ltmp0:
0x20: {  	(pc) =	sbr.rel @p0 .LBB2_2-.Ltmp0, $4  }
0x21: {  	_ = 	snop  }
0x22: {  	s13 =	sand.u32 $0x3F00, s13  }
0x23: {  	s14 =	sand.u32 $0x30, s12;
	s13 =	sshrl.u32 s13, $0x2  }
0x24: {  	s13 =	sor.u32 s14, s13  }
0x25: {  	[tilespmem:s13+$0xEC40] =	vst v0;
	s11 =	simm.s32 $0x0;
	s12 =	rddreg [dreg:$0x4]  }
0x26: {  	[tilespmem:s11], [sflag:$0xB] =	stream.linear.gather [hbm4b:s12+s11], $0x2800, $0x38;
	[tilespmem:$0x19C40] =	vst v63  }
0x27: {  	_ =	swait.ge [sflag:s21], $0x2800  }
0x28: {  	[sflag:s21] =	ssyncset.done $0x0  }
0x29: {  	s13 =	simm.s32 $0x2800;
	s16 =	rddreg [dreg:$0x5];
	[sflag:s21] =	ssyncadd.s32 $0xFFFFD800  }
0x2a: {  	[tilespmem:s13], [sflag:$0xB] =	stream.linear.gather [hbm4b:s16+s11], $0x2800, $0x38;
	[tilespmem:$0x19C40] =	vst v63  }
0x2b: {  	_ =	swait.ge [sflag:s21], $0x2800  }
0x2c: {  	[sflag:s21] =	ssyncset.done $0x0  }
0x2d: {  	[sflag:s21] =	ssyncadd.s32 $0xFFFFD800  }
0x2e: {  	[spmem:s8] =	stream.linear.scatter [tilespmem:s23], [sflag:$0xB], $0x1000, $0x38;
	[tilespmem:$0x19C40] =	vst v63  }
0x2f: {  	_ =	swait.ge [sflag:s21], $0x1000  }
0x30: {  	[sflag:s21] =	ssyncset.done $0x0  }
0x31: {  	[sflag:s21] =	ssyncadd.s32 $0xFFFFF000  }
0x32: {  	[spmem:s15] =	stream.linear.scatter [tilespmem:s23], [sflag:$0xB], $0x1000, $0x38;
	[tilespmem:$0x19C40] =	vst v63  }
0x33: {  	_ =	swait.ge [sflag:s21], $0x1000  }
0x34: {  	[sflag:s21] =	ssyncset.done $0x0  }
0x35: {  	s14 =	rddreg [dreg:$0x7];
	[sflag:s21] =	ssyncadd.s32 $0xFFFFF000  }
0x36: {  	[spmem:s14] =	stream.linear.scatter [tilespmem:s23], [sflag:$0xB], $0x1000, $0x38;
	[tilespmem:$0x19C40] =	vst v63  }
0x37: {  	_ =	swait.ge [sflag:s21], $0x1000  }
0x38: {  	[sflag:s21] =	ssyncset.done $0x0  }
0x39: {  	s16 =	rddreg [dreg:$0x8];
	[sflag:s21] =	ssyncadd.s32 $0xFFFFF000  }
0x3a: {  	[spmem:s16] =	stream.linear.scatter [tilespmem:s23], [sflag:$0xB], $0x1000, $0x38;
	[tilespmem:$0x19C40] =	vst v63  }
0x3b: {  	_ =	swait.ge [sflag:s21], $0x1000  }
0x3c: {  	[sflag:s21] =	ssyncset.done $0x0  }
0x3d: {  	s14 =	rddreg [dreg:$0x9];
	[sflag:s21] =	ssyncadd.s32 $0xFFFFF000  }
0x3e: {  	[spmem:s14] =	stream.linear.scatter [tilespmem:s23], [sflag:$0xB], $0x1000, $0x38;
	[tilespmem:$0x19C40] =	vst v63  }
0x3f: {  	_ =	swait.ge [sflag:s21], $0x1000  }
0x40: {  	[sflag:s21] =	ssyncset.done $0x0  }
0x41: {  	s16 =	rddreg [dreg:$0xa];
	[sflag:s21] =	ssyncadd.s32 $0xFFFFF000  }
0x42: {  	[spmem:s16] =	stream.linear.scatter [tilespmem:s23], [sflag:$0xB], $0x1000, $0x38;
	[tilespmem:$0x19C40] =	vst v63  }
0x43: {  	_ =	swait.ge [sflag:s21], $0x1000  }
0x44: {  	[sflag:s21] =	ssyncset.done $0x0  }
0x45: {  	s14 =	rddreg [dreg:$0xb];
	[sflag:s21] =	ssyncadd.s32 $0xFFFFF000  }
0x46: {  	[spmem:s14] =	stream.linear.scatter [tilespmem:s23], [sflag:$0xB], $0x1000, $0x38;
	[tilespmem:$0x19C40] =	vst v63  }
0x47: {  	_ =	swait.ge [sflag:s21], $0x1000  }
0x48: {  	[sflag:s21] =	ssyncset.done $0x0  }
0x49: {  	s16 =	rddreg [dreg:$0xc];
	[sflag:s21] =	ssyncadd.s32 $0xFFFFF000  }
0x4a: {  	[spmem:s16] =	stream.linear.scatter [tilespmem:s23], [sflag:$0xB], $0x1000, $0x38;
	[tilespmem:$0x19C40] =	vst v63  }
0x4b: {  	_ =	swait.ge [sflag:s21], $0x1000  }
0x4c: {  	[sflag:s21] =	ssyncset.done $0x0  }
0x4d: {  	[sflag:s21] =	ssyncadd.s32 $0xFFFFF000  }
0x4e: {  	[spmem:s17] =	stream.linear.scatter [tilespmem:s23], [sflag:$0xB], $0x1000, $0x38;
	[tilespmem:$0x19C40] =	vst v63  }
0x4f: {  	_ =	swait.ge [sflag:s21], $0x1000  }
0x50: {  	[sflag:s21] =	ssyncset.done $0x0  }
0x51: {  	[sflag:s21] =	ssyncadd.s32 $0xFFFFF000  }
0x52: {  	[spmem:s19] =	stream.linear.scatter [tilespmem:s23], [sflag:$0xB], $0x1000, $0x38;
	[tilespmem:$0x19C40] =	vst v63  }
0x53: {  	_ =	swait.ge [sflag:s21], $0x1000  }
0x54: {  	[sflag:s21] =	ssyncset.done $0x0  }
0x55: {  	[sflag:s21] =	ssyncadd.s32 $0xFFFFF000  }
0x56: {  	[bflag:$0x0] =	sbarrier.arrive $0xFFFF  }
0x57: {  	[tilespmem:s25], [sflag:$0x1] =	stream.indirect.gather [hbm4b:s0+s24], $0x40, s11, s24, $0xb8;
	[tilespmem:$0x19C40] =	vst v63  }
0x58: {  	s14 =	simm.s32 $0x80  }
0x59: {  	[tilespmem:s28], [sflag:$0x2] =	stream.indirect.gather [hbm4b:s0+s24], $0x40, s14, s24, $0xb8;
	[tilespmem:$0x19C40] =	vst v63  }
0x5a: {  	s16 =	simm.s32 $0x100  }
0x5b: {  	[tilespmem:s30], [sflag:$0x3] =	stream.indirect.gather [hbm4b:s0+s24], $0x40, s16, s24, $0xb8;
	[tilespmem:$0x19C40] =	vst v63  }
0x5c: {  	s12 =	simm.s32 $0x180  }
0x5d: {  	[tilespmem:s1], [sflag:$0x4] =	stream.indirect.gather [hbm4b:s0+s24], $0x40, s12, s24, $0xb8;
	[tilespmem:$0x19C40] =	vst v63  }
0x5e: {  	_ =	swait.ge [sflag:s2], $0x1F40  }
0x5f: {  	[sflag:s2] =	ssyncset.done $0x0  }
0x60: {  	[sflag:s2] =	ssyncadd.s32 $0xFFFFE0C0  }
0x61: {  	[spmem:s3] =	stream.indirect.scatter.add.f32 [tilespmem:s25], [sflag:$0x6], $0x40, s13, s24, $0xb8;
	[tilespmem:$0x19C40] =	vst v63  }
0x62: {  	s13 =	simm.s32 $0x200  }
0x63: {  	[tilespmem:s6], [sflag:$0x5] =	stream.indirect.gather [hbm4b:s0+s24], $0x40, s13, s24, $0xb8;
	[tilespmem:$0x19C40] =	vst v63  }
0x64: {  	_ =	swait.ge [sflag:s7], $0x1F40  }
0x65: {  	[sflag:s7] =	ssyncset.done $0x0  }
0x66: {  	s16 =	simm.s32 $0x2880;
	[sflag:s7] =	ssyncadd.s32 $0xFFFFE0C0  }
0x67: {  	[spmem:s3] =	stream.indirect.scatter.add.f32 [tilespmem:s28], [sflag:$0x7], $0x40, s16, s24, $0xb8;
	[tilespmem:$0x19C40] =	vst v63  }
0x68: {  	_ =	swait.ge [sflag:s26], $0x1F40  }
0x69: {  	[sflag:s26] =	ssyncset.done $0x0  }
0x6a: {  	s12 =	simm.s32 $0x280;
	[sflag:s26] =	ssyncadd.s32 $0xFFFFE0C0  }
0x6b: {  	[tilespmem:s25], [sflag:$0x1] =	stream.indirect.gather [hbm4b:s0+s24], $0x40, s12, s24, $0xb8;
	[tilespmem:$0x19C40] =	vst v63  }
0x6c: {  	_ =	swait.ge [sflag:s31], $0x1F40  }
0x6d: {  	[sflag:s31] =	ssyncset.done $0x0  }
0x6e: {  	s13 =	simm.s32 $0x2900;
	[sflag:s31] =	ssyncadd.s32 $0xFFFFE0C0  }
0x6f: {  	[spmem:s3] =	stream.indirect.scatter.add.f32 [tilespmem:s30], [sflag:$0x8], $0x40, s13, s24, $0xb8;
	[tilespmem:$0x19C40] =	vst v63  }
0x70: {  	_ =	swait.ge [sflag:s4], $0x1F40  }
0x71: {  	[sflag:s4] =	ssyncset.done $0x0  }
0x72: {  	s16 =	simm.s32 $0x300;
	[sflag:s4] =	ssyncadd.s32 $0xFFFFE0C0  }
0x73: {  	[tilespmem:s28], [sflag:$0x2] =	stream.indirect.gather [hbm4b:s0+s24], $0x40, s16, s24, $0xb8;
	[tilespmem:$0x19C40] =	vst v63  }
0x74: {  	_ =	swait.ge [sflag:s29], $0x1F40  }
0x75: {  	[sflag:s29] =	ssyncset.done $0x0  }
0x76: {  	s12 =	simm.s32 $0x2980;
	[sflag:s29] =	ssyncadd.s32 $0xFFFFE0C0  }
0x77: {  	[spmem:s3] =	stream.indirect.scatter.add.f32 [tilespmem:s1], [sflag:$0x9], $0x40, s12, s24, $0xb8;
	[tilespmem:$0x19C40] =	vst v63  }
0x78: {  	_ =	swait.ge [sflag:s9], $0x1F40  }
0x79: {  	[sflag:s9] =	ssyncset.done $0x0  }
0x7a: {  	s13 =	simm.s32 $0x380;
	[sflag:s9] =	ssyncadd.s32 $0xFFFFE0C0  }
0x7b: {  	[tilespmem:s30], [sflag:$0x3] =	stream.indirect.gather [hbm4b:s0+s24], $0x40, s13, s24, $0xb8;
	[tilespmem:$0x19C40] =	vst v63  }
0x7c: {  	_ =	swait.ge [sflag:s20], $0x1F40  }
0x7d: {  	[sflag:s20] =	ssyncset.done $0x0  }
0x7e: {  	s16 =	simm.s32 $0x2A00;
	[sflag:s20] =	ssyncadd.s32 $0xFFFFE0C0  }
0x7f: {  	[spmem:s3] =	stream.indirect.scatter.add.f32 [tilespmem:s6], [sflag:$0xA], $0x40, s16, s24, $0xb8;
	[tilespmem:$0x19C40] =	vst v63  }
0x80: {  	_ =	swait.ge [sflag:s18], $0x1F40  }
0x81: {  	[sflag:s18] =	ssyncset.done $0x0  }
0x82: {  	s12 =	simm.s32 $0x400;
	[sflag:s18] =	ssyncadd.s32 $0xFFFFE0C0  }
0x83: {  	[tilespmem:s1], [sflag:$0x4] =	stream.indirect.gather [hbm4b:s0+s24], $0x40, s12, s24, $0xb8;
	[tilespmem:$0x19C40] =	vst v63  }
0x84: {  	_ =	swait.ge [sflag:s2], $0x1F40  }
0x85: {  	[sflag:s2] =	ssyncset.done $0x0  }
0x86: {  	s13 =	simm.s32 $0x2A80;
	[sflag:s2] =	ssyncadd.s32 $0xFFFFE0C0  }
0x87: {  	[spmem:s3] =	stream.indirect.scatter.add.f32 [tilespmem:s25], [sflag:$0x6], $0x40, s13, s24, $0xb8;
	[tilespmem:$0x19C40] =	vst v63  }
0x88: {  	_ =	swait.ge [sflag:s22], $0x1F40  }
0x89: {  	[sflag:s22] =	ssyncset.done $0x0  }
0x8a: {  	s16 =	simm.s32 $0x480;
	[sflag:s22] =	ssyncadd.s32 $0xFFFFE0C0  }
0x8b: {  	[tilespmem:s6], [sflag:$0x5] =	stream.indirect.gather [hbm4b:s0+s24], $0x40, s16, s24, $0xb8;
	[tilespmem:$0x19C40] =	vst v63  }
0x8c: {  	_ =	swait.ge [sflag:s7], $0x1F40  }
0x8d: {  	[sflag:s7] =	ssyncset.done $0x0  }
0x8e: {  	s12 =	simm.s32 $0x2B00;
	[sflag:s7] =	ssyncadd.s32 $0xFFFFE0C0  }
0x8f: {  	[spmem:s3] =	stream.indirect.scatter.add.f32 [tilespmem:s28], [sflag:$0x7], $0x40, s12, s24, $0xb8;
	[tilespmem:$0x19C40] =	vst v63  }
0x90: {  	_ =	swait.ge [sflag:s26], $0x1F40  }
0x91: {  	[sflag:s26] =	ssyncset.done $0x0  }
0x92: {  	s13 =	simm.s32 $0x500;
	[sflag:s26] =	ssyncadd.s32 $0xFFFFE0C0  }
0x93: {  	[tilespmem:s25], [sflag:$0x1] =	stream.indirect.gather [hbm4b:s0+s24], $0x40, s13, s24, $0xb8;
	[tilespmem:$0x19C40] =	vst v63  }
0x94: {  	_ =	swait.ge [sflag:s31], $0x1F40  }
0x95: {  	[sflag:s31] =	ssyncset.done $0x0  }
0x96: {  	s16 =	simm.s32 $0x2B80;
	[sflag:s31] =	ssyncadd.s32 $0xFFFFE0C0  }
0x97: {  	[spmem:s3] =	stream.indirect.scatter.add.f32 [tilespmem:s30], [sflag:$0x8], $0x40, s16, s24, $0xb8;
	[tilespmem:$0x19C40] =	vst v63  }
0x98: {  	_ =	swait.ge [sflag:s4], $0x1F40  }
0x99: {  	[sflag:s4] =	ssyncset.done $0x0  }
0x9a: {  	s12 =	simm.s32 $0x580;
	[sflag:s4] =	ssyncadd.s32 $0xFFFFE0C0  }
0x9b: {  	[tilespmem:s28], [sflag:$0x2] =	stream.indirect.gather [hbm4b:s0+s24], $0x40, s12, s24, $0xb8;
	[tilespmem:$0x19C40] =	vst v63  }
0x9c: {  	_ =	swait.ge [sflag:s29], $0x1F40  }
0x9d: {  	[sflag:s29] =	ssyncset.done $0x0  }
0x9e: {  	s13 =	simm.s32 $0x2C00;
	[sflag:s29] =	ssyncadd.s32 $0xFFFFE0C0  }
0x9f: {  	[spmem:s3] =	stream.indirect.scatter.add.f32 [tilespmem:s1], [sflag:$0x9], $0x40, s13, s24, $0xb8;
	[tilespmem:$0x19C40] =	vst v63  }
0xa0: {  	_ =	swait.ge [sflag:s9], $0x1F40  }
0xa1: {  	[sflag:s9] =	ssyncset.done $0x0  }
0xa2: {  	s16 =	simm.s32 $0x600;
	[sflag:s9] =	ssyncadd.s32 $0xFFFFE0C0  }
0xa3: {  	[tilespmem:s30], [sflag:$0x3] =	stream.indirect.gather [hbm4b:s0+s24], $0x40, s16, s24, $0xb8;
	[tilespmem:$0x19C40] =	vst v63  }
0xa4: {  	_ =	swait.ge [sflag:s20], $0x1F40  }
0xa5: {  	s11 =	simm.s32 $0xA00;
	[sflag:s20] =	ssyncset.done $0x0  }
0xa6: {  	s14 =	simm.s32 $0x2800;
	s12 =	simm.s32 $0x2C80;
	[sflag:s20] =	ssyncadd.s32 $0xFFFFE0C0  }
.LBB2_4:
0xa7: {  	[spmem:s3] =	stream.indirect.scatter.add.f32 [tilespmem:s6], [sflag:$0xA], $0x40, s12, s24, $0xb8;
	[tilespmem:$0x19C40] =	vst v63  }
0xa8: {  	s12 =	smov.u32 s11;
	s11 =	sadd.s32 $0xA00, s11;
	_ =	swait.ge [sflag:s18], $0x1F40  }
0xa9: {  	s12 =	sshra.s32 s12, $0x2;
	p0 =	sne.s32 s11, $0x8C00;
	[sflag:s18] =	ssyncset.done $0x0  }
0xaa: {  	s13 =	sadd.s32 $0x400, s12;
	[sflag:s18] =	ssyncadd.s32 $0xFFFFE0C0  }
0xab: {  	[tilespmem:s1], [sflag:$0x4] =	stream.indirect.gather [hbm4b:s0+s24], $0x40, s13, s24, $0xb8;
	[tilespmem:$0x19C40] =	vst v63  }
0xac: {  	_ =	swait.ge [sflag:s2], $0x1F40  }
0xad: {  	[sflag:s2] =	ssyncset.done $0x0  }
0xae: {  	s13 =	sadd.s32 $0x2A80, s12;
	[sflag:s2] =	ssyncadd.s32 $0xFFFFE0C0  }
0xaf: {  	[spmem:s3] =	stream.indirect.scatter.add.f32 [tilespmem:s25], [sflag:$0x6], $0x40, s13, s24, $0xb8;
	[tilespmem:$0x19C40] =	vst v63  }
0xb0: {  	_ =	swait.ge [sflag:s22], $0x1F40  }
0xb1: {  	[sflag:s22] =	ssyncset.done $0x0  }
0xb2: {  	s13 =	sadd.s32 $0x480, s12;
	[sflag:s22] =	ssyncadd.s32 $0xFFFFE0C0  }
0xb3: {  	[tilespmem:s6], [sflag:$0x5] =	stream.indirect.gather [hbm4b:s0+s24], $0x40, s13, s24, $0xb8;
	[tilespmem:$0x19C40] =	vst v63  }
0xb4: {  	_ =	swait.ge [sflag:s7], $0x1F40  }
0xb5: {  	[sflag:s7] =	ssyncset.done $0x0  }
0xb6: {  	s13 =	sadd.s32 $0x2B00, s12;
	[sflag:s7] =	ssyncadd.s32 $0xFFFFE0C0  }
0xb7: {  	[spmem:s3] =	stream.indirect.scatter.add.f32 [tilespmem:s28], [sflag:$0x7], $0x40, s13, s24, $0xb8;
	[tilespmem:$0x19C40] =	vst v63  }
0xb8: {  	_ =	swait.ge [sflag:s26], $0x1F40  }
0xb9: {  	[sflag:s26] =	ssyncset.done $0x0  }
0xba: {  	s13 =	sadd.s32 $0x500, s12;
	[sflag:s26] =	ssyncadd.s32 $0xFFFFE0C0  }
0xbb: {  	[tilespmem:s25], [sflag:$0x1] =	stream.indirect.gather [hbm4b:s0+s24], $0x40, s13, s24, $0xb8;
	[tilespmem:$0x19C40] =	vst v63  }
0xbc: {  	_ =	swait.ge [sflag:s31], $0x1F40  }
0xbd: {  	[sflag:s31] =	ssyncset.done $0x0  }
0xbe: {  	s13 =	sadd.s32 $0x2B80, s12;
	[sflag:s31] =	ssyncadd.s32 $0xFFFFE0C0  }
0xbf: {  	[spmem:s3] =	stream.indirect.scatter.add.f32 [tilespmem:s30], [sflag:$0x8], $0x40, s13, s24, $0xb8;
	[tilespmem:$0x19C40] =	vst v63  }
0xc0: {  	_ =	swait.ge [sflag:s4], $0x1F40  }
0xc1: {  	[sflag:s4] =	ssyncset.done $0x0  }
0xc2: {  	s13 =	sadd.s32 $0x580, s12;
	[sflag:s4] =	ssyncadd.s32 $0xFFFFE0C0  }
0xc3: {  	[tilespmem:s28], [sflag:$0x2] =	stream.indirect.gather [hbm4b:s0+s24], $0x40, s13, s24, $0xb8;
	[tilespmem:$0x19C40] =	vst v63  }
0xc4: {  	_ =	swait.ge [sflag:s29], $0x1F40  }
0xc5: {  	[sflag:s29] =	ssyncset.done $0x0  }
0xc6: {  	s13 =	sadd.s32 $0x2C00, s12;
	[sflag:s29] =	ssyncadd.s32 $0xFFFFE0C0  }
0xc7: {  	[spmem:s3] =	stream.indirect.scatter.add.f32 [tilespmem:s1], [sflag:$0x9], $0x40, s13, s24, $0xb8;
	[tilespmem:$0x19C40] =	vst v63  }
0xc8: {  	_ =	swait.ge [sflag:s9], $0x1F40  }
0xc9: {  	[sflag:s9] =	ssyncset.done $0x0  }
.Ltmp1:
0xca: {  	s13 =	sadd.s32 $0x600, s12;
	[sflag:s9] =	ssyncadd.s32 $0xFFFFE0C0;
	(pc) =	sbr.rel @p0 .LBB2_4-.Ltmp1, $4  }
0xcb: {  	[tilespmem:s30], [sflag:$0x3] =	stream.indirect.gather [hbm4b:s0+s24], $0x40, s13, s24, $0xb8;
	[tilespmem:$0x19C40] =	vst v63  }
0xcc: {  	_ =	swait.ge [sflag:s20], $0x1F40  }
0xcd: {  	[sflag:s20] =	ssyncset.done $0x0  }
0xce: {  	s12 =	sadd.s32 $0x2C80, s12;
	[sflag:s20] =	ssyncadd.s32 $0xFFFFE0C0  }
0xcf: {  	[spmem:s3] =	stream.indirect.scatter.add.f32 [tilespmem:s6], [sflag:$0xA], $0x40, s12, s24, $0xb8;
	[tilespmem:$0x19C40] =	vst v63  }
0xd0: {  	_ =	swait.ge [sflag:s18], $0x1F40  }
0xd1: {  	s11 =	sshra.s32 s11, $0x2;
	[sflag:s18] =	ssyncset.done $0x0  }
0xd2: {  	s16 =	sadd.s32 $0x400, s11;
	[sflag:s18] =	ssyncadd.s32 $0xFFFFE0C0  }
0xd3: {  	[tilespmem:s1], [sflag:$0x4] =	stream.indirect.gather [hbm4b:s0+s24], $0x40, s16, s24, $0xb8;
	[tilespmem:$0x19C40] =	vst v63  }
0xd4: {  	_ =	swait.ge [sflag:s2], $0x1F40  }
0xd5: {  	[sflag:s2] =	ssyncset.done $0x0  }
0xd6: {  	s13 =	sadd.s32 $0x2A80, s11;
	[sflag:s2] =	ssyncadd.s32 $0xFFFFE0C0  }
0xd7: {  	[spmem:s3] =	stream.indirect.scatter.add.f32 [tilespmem:s25], [sflag:$0x6], $0x40, s13, s24, $0xb8;
	[tilespmem:$0x19C40] =	vst v63  }
0xd8: {  	_ =	swait.ge [sflag:s22], $0x1F40  }
0xd9: {  	[sflag:s22] =	ssyncset.done $0x0  }
0xda: {  	s16 =	simm.s32 $0x2780;
	[sflag:s22] =	ssyncadd.s32 $0xFFFFE0C0  }
0xdb: {  	[tilespmem:s6], [sflag:$0x5] =	stream.indirect.gather [hbm4b:s0+s24], $0x40, s16, s24, $0xb8;
	[tilespmem:$0x19C40] =	vst v63  }
0xdc: {  	_ =	swait.ge [sflag:s7], $0x1F40  }
0xdd: {  	[sflag:s7] =	ssyncset.done $0x0  }
0xde: {  	s13 =	sadd.s32 $0x2B00, s11;
	[sflag:s7] =	ssyncadd.s32 $0xFFFFE0C0  }
0xdf: {  	[spmem:s3] =	stream.indirect.scatter.add.f32 [tilespmem:s28], [sflag:$0x7], $0x40, s13, s24, $0xb8;
	[tilespmem:$0x19C40] =	vst v63  }
0xe0: {  	_ =	swait.ge [sflag:s26], $0x1F40  }
0xe1: {  	[sflag:s26] =	ssyncset.done $0x0  }
0xe2: {  	[sflag:s26] =	ssyncadd.s32 $0xFFFFE0C0  }
0xe3: {  	_ =	swait.ge [sflag:s31], $0x1F40  }
0xe4: {  	[sflag:s31] =	ssyncset.done $0x0  }
0xe5: {  	s16 =	sadd.s32 $0x2B80, s11;
	[sflag:s31] =	ssyncadd.s32 $0xFFFFE0C0  }
0xe6: {  	[spmem:s3] =	stream.indirect.scatter.add.f32 [tilespmem:s30], [sflag:$0x8], $0x40, s16, s24, $0xb8;
	[tilespmem:$0x19C40] =	vst v63  }
0xe7: {  	_ =	swait.ge [sflag:s4], $0x1F40  }
0xe8: {  	[sflag:s4] =	ssyncset.done $0x0  }
0xe9: {  	[sflag:s4] =	ssyncadd.s32 $0xFFFFE0C0  }
0xea: {  	_ =	swait.ge [sflag:s29], $0x1F40  }
0xeb: {  	[sflag:s29] =	ssyncset.done $0x0  }
0xec: {  	s11 =	sadd.s32 $0x2C00, s11;
	[sflag:s29] =	ssyncadd.s32 $0xFFFFE0C0  }
0xed: {  	[spmem:s3] =	stream.indirect.scatter.add.f32 [tilespmem:s1], [sflag:$0x9], $0x40, s11, s24, $0xb8;
	[tilespmem:$0x19C40] =	vst v63  }
0xee: {  	_ =	swait.ge [sflag:s9], $0x1F40  }
0xef: {  	[sflag:s9] =	ssyncset.done $0x0  }
0xf0: {  	[sflag:s9] =	ssyncadd.s32 $0xFFFFE0C0  }
0xf1: {  	_ =	swait.ge [sflag:s20], $0x1F40  }
0xf2: {  	[sflag:s20] =	ssyncset.done $0x0  }
0xf3: {  	s12 =	simm.s32 $0x4F80;
	[sflag:s20] =	ssyncadd.s32 $0xFFFFE0C0  }
0xf4: {  	[spmem:s3] =	stream.indirect.scatter.add.f32 [tilespmem:s6], [sflag:$0xA], $0x40, s12, s24, $0xb8;
	[tilespmem:$0x19C40] =	vst v63  }
0xf5: {  	_ =	swait.ge [sflag:s18], $0x1F40  }
0xf6: {  	[sflag:s18] =	ssyncset.done $0x0  }
0xf7: {  	[sflag:s18] =	ssyncadd.s32 $0xFFFFE0C0  }
0xf8: {  	_ =	swait.ge [sflag:s22], $0x1F40  }
0xf9: {  	[sflag:s22] =	ssyncset.done $0x0  }
0xfa: {  	s13 =	stileid.u32;
	[sflag:s22] =	ssyncadd.s32 $0xFFFFE0C0  }
0xfb: {  	s16 =	simm.s32 $0x10;
	s11 =	sshll.u32 s13, $0x6;
	[bflag:$0x0] =	sbarrier.arrive $0xFFFF  }
0xfc: {  	s11 =	sor.u32 $0x1C0B, s11;
	s12 =	sshrl.u32 s8, $0x3;
	s13 =	rddreg [dreg:$0xd]  }
0xfd: {  	[hbm:s13@s16], [sflag:s11] =	dma.strided [spmem:s12@s9], $0x1400, s2, $0x8   }
0xfe: {  	_ =	swait.ge [sflag:s21], $0x1400  }
0xff: {  	[sflag:s21] =	ssyncset.done $0x0  }
0x100: {  	[sflag:s21] =	ssyncadd.s32 $0xFFFFEC00  }
0x101: {  	[spmem:s8] =	stream.linear.scatter [tilespmem:s23], [sflag:$0xB], $0x1000, $0x38;
	[tilespmem:$0x19C40] =	vst v63  }
0x102: {  	_ =	swait.ge [sflag:s21], $0x1000  }
0x103: {  	[sflag:s21] =	ssyncset.done $0x0  }
0x104: {  	[sflag:s21] =	ssyncadd.s32 $0xFFFFF000  }
0x105: {  	[spmem:s15] =	stream.linear.scatter [tilespmem:s23], [sflag:$0xB], $0x1000, $0x38;
	[tilespmem:$0x19C40] =	vst v63  }
0x106: {  	_ =	swait.ge [sflag:s21], $0x1000  }
0x107: {  	[sflag:s21] =	ssyncset.done $0x0  }
0x108: {  	s16 =	smov.u32 s15;
	s15 =	rddreg [dreg:$0x7];
	[sflag:s21] =	ssyncadd.s32 $0xFFFFF000  }
0x109: {  	[spmem:s15] =	stream.linear.scatter [tilespmem:s23], [sflag:$0xB], $0x1000, $0x38;
	[tilespmem:$0x19C40] =	vst v63  }
0x10a: {  	_ =	swait.ge [sflag:s21], $0x1000  }
0x10b: {  	[sflag:s21] =	ssyncset.done $0x0  }
0x10c: {  	s15 =	rddreg [dreg:$0x8];
	[sflag:s21] =	ssyncadd.s32 $0xFFFFF000  }
0x10d: {  	[spmem:s15] =	stream.linear.scatter [tilespmem:s23], [sflag:$0xB], $0x1000, $0x38;
	[tilespmem:$0x19C40] =	vst v63  }
0x10e: {  	_ =	swait.ge [sflag:s21], $0x1000  }
0x10f: {  	[sflag:s21] =	ssyncset.done $0x0  }
0x110: {  	s15 =	rddreg [dreg:$0x9];
	[sflag:s21] =	ssyncadd.s32 $0xFFFFF000  }
0x111: {  	[spmem:s15] =	stream.linear.scatter [tilespmem:s23], [sflag:$0xB], $0x1000, $0x38;
	[tilespmem:$0x19C40] =	vst v63  }
0x112: {  	_ =	swait.ge [sflag:s21], $0x1000  }
0x113: {  	[sflag:s21] =	ssyncset.done $0x0  }
0x114: {  	s15 =	rddreg [dreg:$0xa];
	[sflag:s21] =	ssyncadd.s32 $0xFFFFF000  }
0x115: {  	[spmem:s15] =	stream.linear.scatter [tilespmem:s23], [sflag:$0xB], $0x1000, $0x38;
	[tilespmem:$0x19C40] =	vst v63  }
0x116: {  	_ =	swait.ge [sflag:s21], $0x1000  }
0x117: {  	[sflag:s21] =	ssyncset.done $0x0  }
0x118: {  	s15 =	rddreg [dreg:$0xb];
	[sflag:s21] =	ssyncadd.s32 $0xFFFFF000  }
0x119: {  	[spmem:s15] =	stream.linear.scatter [tilespmem:s23], [sflag:$0xB], $0x1000, $0x38;
	[tilespmem:$0x19C40] =	vst v63  }
0x11a: {  	_ =	swait.ge [sflag:s21], $0x1000  }
0x11b: {  	[sflag:s21] =	ssyncset.done $0x0  }
0x11c: {  	s15 =	rddreg [dreg:$0xc];
	[sflag:s21] =	ssyncadd.s32 $0xFFFFF000  }
0x11d: {  	[spmem:s15] =	stream.linear.scatter [tilespmem:s23], [sflag:$0xB], $0x1000, $0x38;
	[tilespmem:$0x19C40] =	vst v63  }
0x11e: {  	_ =	swait.ge [sflag:s21], $0x1000  }
0x11f: {  	[sflag:s21] =	ssyncset.done $0x0  }
0x120: {  	[sflag:s21] =	ssyncadd.s32 $0xFFFFF000  }
0x121: {  	[spmem:s17] =	stream.linear.scatter [tilespmem:s23], [sflag:$0xB], $0x1000, $0x38;
	[tilespmem:$0x19C40] =	vst v63  }
0x122: {  	_ =	swait.ge [sflag:s21], $0x1000  }
0x123: {  	[sflag:s21] =	ssyncset.done $0x0  }
0x124: {  	[sflag:s21] =	ssyncadd.s32 $0xFFFFF000  }
0x125: {  	[spmem:s19] =	stream.linear.scatter [tilespmem:s23], [sflag:$0xB], $0x1000, $0x38;
	[tilespmem:$0x19C40] =	vst v63  }
0x126: {  	_ =	swait.ge [sflag:s21], $0x1000  }
0x127: {  	[sflag:s21] =	ssyncset.done $0x0  }
0x128: {  	[sflag:s21] =	ssyncadd.s32 $0xFFFFF000  }
0x129: {  	s15 =	simm.s32 $0x0;
	[bflag:$0x0] =	sbarrier.arrive $0xFFFF  }
0x12a: {  	[tilespmem:s25], [sflag:$0x1] =	stream.indirect.gather [hbm4b:s5+s24], $0x40, s15, s24, $0xb8;
	[tilespmem:$0x19C40] =	vst v63  }
0x12b: {  	s15 =	simm.s32 $0x80  }
0x12c: {  	[tilespmem:s28], [sflag:$0x2] =	stream.indirect.gather [hbm4b:s5+s24], $0x40, s15, s24, $0xb8;
	[tilespmem:$0x19C40] =	vst v63  }
0x12d: {  	s15 =	simm.s32 $0x100  }
0x12e: {  	[tilespmem:s30], [sflag:$0x3] =	stream.indirect.gather [hbm4b:s5+s24], $0x40, s15, s24, $0xb8;
	[tilespmem:$0x19C40] =	vst v63  }
0x12f: {  	s15 =	simm.s32 $0x180  }
0x130: {  	[tilespmem:s1], [sflag:$0x4] =	stream.indirect.gather [hbm4b:s5+s24], $0x40, s15, s24, $0xb8;
	[tilespmem:$0x19C40] =	vst v63  }
0x131: {  	_ =	swait.ge [sflag:s2], $0x1F40  }
0x132: {  	[sflag:s2] =	ssyncset.done $0x0  }
0x133: {  	[sflag:s2] =	ssyncadd.s32 $0xFFFFE0C0  }
0x134: {  	[spmem:s3] =	stream.indirect.scatter.add.f32 [tilespmem:s25], [sflag:$0x6], $0x40, s14, s24, $0xb8;
	[tilespmem:$0x19C40] =	vst v63  }
0x135: {  	s15 =	simm.s32 $0x200  }
0x136: {  	[tilespmem:s6], [sflag:$0x5] =	stream.indirect.gather [hbm4b:s5+s24], $0x40, s15, s24, $0xb8;
	[tilespmem:$0x19C40] =	vst v63  }
0x137: {  	_ =	swait.ge [sflag:s7], $0x1F40  }
0x138: {  	[sflag:s7] =	ssyncset.done $0x0  }
0x139: {  	s14 =	simm.s32 $0x2880;
	[sflag:s7] =	ssyncadd.s32 $0xFFFFE0C0  }
0x13a: {  	[spmem:s3] =	stream.indirect.scatter.add.f32 [tilespmem:s28], [sflag:$0x7], $0x40, s14, s24, $0xb8;
	[tilespmem:$0x19C40] =	vst v63  }
0x13b: {  	_ =	swait.ge [sflag:s26], $0x1F40  }
0x13c: {  	[sflag:s26] =	ssyncset.done $0x0  }
0x13d: {  	s15 =	simm.s32 $0x280;
	[sflag:s26] =	ssyncadd.s32 $0xFFFFE0C0  }
0x13e: {  	[tilespmem:s25], [sflag:$0x1] =	stream.indirect.gather [hbm4b:s5+s24], $0x40, s15, s24, $0xb8;
	[tilespmem:$0x19C40] =	vst v63  }
0x13f: {  	_ =	swait.ge [sflag:s31], $0x1F40  }
0x140: {  	[sflag:s31] =	ssyncset.done $0x0  }
0x141: {  	s14 =	simm.s32 $0x2900;
	[sflag:s31] =	ssyncadd.s32 $0xFFFFE0C0  }
0x142: {  	[spmem:s3] =	stream.indirect.scatter.add.f32 [tilespmem:s30], [sflag:$0x8], $0x40, s14, s24, $0xb8;
	[tilespmem:$0x19C40] =	vst v63  }
0x143: {  	_ =	swait.ge [sflag:s4], $0x1F40  }
0x144: {  	[sflag:s4] =	ssyncset.done $0x0  }
0x145: {  	s15 =	simm.s32 $0x300;
	[sflag:s4] =	ssyncadd.s32 $0xFFFFE0C0  }
0x146: {  	[tilespmem:s28], [sflag:$0x2] =	stream.indirect.gather [hbm4b:s5+s24], $0x40, s15, s24, $0xb8;
	[tilespmem:$0x19C40] =	vst v63  }
0x147: {  	_ =	swait.ge [sflag:s29], $0x1F40  }
0x148: {  	[sflag:s29] =	ssyncset.done $0x0  }
0x149: {  	s14 =	simm.s32 $0x2980;
	[sflag:s29] =	ssyncadd.s32 $0xFFFFE0C0  }
0x14a: {  	[spmem:s3] =	stream.indirect.scatter.add.f32 [tilespmem:s1], [sflag:$0x9], $0x40, s14, s24, $0xb8;
	[tilespmem:$0x19C40] =	vst v63  }
0x14b: {  	_ =	swait.ge [sflag:s9], $0x1F40  }
0x14c: {  	[sflag:s9] =	ssyncset.done $0x0  }
0x14d: {  	s15 =	simm.s32 $0x380;
	[sflag:s9] =	ssyncadd.s32 $0xFFFFE0C0  }
0x14e: {  	[tilespmem:s30], [sflag:$0x3] =	stream.indirect.gather [hbm4b:s5+s24], $0x40, s15, s24, $0xb8;
	[tilespmem:$0x19C40] =	vst v63  }
0x14f: {  	_ =	swait.ge [sflag:s20], $0x1F40  }
0x150: {  	[sflag:s20] =	ssyncset.done $0x0  }
0x151: {  	s14 =	simm.s32 $0x2A00;
	[sflag:s20] =	ssyncadd.s32 $0xFFFFE0C0  }
0x152: {  	[spmem:s3] =	stream.indirect.scatter.add.f32 [tilespmem:s6], [sflag:$0xA], $0x40, s14, s24, $0xb8;
	[tilespmem:$0x19C40] =	vst v63  }
0x153: {  	_ =	swait.ge [sflag:s18], $0x1F40  }
0x154: {  	[sflag:s18] =	ssyncset.done $0x0  }
0x155: {  	s15 =	simm.s32 $0x400;
	[sflag:s18] =	ssyncadd.s32 $0xFFFFE0C0  }
0x156: {  	[tilespmem:s1], [sflag:$0x4] =	stream.indirect.gather [hbm4b:s5+s24], $0x40, s15, s24, $0xb8;
	[tilespmem:$0x19C40] =	vst v63  }
0x157: {  	_ =	swait.ge [sflag:s2], $0x1F40  }
0x158: {  	[sflag:s2] =	ssyncset.done $0x0  }
0x159: {  	s14 =	simm.s32 $0x2A80;
	[sflag:s2] =	ssyncadd.s32 $0xFFFFE0C0  }
0x15a: {  	[spmem:s3] =	stream.indirect.scatter.add.f32 [tilespmem:s25], [sflag:$0x6], $0x40, s14, s24, $0xb8;
	[tilespmem:$0x19C40] =	vst v63  }
0x15b: {  	_ =	swait.ge [sflag:s22], $0x1F40  }
0x15c: {  	[sflag:s22] =	ssyncset.done $0x0  }
0x15d: {  	s15 =	simm.s32 $0x480;
	[sflag:s22] =	ssyncadd.s32 $0xFFFFE0C0  }
0x15e: {  	[tilespmem:s6], [sflag:$0x5] =	stream.indirect.gather [hbm4b:s5+s24], $0x40, s15, s24, $0xb8;
	[tilespmem:$0x19C40] =	vst v63  }
0x15f: {  	_ =	swait.ge [sflag:s7], $0x1F40  }
0x160: {  	[sflag:s7] =	ssyncset.done $0x0  }
0x161: {  	s14 =	simm.s32 $0x2B00;
	[sflag:s7] =	ssyncadd.s32 $0xFFFFE0C0  }
0x162: {  	[spmem:s3] =	stream.indirect.scatter.add.f32 [tilespmem:s28], [sflag:$0x7], $0x40, s14, s24, $0xb8;
	[tilespmem:$0x19C40] =	vst v63  }
0x163: {  	_ =	swait.ge [sflag:s26], $0x1F40  }
0x164: {  	[sflag:s26] =	ssyncset.done $0x0  }
0x165: {  	s15 =	simm.s32 $0x500;
	[sflag:s26] =	ssyncadd.s32 $0xFFFFE0C0  }
0x166: {  	[tilespmem:s25], [sflag:$0x1] =	stream.indirect.gather [hbm4b:s5+s24], $0x40, s15, s24, $0xb8;
	[tilespmem:$0x19C40] =	vst v63  }
0x167: {  	_ =	swait.ge [sflag:s31], $0x1F40  }
0x168: {  	[sflag:s31] =	ssyncset.done $0x0  }
0x169: {  	s14 =	simm.s32 $0x2B80;
	[sflag:s31] =	ssyncadd.s32 $0xFFFFE0C0  }
0x16a: {  	[spmem:s3] =	stream.indirect.scatter.add.f32 [tilespmem:s30], [sflag:$0x8], $0x40, s14, s24, $0xb8;
	[tilespmem:$0x19C40] =	vst v63  }
0x16b: {  	_ =	swait.ge [sflag:s4], $0x1F40  }
0x16c: {  	[sflag:s4] =	ssyncset.done $0x0  }
0x16d: {  	s15 =	simm.s32 $0x580;
	[sflag:s4] =	ssyncadd.s32 $0xFFFFE0C0  }
0x16e: {  	[tilespmem:s28], [sflag:$0x2] =	stream.indirect.gather [hbm4b:s5+s24], $0x40, s15, s24, $0xb8;
	[tilespmem:$0x19C40] =	vst v63  }
0x16f: {  	_ =	swait.ge [sflag:s29], $0x1F40  }
0x170: {  	[sflag:s29] =	ssyncset.done $0x0  }
0x171: {  	s14 =	simm.s32 $0x2C00;
	[sflag:s29] =	ssyncadd.s32 $0xFFFFE0C0  }
0x172: {  	[spmem:s3] =	stream.indirect.scatter.add.f32 [tilespmem:s1], [sflag:$0x9], $0x40, s14, s24, $0xb8;
	[tilespmem:$0x19C40] =	vst v63  }
0x173: {  	_ =	swait.ge [sflag:s9], $0x1F40  }
0x174: {  	[sflag:s9] =	ssyncset.done $0x0  }
0x175: {  	s15 =	simm.s32 $0x600;
	[sflag:s9] =	ssyncadd.s32 $0xFFFFE0C0  }
0x176: {  	[tilespmem:s30], [sflag:$0x3] =	stream.indirect.gather [hbm4b:s5+s24], $0x40, s15, s24, $0xb8;
	[tilespmem:$0x19C40] =	vst v63  }
0x177: {  	_ =	swait.ge [sflag:s20], $0x1F40  }
0x178: {  	[sflag:s20] =	ssyncset.done $0x0  }
0x179: {  	s13 =	simm.s32 $0xA00;
	s14 =	simm.s32 $0x2C80;
	[sflag:s20] =	ssyncadd.s32 $0xFFFFE0C0  }
.LBB2_6:
0x17a: {  	[spmem:s3] =	stream.indirect.scatter.add.f32 [tilespmem:s6], [sflag:$0xA], $0x40, s14, s24, $0xb8;
	[tilespmem:$0x19C40] =	vst v63  }
0x17b: {  	s14 =	smov.u32 s13;
	s13 =	sadd.s32 $0xA00, s13;
	_ =	swait.ge [sflag:s18], $0x1F40  }
0x17c: {  	s14 =	sshra.s32 s14, $0x2;
	p0 =	sne.s32 s13, $0x8C00;
	[sflag:s18] =	ssyncset.done $0x0  }
0x17d: {  	s15 =	sadd.s32 $0x400, s14;
	[sflag:s18] =	ssyncadd.s32 $0xFFFFE0C0  }
0x17e: {  	[tilespmem:s1], [sflag:$0x4] =	stream.indirect.gather [hbm4b:s5+s24], $0x40, s15, s24, $0xb8;
	[tilespmem:$0x19C40] =	vst v63  }
0x17f: {  	_ =	swait.ge [sflag:s2], $0x1F40  }
0x180: {  	[sflag:s2] =	ssyncset.done $0x0  }
0x181: {  	s15 =	sadd.s32 $0x2A80, s14;
	[sflag:s2] =	ssyncadd.s32 $0xFFFFE0C0  }
0x182: {  	[spmem:s3] =	stream.indirect.scatter.add.f32 [tilespmem:s25], [sflag:$0x6], $0x40, s15, s24, $0xb8;
	[tilespmem:$0x19C40] =	vst v63  }
0x183: {  	_ =	swait.ge [sflag:s22], $0x1F40  }
0x184: {  	[sflag:s22] =	ssyncset.done $0x0  }
0x185: {  	s15 =	sadd.s32 $0x480, s14;
	[sflag:s22] =	ssyncadd.s32 $0xFFFFE0C0  }
0x186: {  	[tilespmem:s6], [sflag:$0x5] =	stream.indirect.gather [hbm4b:s5+s24], $0x40, s15, s24, $0xb8;
	[tilespmem:$0x19C40] =	vst v63  }
0x187: {  	_ =	swait.ge [sflag:s7], $0x1F40  }
0x188: {  	[sflag:s7] =	ssyncset.done $0x0  }
0x189: {  	s15 =	sadd.s32 $0x2B00, s14;
	[sflag:s7] =	ssyncadd.s32 $0xFFFFE0C0  }
0x18a: {  	[spmem:s3] =	stream.indirect.scatter.add.f32 [tilespmem:s28], [sflag:$0x7], $0x40, s15, s24, $0xb8;
	[tilespmem:$0x19C40] =	vst v63  }
0x18b: {  	_ =	swait.ge [sflag:s26], $0x1F40  }
0x18c: {  	[sflag:s26] =	ssyncset.done $0x0  }
0x18d: {  	s15 =	sadd.s32 $0x500, s14;
	[sflag:s26] =	ssyncadd.s32 $0xFFFFE0C0  }
0x18e: {  	[tilespmem:s25], [sflag:$0x1] =	stream.indirect.gather [hbm4b:s5+s24], $0x40, s15, s24, $0xb8;
	[tilespmem:$0x19C40] =	vst v63  }
0x18f: {  	_ =	swait.ge [sflag:s31], $0x1F40  }
0x190: {  	[sflag:s31] =	ssyncset.done $0x0  }
0x191: {  	s15 =	sadd.s32 $0x2B80, s14;
	[sflag:s31] =	ssyncadd.s32 $0xFFFFE0C0  }
0x192: {  	[spmem:s3] =	stream.indirect.scatter.add.f32 [tilespmem:s30], [sflag:$0x8], $0x40, s15, s24, $0xb8;
	[tilespmem:$0x19C40] =	vst v63  }
0x193: {  	_ =	swait.ge [sflag:s4], $0x1F40  }
0x194: {  	[sflag:s4] =	ssyncset.done $0x0  }
0x195: {  	s15 =	sadd.s32 $0x580, s14;
	[sflag:s4] =	ssyncadd.s32 $0xFFFFE0C0  }
0x196: {  	[tilespmem:s28], [sflag:$0x2] =	stream.indirect.gather [hbm4b:s5+s24], $0x40, s15, s24, $0xb8;
	[tilespmem:$0x19C40] =	vst v63  }
0x197: {  	_ =	swait.ge [sflag:s29], $0x1F40  }
0x198: {  	[sflag:s29] =	ssyncset.done $0x0  }
0x199: {  	s15 =	sadd.s32 $0x2C00, s14;
	[sflag:s29] =	ssyncadd.s32 $0xFFFFE0C0  }
0x19a: {  	[spmem:s3] =	stream.indirect.scatter.add.f32 [tilespmem:s1], [sflag:$0x9], $0x40, s15, s24, $0xb8;
	[tilespmem:$0x19C40] =	vst v63  }
0x19b: {  	_ =	swait.ge [sflag:s9], $0x1F40  }
0x19c: {  	[sflag:s9] =	ssyncset.done $0x0  }
.Ltmp2:
0x19d: {  	s15 =	sadd.s32 $0x600, s14;
	[sflag:s9] =	ssyncadd.s32 $0xFFFFE0C0;
	(pc) =	sbr.rel @p0 .LBB2_6-.Ltmp2, $4  }
0x19e: {  	[tilespmem:s30], [sflag:$0x3] =	stream.indirect.gather [hbm4b:s5+s24], $0x40, s15, s24, $0xb8;
	[tilespmem:$0x19C40] =	vst v63  }
0x19f: {  	_ =	swait.ge [sflag:s20], $0x1F40  }
0x1a0: {  	[sflag:s20] =	ssyncset.done $0x0  }
0x1a1: {  	s14 =	sadd.s32 $0x2C80, s14;
	[sflag:s20] =	ssyncadd.s32 $0xFFFFE0C0  }
0x1a2: {  	[spmem:s3] =	stream.indirect.scatter.add.f32 [tilespmem:s6], [sflag:$0xA], $0x40, s14, s24, $0xb8;
	[tilespmem:$0x19C40] =	vst v63  }
0x1a3: {  	_ =	swait.ge [sflag:s18], $0x1F40  }
0x1a4: {  	s13 =	sshra.s32 s13, $0x2;
	[sflag:s18] =	ssyncset.done $0x0  }
0x1a5: {  	s15 =	sadd.s32 $0x400, s13;
	[sflag:s18] =	ssyncadd.s32 $0xFFFFE0C0  }
0x1a6: {  	[tilespmem:s1], [sflag:$0x4] =	stream.indirect.gather [hbm4b:s5+s24], $0x40, s15, s24, $0xb8;
	[tilespmem:$0x19C40] =	vst v63  }
0x1a7: {  	_ =	swait.ge [sflag:s2], $0x1F40  }
0x1a8: {  	[sflag:s2] =	ssyncset.done $0x0  }
0x1a9: {  	s15 =	sadd.s32 $0x2A80, s13;
	[sflag:s2] =	ssyncadd.s32 $0xFFFFE0C0  }
0x1aa: {  	[spmem:s3] =	stream.indirect.scatter.add.f32 [tilespmem:s25], [sflag:$0x6], $0x40, s15, s24, $0xb8;
	[tilespmem:$0x19C40] =	vst v63  }
0x1ab: {  	_ =	swait.ge [sflag:s22], $0x1F40  }
0x1ac: {  	[sflag:s22] =	ssyncset.done $0x0  }
0x1ad: {  	s15 =	simm.s32 $0x2780;
	[sflag:s22] =	ssyncadd.s32 $0xFFFFE0C0  }
0x1ae: {  	[tilespmem:s6], [sflag:$0x5] =	stream.indirect.gather [hbm4b:s5+s24], $0x40, s15, s24, $0xb8;
	[tilespmem:$0x19C40] =	vst v63  }
0x1af: {  	_ =	swait.ge [sflag:s7], $0x1F40  }
0x1b0: {  	[sflag:s7] =	ssyncset.done $0x0  }
0x1b1: {  	s15 =	sadd.s32 $0x2B00, s13;
	[sflag:s7] =	ssyncadd.s32 $0xFFFFE0C0  }
0x1b2: {  	[spmem:s3] =	stream.indirect.scatter.add.f32 [tilespmem:s28], [sflag:$0x7], $0x40, s15, s24, $0xb8;
	[tilespmem:$0x19C40] =	vst v63  }
0x1b3: {  	_ =	swait.ge [sflag:s26], $0x1F40  }
0x1b4: {  	[sflag:s26] =	ssyncset.done $0x0  }
0x1b5: {  	[sflag:s26] =	ssyncadd.s32 $0xFFFFE0C0  }
0x1b6: {  	_ =	swait.ge [sflag:s31], $0x1F40  }
0x1b7: {  	[sflag:s31] =	ssyncset.done $0x0  }
0x1b8: {  	s15 =	sadd.s32 $0x2B80, s13;
	[sflag:s31] =	ssyncadd.s32 $0xFFFFE0C0  }
0x1b9: {  	[spmem:s3] =	stream.indirect.scatter.add.f32 [tilespmem:s30], [sflag:$0x8], $0x40, s15, s24, $0xb8;
	[tilespmem:$0x19C40] =	vst v63  }
0x1ba: {  	_ =	swait.ge [sflag:s4], $0x1F40  }
0x1bb: {  	[sflag:s4] =	ssyncset.done $0x0  }
0x1bc: {  	[sflag:s4] =	ssyncadd.s32 $0xFFFFE0C0  }
0x1bd: {  	_ =	swait.ge [sflag:s29], $0x1F40  }
0x1be: {  	[sflag:s29] =	ssyncset.done $0x0  }
0x1bf: {  	s13 =	sadd.s32 $0x2C00, s13;
	[sflag:s29] =	ssyncadd.s32 $0xFFFFE0C0  }
0x1c0: {  	[spmem:s3] =	stream.indirect.scatter.add.f32 [tilespmem:s1], [sflag:$0x9], $0x40, s13, s24, $0xb8;
	[tilespmem:$0x19C40] =	vst v63  }
0x1c1: {  	_ =	swait.ge [sflag:s9], $0x1F40  }
0x1c2: {  	[sflag:s9] =	ssyncset.done $0x0  }
0x1c3: {  	[sflag:s9] =	ssyncadd.s32 $0xFFFFE0C0  }
0x1c4: {  	_ =	swait.ge [sflag:s20], $0x1F40  }
0x1c5: {  	[sflag:s20] =	ssyncset.done $0x0  }
0x1c6: {  	s15 =	simm.s32 $0x4F80;
	[sflag:s20] =	ssyncadd.s32 $0xFFFFE0C0  }
0x1c7: {  	[spmem:s3] =	stream.indirect.scatter.add.f32 [tilespmem:s6], [sflag:$0xA], $0x40, s15, s24, $0xb8;
	[tilespmem:$0x19C40] =	vst v63  }
0x1c8: {  	_ =	swait.ge [sflag:s18], $0x1F40  }
0x1c9: {  	[sflag:s18] =	ssyncset.done $0x0  }
0x1ca: {  	[sflag:s18] =	ssyncadd.s32 $0xFFFFE0C0  }
0x1cb: {  	_ =	swait.ge [sflag:s22], $0x1F40  }
0x1cc: {  	[sflag:s22] =	ssyncset.done $0x0  }
0x1cd: {  	[sflag:s22] =	ssyncadd.s32 $0xFFFFE0C0  }
0x1ce: {  	[bflag:$0x0] =	sbarrier.arrive $0xFFFF  }
0x1cf: {  	s15 =	simm.s32 $0x10;
	s14 =	rddreg [dreg:$0xe]  }
0x1d0: {  	[hbm:s14@s15], [sflag:s11] =	dma.strided [spmem:s12@s9], $0x1400, s2, $0x8   }
0x1d1: {  	_ =	swait.ge [sflag:s21], $0x1400  }
0x1d2: {  	s10 =	sadd.s32 $0x1, s10;
	s15 =	rddreg [dreg:$0x6]  }
0x1d3: {  	p0 =	sne.s32 s10, s15  }
.Ltmp3:
0x1d4: {  	_ = 	snop;
	(pc) =	sbr.rel @p0 .LBB2_1-.Ltmp3, $3  }
0x1d5: {  	_ =	sdelay $0x1  }
0x1d6: {  	[sflag:s21] =	ssyncset.done $0x0  }
0x1d7: {  	[sflag:s21] =	ssyncadd.s32 $0xFFFFEC00;
	s15 =	smov.u32 s16  }
0x1d8: {  	_ =	sfence.sel $0x180000  }
0x1d9: {  	[bflag:$0x0] =	sbarrier.arrive $0xFFFF  }
0x1da: {  	_ =	strace $0x9000004A  }
0x1db: {  	s0 =	stileid.u32;
	[bflag:$0x2] =	sbarrier.arrive $0xFFFF  }
0x1dc: {  	p0 =	sne.s32 s0, $0x0;
	s0 =	rddreg [dreg:$0x3]  }
0x1dd: {  	s0 =	sadd.s32 @!p0 $0x100000, s0  }
0x1de: {  	[sflag:s0] =	ssyncadd.tile.s32 @!p0 $0x1;
	_ =	shalt  }
.Lfunc_end2:
_tile_overlayer_lowered:
.L_overlay_start_2:
0x1df: {  	(tag) =	ssettag $0x2  }
0x1e0: {  	s0 =	rddreg [dreg:$0x0];
	s2 =	stileid.u32  }
0x1e1: {  	s1 =	rddreg [dreg:$0x1];
	p0 =	sne.s32 s2, $0x0  }
0x1e2: {  	s3 =	rddreg [dreg:$0x2];
	[bflag:$0x3] =	sbarrier.arrive $0xFFFF;
	s2 =	simm.s32 @!p0 $0x1C0B  }
0x1e3: {  	[timem:s3], [sflag:s2] =	dma.local @!p0 [hbm:s0], s1  }
0x1e4: {  	s0 =	simm.s32 @!p0 $0xB  }
0x1e5: {  	_ =	swait.ge @!p0 [sflag:s0], s1  }
0x1e6: {  	s1 =	ssub.s32 @!p0 $0x0, s1;
	[sflag:s0] =	ssyncset.done @!p0 $0x0  }
0x1e7: {  	[sflag:s0] =	ssyncadd.s32 @!p0 s1  }
0x1e8: {  	[bflag:$0x3] =	sbarrier.arrive $0xFFFF  }
0x1e9: {  	_ =	shalt  }

</sc_bundles>
